<compile_context>
chip_gen: v7x
topology: tpu7x:2x2x1
jax: 0.10.2.dev20260603
libtpu: 0.0.44.dev20260713+nightly
codegen_flags: <defaults>
</compile_context>

<pallas_src>
import functools

import jax
import jax.numpy as jnp
from jax import lax
from jax.experimental import pallas as pl
from jax.experimental.pallas import tpu as pltpu
from jax.experimental.pallas import tpu_sc as plsc

N = 10000
E = 320000
D = 128
H = 64
W = 128

NC = 2
NS = 16
NW = NC * NS
EPW = E // NW
CE = 160
NPAIR = 31
CT = 80
CG = 200
NGCHUNK = EPW // CG
NP = 10240
RPT = NP // NS

_f32 = jnp.float32
_bf16 = jnp.bfloat16


def _sc_mesh():
    return plsc.VectorSubcoreMesh(core_axis_name="c", subcore_axis_name="s")


@functools.partial(
    pl.kernel,
    out_type=[jax.ShapeDtypeStruct((NC, NP, W), _f32)],
    mesh=_sc_mesh(),
    scratch_types=[
        pltpu.VMEM((CE,), jnp.int32), pltpu.VMEM((CE,), jnp.int32),
        pltpu.VMEM((CE,), jnp.int32), pltpu.VMEM((CE,), jnp.int32),
        pltpu.VMEM((CT,), jnp.int32), pltpu.VMEM((CT,), jnp.int32),
        pltpu.VMEM((CE, W), _f32), pltpu.VMEM((CE, W), _f32),
        pltpu.VMEM_SHARED((NP, W), _f32),
        pltpu.SemaphoreType.DMA, pltpu.SemaphoreType.DMA,
        pltpu.SemaphoreType.DMA, pltpu.SemaphoreType.DMA,
    ],
)
def _segsum(t_hbm, src_hbm, dst_hbm, zeros_hbm, sum_out,
            src0, dst0, src1, dst1, src_t, dst_t, rows0, rows1,
            acc, g0, g1, s0, s1):
    c = lax.axis_index("c")
    s = lax.axis_index("s")
    wid = c * NS + s
    ebase = wid * EPW

    pltpu.sync_copy(zeros_hbm, rows0.at[pl.ds(0, CE)])
    for j in range(RPT // CE):
        pltpu.sync_copy(rows0.at[pl.ds(0, CE)],
                        acc.at[pl.ds(s * RPT + j * CE, CE)])
    plsc.subcore_barrier()

    pltpu.sync_copy(src_hbm.at[pl.ds(ebase, CE)], src0)
    pltpu.sync_copy(dst_hbm.at[pl.ds(ebase, CE)], dst0)
    pltpu.async_copy(t_hbm.at[src0], rows0, g0)

    def pair(i2, carry):
        base_b = ebase + (2 * i2 + 1) * CE
        pltpu.sync_copy(src_hbm.at[pl.ds(base_b, CE)], src1)
        pltpu.sync_copy(dst_hbm.at[pl.ds(base_b, CE)], dst1)
        pltpu.make_async_copy(t_hbm.at[src0], rows0, g0).wait()
        pltpu.async_copy(rows0, acc.at[dst0], s0, add=True)
        pltpu.async_copy(t_hbm.at[src1], rows1, g1)
        pltpu.make_async_copy(rows0, acc.at[dst0], s0).wait()

        @pl.when(i2 < NPAIR - 1)
        def _():
            base_a = ebase + (2 * i2 + 2) * CE
            pltpu.sync_copy(src_hbm.at[pl.ds(base_a, CE)], src0)
            pltpu.sync_copy(dst_hbm.at[pl.ds(base_a, CE)], dst0)
            pltpu.async_copy(t_hbm.at[src0], rows0, g0)

        pltpu.make_async_copy(t_hbm.at[src1], rows1, g1).wait()
        pltpu.async_copy(rows1, acc.at[dst1], s1, add=True)
        pltpu.make_async_copy(rows1, acc.at[dst1], s1).wait()
        return carry

    lax.fori_loop(0, NPAIR, pair, 0)

    tbase = ebase + 2 * NPAIR * CE
    pltpu.sync_copy(src_hbm.at[pl.ds(tbase, CT)], src_t)
    pltpu.sync_copy(dst_hbm.at[pl.ds(tbase, CT)], dst_t)
    pltpu.async_copy(t_hbm.at[src_t], rows0.at[pl.ds(0, CT)], g0).wait()
    pltpu.sync_copy(rows0.at[pl.ds(0, CT)], acc.at[dst_t], add=True)
    plsc.subcore_barrier()

    for j in range(RPT // CE):
        pltpu.sync_copy(acc.at[pl.ds(s * RPT + j * CE, CE)],
                        sum_out.at[c, pl.ds(s * RPT + j * CE, CE)])


NH = 2
EH = E // NH
EPH = EPW // NH
NGC_H = EPH // CG
NGPAIR = NGC_H // 2


def _make_edge_gather(half):
    @functools.partial(
        pl.kernel,
        out_type=[jax.ShapeDtypeStruct((EH, W), _f32)],
        mesh=_sc_mesh(),
        scratch_types=[
            pltpu.VMEM((CG,), jnp.int32), pltpu.VMEM((CG,), jnp.int32),
            pltpu.VMEM((CG,), jnp.int32), pltpu.VMEM((CG,), jnp.int32),
            pltpu.VMEM((CG, W), _f32), pltpu.VMEM((CG, W), _f32),
            pltpu.VMEM((CG, W), _f32), pltpu.VMEM((CG, W), _f32),
            pltpu.SemaphoreType.DMA, pltpu.SemaphoreType.DMA,
            pltpu.SemaphoreType.DMA, pltpu.SemaphoreType.DMA,
            pltpu.SemaphoreType.DMA, pltpu.SemaphoreType.DMA,
        ],
    )
    def k(t_hbm, src_hbm, dst_hbm, hsd_out,
          src0, dst0, src1, dst1, rs0, rd0, rs1, rd1,
          gs0, gd0, gs1, gd1, ws0, ws1):
        c = lax.axis_index("c")
        s = lax.axis_index("s")
        wid = c * NS + s
        ebase = half * EH + wid * EPH
        obase = wid * EPH

        def idx_load(i, sv, dv):
            base = ebase + i * CG
            pltpu.sync_copy(src_hbm.at[pl.ds(base, CG)], sv)
            pltpu.sync_copy(dst_hbm.at[pl.ds(base, CG)], dv)

        def fire_gathers(sv, dv, rs, rd, gs, gd):
            pltpu.async_copy(t_hbm.at[sv], rs, gs)
            pltpu.async_copy(t_hbm.at[dv], rd, gd)

        def do_chunk(sv, dv, rs, rd, gs, gd):
            pltpu.make_async_copy(t_hbm.at[sv], rs, gs).wait()
            pltpu.make_async_copy(t_hbm.at[dv], rd, gd).wait()

            def cp(i, carry):
                for kk in range(H // 16):
                    rs[i, pl.ds(H + 16 * kk, 16)] = (
                        rd[i, pl.ds(H + 16 * kk, 16)])
                return carry

            lax.fori_loop(0, CG, cp, 0)

        def fire_write(i, rs, ws):
            pltpu.async_copy(rs, hsd_out.at[pl.ds(obase + i * CG, CG)], ws)

        def wait_write(i, rs, ws):
            pltpu.make_async_copy(rs, hsd_out.at[pl.ds(obase + i * CG, CG)],
                                  ws).wait()

        idx_load(0, src0, dst0)
        fire_gathers(src0, dst0, rs0, rd0, gs0, gd0)

        def pair(i2, carry):
            a = 2 * i2
            b = a + 1
            idx_load(b, src1, dst1)
            do_chunk(src0, dst0, rs0, rd0, gs0, gd0)
            fire_write(a, rs0, ws0)
            fire_gathers(src1, dst1, rs1, rd1, gs1, gd1)
            wait_write(a, rs0, ws0)

            idx_load(a + 2, src0, dst0)
            fire_gathers(src0, dst0, rs0, rd0, gs0, gd0)

            do_chunk(src1, dst1, rs1, rd1, gs1, gd1)
            fire_write(b, rs1, ws1)
            wait_write(b, rs1, ws1)
            return carry

        lax.fori_loop(0, NGPAIR, pair, 0)

        tail = NGC_H - 1
        do_chunk(src0, dst0, rs0, rd0, gs0, gd0)
        fire_write(tail, rs0, ws0)
        wait_write(tail, rs0, ws0)

    return k


_edge_gather_halves = tuple(_make_edge_gather(h) for h in range(NH))


def _proj_body(x_ref, wl_ref, wr_ref, b_ref, t_ref, r_ref):
    xx = x_ref[...]
    p = jnp.dot(xx, wl_ref[...], preferred_element_type=_f32)
    t_ref[...] = jnp.concatenate([p, jnp.ones((N, H), _f32)], axis=-1)
    r_ref[...] = (jnp.dot(xx, wr_ref[...], preferred_element_type=_f32)
                  + b_ref[...])


def _bn_relu(pre, g, be):
    mu = jnp.mean(pre, axis=0, keepdims=True)
    var = jnp.mean((pre - mu) ** 2, axis=0, keepdims=True)
    hh = g * (pre - mu) / jnp.sqrt(var + 1e-5) + be
    return jnp.maximum(hh, 0.0)


def _combine1_body(s_ref, r_ref, g_ref, be_ref, wl_ref, wr_ref,
                   b2_ref, t2_ref, r2_ref, dinv_ref):
    deg = s_ref[0, 0:N, H:H + 1] + s_ref[1, 0:N, H:H + 1]
    dinv = 1.0 / jnp.maximum(deg, 1.0)
    agg = (s_ref[0, 0:N, 0:H] + s_ref[1, 0:N, 0:H]) * dinv
    hh = _bn_relu(agg + r_ref[...], g_ref[...], be_ref[...])
    p2 = jnp.dot(hh, wl_ref[...], preferred_element_type=_f32)
    t2_ref[...] = jnp.concatenate([p2, jnp.ones((N, H), _f32)], axis=-1)
    r2_ref[...] = (jnp.dot(hh, wr_ref[...], preferred_element_type=_f32)
                   + b2_ref[...])
    dinv_ref[...] = dinv


def _combine2_body(s_ref, dinv_ref, r_ref, g_ref, be_ref, t_ref):
    agg = (s_ref[0, 0:N, 0:H] + s_ref[1, 0:N, 0:H]) * dinv_ref[...]
    hh = _bn_relu(agg + r_ref[...], g_ref[...], be_ref[...])
    t_ref[...] = jnp.concatenate([hh, hh], axis=-1)


def _edge_mlp_body(hsd_ref, eat_ref, tbt_ref, w1sd_ref, w1e_ref, w1t_ref,
                   b1_ref, w2_ref, b2_ref, w3_ref, b3t_ref, out_ref):
    z = jnp.dot(hsd_ref[...].astype(_bf16), w1sd_ref[...].astype(_bf16),
                preferred_element_type=_f32)
    z = z + lax.dot_general(eat_ref[...], w1e_ref[...],
                            (((0,), (0,)), ((), ())),
                            preferred_element_type=_f32)
    z = z + lax.dot_general(tbt_ref[...], w1t_ref[...],
                            (((0,), (0,)), ((), ())),
                            preferred_element_type=_f32)
    z = jnp.maximum(z + b1_ref[...], 0.0)
    z = jnp.maximum(
        jnp.dot(z.astype(_bf16), w2_ref[...].astype(_bf16),
                preferred_element_type=_f32) + b2_ref[...],
        0.0)
    out_ref[...] = lax.dot_general(w3_ref[...], z, (((0,), (1,)), ((), ())),
                                   preferred_element_type=_f32) + b3t_ref[...]


def kernel(x, edge_index, edge_attr, tabular_features, Wl1, Wr1, b1,
           Wl2, Wr2, b2, g1, be1, g2, be2, W1c, b1c, W2c, b2c, W3c, b3c):
    src = edge_index[0]
    dst = edge_index[1]
    zeros_ce = jnp.zeros((CE, W), _f32)

    t1, r1 = pl.pallas_call(
        _proj_body,
        out_shape=[jax.ShapeDtypeStruct((N, W), _f32),
                   jax.ShapeDtypeStruct((N, H), _f32)],
    )(x, Wl1, Wr1, b1.reshape(1, H))
    (s1,) = _segsum(t1, src, dst, zeros_ce)
    t2, r2, dinv = pl.pallas_call(
        _combine1_body,
        out_shape=[jax.ShapeDtypeStruct((N, W), _f32),
                   jax.ShapeDtypeStruct((N, H), _f32),
                   jax.ShapeDtypeStruct((N, 1), _f32)],
    )(s1, r1, g1.reshape(1, H), be1.reshape(1, H), Wl2, Wr2,
      b2.reshape(1, H))

    (s2,) = _segsum(t2, src, dst, zeros_ce)
    h_tab = pl.pallas_call(
        _combine2_body,
        out_shape=jax.ShapeDtypeStruct((N, W), _f32),
    )(s2, dinv, r2, g2.reshape(1, H), be2.reshape(1, H))

    halves = [g(h_tab, src, dst)[0] for g in _edge_gather_halves]

    w1sd = W1c[0:2 * H]
    w1e = W1c[2 * H:2 * H + 16]
    w1t = W1c[2 * H + 16:]
    BE = 3200
    NBH = EH // BE
    c_out = W3c.shape[1]
    full = lambda shp: pl.BlockSpec(shp, lambda i: (0, 0))
    outs = []
    for h, h_sd in enumerate(halves):
        col = lambda i, h=h: (0, i + h * NBH)
        outs.append(pl.pallas_call(
            _edge_mlp_body,
            grid=(NBH,),
            in_specs=[
                pl.BlockSpec((BE, W), lambda i: (i, 0)),
                pl.BlockSpec((16, BE), col),
                pl.BlockSpec((8, BE), col),
                full((2 * H, 128)),
                full((16, 128)), full((8, 128)),
                full((1, 128)), full((128, H)), full((1, H)),
                full((H, c_out)), full((c_out, 1)),
            ],
            out_specs=pl.BlockSpec((c_out, BE), lambda i: (0, i)),
            out_shape=jax.ShapeDtypeStruct((c_out, EH), _f32),
        )(h_sd, edge_attr.T, tabular_features.T, w1sd, w1e, w1t,
          b1c.reshape(1, 128), W2c, b2c.reshape(1, H), W3c,
          b3c.reshape(c_out, 1)))
    return jnp.concatenate(outs, axis=1).T

# --- scband reference (transcript-rebuilt; emitter-appended) ---
"""Pipeline reference for scband-hybrid-model-20255065768517 (READ-ONLY COPY).

The authoritative reference and input builder live on the scoring server;
editing this copy changes nothing except your own understanding.
"""

import jax, jax.numpy as jnp
import numpy as np

N = 10000
E = 320000
D = 128
H = 64
DE = 16
DT = 8
C = 3

def setup_inputs(seed: int = 0):
    key = jax.random.key(seed)
    ks = jax.random.split(key, 16)
    def w(k, shape):
        return jax.random.normal(k, shape, jnp.float32) / np.sqrt(shape[0])
    inp = {}
    inp['x'] = jax.random.normal(ks[0], (N, D), jnp.float32)
    inp['edge_index'] = jax.random.randint(ks[1], (2, E), 0, N, dtype=jnp.int32)
    inp['edge_attr'] = jax.random.normal(ks[2], (E, DE), jnp.float32)
    inp['tabular_features'] = jax.random.normal(ks[3], (E, DT), jnp.float32)
    inp['Wl1'] = w(ks[4], (D, H)); inp['Wr1'] = w(ks[5], (D, H)); inp['b1'] = jnp.zeros((H,), jnp.float32)
    inp['Wl2'] = w(ks[6], (H, H)); inp['Wr2'] = w(ks[7], (H, H)); inp['b2'] = jnp.zeros((H,), jnp.float32)
    inp['g1'] = jnp.ones((H,), jnp.float32); inp['be1'] = jnp.zeros((H,), jnp.float32)
    inp['g2'] = jnp.ones((H,), jnp.float32); inp['be2'] = jnp.zeros((H,), jnp.float32)
    CD = 2 * H + DE + DT
    inp['W1c'] = w(ks[8], (CD, 128)); inp['b1c'] = jnp.zeros((128,), jnp.float32)
    inp['W2c'] = w(ks[9], (128, 64)); inp['b2c'] = jnp.zeros((64,), jnp.float32)
    inp['W3c'] = w(ks[10], (64, C)); inp['b3c'] = jnp.zeros((C,), jnp.float32)
    return inp

def _sage(x, src, dst, Wl, Wr, b):
    msg = x[src]
    agg = jax.ops.segment_sum(msg, dst, num_segments=N)
    deg = jax.ops.segment_sum(jnp.ones((src.shape[0],), x.dtype), dst, num_segments=N)
    agg = agg / jnp.maximum(deg, 1.0)[:, None]
    return agg @ Wl + b + x @ Wr

def _bn(x, g, b):
    mu = jnp.mean(x, axis=0)
    var = jnp.var(x, axis=0)
    return g * (x - mu) / jnp.sqrt(var + 1e-5) + b

def reference(x, edge_index, edge_attr, tabular_features, Wl1, Wr1, b1, Wl2, Wr2, b2, g1, be1, g2, be2, W1c, b1c, W2c, b2c, W3c, b3c):
    src = edge_index[0]; dst = edge_index[1]
    h = jax.nn.relu(_bn(_sage(x, src, dst, Wl1, Wr1, b1), g1, be1))
    h = jax.nn.relu(_bn(_sage(h, src, dst, Wl2, Wr2, b2), g2, be2))
    edge_repr = jnp.concatenate([h[src], h[dst], edge_attr, tabular_features], axis=-1)
    z = jax.nn.relu(edge_repr @ W1c + b1c)
    z = jax.nn.relu(z @ W2c + b2c)
    return z @ W3c + b3c

if __name__ == "__main__":
    import jax
    _d = setup_inputs()
    print(jax.jit(kernel)(*tuple(_d.values())))

</pallas_src>

<mosaic_0001>
#map = affine_map<(d0, d1) -> (0, 0)>
#map1 = affine_map<(d0, d1) -> (0)>
#map2 = affine_map<(d0, d1) -> (0, 0, 0)>
module attributes {stable_mosaic.version = 14 : i64} {
  func.func @_segsum(%arg0: i32, %arg1: i32, %arg2: memref<10000x128xf32, #tpu.memory_space<hbm>>, %arg3: memref<320000xi32, #tpu.memory_space<hbm>>, %arg4: memref<320000xi32, #tpu.memory_space<hbm>>, %arg5: memref<160x128xf32, #tpu.memory_space<hbm>>, %arg6: memref<2x10240x128xf32, #tpu.memory_space<hbm>>, %arg7: memref<160xi32, #tpu.memory_space<vmem>>, %arg8: memref<160xi32, #tpu.memory_space<vmem>>, %arg9: memref<160xi32, #tpu.memory_space<vmem>>, %arg10: memref<160xi32, #tpu.memory_space<vmem>>, %arg11: memref<80xi32, #tpu.memory_space<vmem>>, %arg12: memref<80xi32, #tpu.memory_space<vmem>>, %arg13: memref<160x128xf32, #tpu.memory_space<vmem>>, %arg14: memref<160x128xf32, #tpu.memory_space<vmem>>, %arg15: memref<10240x128xf32, #tpu.memory_space<vmem_shared>>, %arg16: memref<!tpu.dma_semaphore, #tpu.memory_space<semaphore_mem>>, %arg17: memref<!tpu.dma_semaphore, #tpu.memory_space<semaphore_mem>>, %arg18: memref<!tpu.dma_semaphore, #tpu.memory_space<semaphore_mem>>, %arg19: memref<!tpu.dma_semaphore, #tpu.memory_space<semaphore_mem>>) attributes {dimension_semantics = [#tpu.dimension_semantics<core_parallel>, #tpu.dimension_semantics<subcore_parallel>], iteration_bounds = array<i64: 2, 16>, scalar_prefetch = 0 : i64, scratch_operands = 13 : i64, tpu.core_type = #tpu.core_type<sc_vector_subcore>, window_params = [{transform_indices = #map}, {transform_indices = #map1}, {transform_indices = #map1}, {transform_indices = #map}, {transform_indices = #map2}]} {
    %mul3A = arith.constant 16 : i32
    %mul3A_0 = arith.muli %arg0, %mul3A : i32
    %add3A = arith.addi %mul3A_0, %arg1 : i32
    %mul3A_1 = arith.constant 10000 : i32
    %mul3A_2 = arith.muli %add3A, %mul3A_1 : i32
    "tpu.region"() ({
      %run_scoped3A = tpu.sem_alloc : memref<!tpu.dma_semaphore, #tpu.memory_space<semaphore_mem>>
      %dma_start3A_72 = arith.constant 0 : i32
      %dma_start3A_73 = arith.constant 0 : i32
      %dma_start3A_74 = tpu.memref_slice %arg13[%dma_start3A_72, %dma_start3A_73] : memref<160x128xf32, #tpu.memory_space<vmem>> -> memref<160x128xf32, #tpu.memory_space<vmem>>
      %dma_start3A_75 = arith.constant 0 : i32
      %dma_start3A_76 = arith.constant 0 : i32
      %dma_start3A_77 = tpu.memref_slice %arg13[%dma_start3A_75, %dma_start3A_76] : memref<160x128xf32, #tpu.memory_space<vmem>> -> memref<160x128xf32, #tpu.memory_space<vmem>>
      tpu.enqueue_dma source(%arg5 : memref<160x128xf32, #tpu.memory_space<hbm>>) target(%dma_start3A_77 : memref<160x128xf32, #tpu.memory_space<vmem>>) target_semaphore(%run_scoped3A : memref<!tpu.dma_semaphore, #tpu.memory_space<semaphore_mem>>)
      %dma_wait3A_78 = arith.constant 0 : i32
      %dma_wait3A_79 = arith.constant 0 : i32
      %dma_wait3A_80 = tpu.memref_slice %arg13[%dma_wait3A_78, %dma_wait3A_79] : memref<160x128xf32, #tpu.memory_space<vmem>> -> memref<160x128xf32, #tpu.memory_space<vmem>>
      %dma_wait3A_81 = arith.constant 0 : i32
      %dma_wait3A_82 = arith.constant 0 : i32
      %dma_wait3A_83 = tpu.memref_slice %arg13[%dma_wait3A_81, %dma_wait3A_82] : memref<160x128xf32, #tpu.memory_space<vmem>> -> memref<160x128xf32, #tpu.memory_space<vmem>>
      tpu.wait_dma2 semaphore(%run_scoped3A : memref<!tpu.dma_semaphore, #tpu.memory_space<semaphore_mem>>) src(%arg5 : memref<160x128xf32, #tpu.memory_space<hbm>>) dst(%dma_wait3A_83 : memref<160x128xf32, #tpu.memory_space<vmem>>)
      tpu.yield
    }) : () -> ()
    %mul3A_3 = arith.constant 640 : i32
    %mul3A_4 = arith.muli %arg1, %mul3A_3 : i32
    %add3A_5 = arith.constant 0 : i32
    %add3A_6 = arith.addi %mul3A_4, %add3A_5 : i32
    "tpu.region"() ({
      %run_scoped3A = tpu.sem_alloc : memref<!tpu.dma_semaphore, #tpu.memory_space<semaphore_mem>>
      %dma_start3A_72 = arith.constant 0 : i32
      %dma_start3A_73 = arith.constant 0 : i32
      %dma_start3A_74 = tpu.memref_slice %arg13[%dma_start3A_72, %dma_start3A_73] : memref<160x128xf32, #tpu.memory_space<vmem>> -> memref<160x128xf32, #tpu.memory_space<vmem>>
      %dma_start3A_75 = arith.constant 0 : i32
      %dma_start3A_76 = tpu.memref_slice %arg15[%add3A_6, %dma_start3A_75] : memref<10240x128xf32, #tpu.memory_space<vmem_shared>> -> memref<160x128xf32, #tpu.memory_space<vmem_shared>>
      %dma_start3A_77 = arith.constant 0 : i32
      %dma_start3A_78 = tpu.memref_slice %arg15[%add3A_6, %dma_start3A_77] : memref<10240x128xf32, #tpu.memory_space<vmem_shared>> -> memref<160x128xf32, #tpu.memory_space<vmem_shared>>
      %dma_start3A_79 = arith.constant 0 : i32
      %dma_start3A_80 = arith.constant 0 : i32
      %dma_start3A_81 = tpu.memref_slice %arg13[%dma_start3A_79, %dma_start3A_80] : memref<160x128xf32, #tpu.memory_space<vmem>> -> memref<160x128xf32, #tpu.memory_space<vmem>>
      tpu.enqueue_dma source(%dma_start3A_81 : memref<160x128xf32, #tpu.memory_space<vmem>>) target(%dma_start3A_78 : memref<160x128xf32, #tpu.memory_space<vmem_shared>>) target_semaphore(%run_scoped3A : memref<!tpu.dma_semaphore, #tpu.memory_space<semaphore_mem>>)
      %dma_wait3A_82 = arith.constant 0 : i32
      %dma_wait3A_83 = arith.constant 0 : i32
      %dma_wait3A_84 = tpu.memref_slice %arg13[%dma_wait3A_82, %dma_wait3A_83] : memref<160x128xf32, #tpu.memory_space<vmem>> -> memref<160x128xf32, #tpu.memory_space<vmem>>
      %dma_wait3A_85 = arith.constant 0 : i32
      %dma_wait3A_86 = tpu.memref_slice %arg15[%add3A_6, %dma_wait3A_85] : memref<10240x128xf32, #tpu.memory_space<vmem_shared>> -> memref<160x128xf32, #tpu.memory_space<vmem_shared>>
      %dma_wait3A_87 = arith.constant 0 : i32
      %dma_wait3A_88 = tpu.memref_slice %arg15[%add3A_6, %dma_wait3A_87] : memref<10240x128xf32, #tpu.memory_space<vmem_shared>> -> memref<160x128xf32, #tpu.memory_space<vmem_shared>>
      %dma_wait3A_89 = arith.constant 0 : i32
      %dma_wait3A_90 = arith.constant 0 : i32
      %dma_wait3A_91 = tpu.memref_slice %arg13[%dma_wait3A_89, %dma_wait3A_90] : memref<160x128xf32, #tpu.memory_space<vmem>> -> memref<160x128xf32, #tpu.memory_space<vmem>>
      tpu.wait_dma2 semaphore(%run_scoped3A : memref<!tpu.dma_semaphore, #tpu.memory_space<semaphore_mem>>) src(%dma_wait3A_91 : memref<160x128xf32, #tpu.memory_space<vmem>>) dst(%dma_wait3A_88 : memref<160x128xf32, #tpu.memory_space<vmem_shared>>)
      tpu.yield
    }) : () -> ()
    %mul3A_7 = arith.constant 640 : i32
    %mul3A_8 = arith.muli %arg1, %mul3A_7 : i32
    %add3A_9 = arith.constant 160 : i32
    %add3A_10 = arith.addi %mul3A_8, %add3A_9 : i32
    "tpu.region"() ({
      %run_scoped3A = tpu.sem_alloc : memref<!tpu.dma_semaphore, #tpu.memory_space<semaphore_mem>>
      %dma_start3A_72 = arith.constant 0 : i32
      %dma_start3A_73 = arith.constant 0 : i32
      %dma_start3A_74 = tpu.memref_slice %arg13[%dma_start3A_72, %dma_start3A_73] : memref<160x128xf32, #tpu.memory_space<vmem>> -> memref<160x128xf32, #tpu.memory_space<vmem>>
      %dma_start3A_75 = arith.constant 0 : i32
      %dma_start3A_76 = tpu.memref_slice %arg15[%add3A_10, %dma_start3A_75] : memref<10240x128xf32, #tpu.memory_space<vmem_shared>> -> memref<160x128xf32, #tpu.memory_space<vmem_shared>>
      %dma_start3A_77 = arith.constant 0 : i32
      %dma_start3A_78 = tpu.memref_slice %arg15[%add3A_10, %dma_start3A_77] : memref<10240x128xf32, #tpu.memory_space<vmem_shared>> -> memref<160x128xf32, #tpu.memory_space<vmem_shared>>
      %dma_start3A_79 = arith.constant 0 : i32
      %dma_start3A_80 = arith.constant 0 : i32
      %dma_start3A_81 = tpu.memref_slice %arg13[%dma_start3A_79, %dma_start3A_80] : memref<160x128xf32, #tpu.memory_space<vmem>> -> memref<160x128xf32, #tpu.memory_space<vmem>>
      tpu.enqueue_dma source(%dma_start3A_81 : memref<160x128xf32, #tpu.memory_space<vmem>>) target(%dma_start3A_78 : memref<160x128xf32, #tpu.memory_space<vmem_shared>>) target_semaphore(%run_scoped3A : memref<!tpu.dma_semaphore, #tpu.memory_space<semaphore_mem>>)
      %dma_wait3A_82 = arith.constant 0 : i32
      %dma_wait3A_83 = arith.constant 0 : i32
      %dma_wait3A_84 = tpu.memref_slice %arg13[%dma_wait3A_82, %dma_wait3A_83] : memref<160x128xf32, #tpu.memory_space<vmem>> -> memref<160x128xf32, #tpu.memory_space<vmem>>
      %dma_wait3A_85 = arith.constant 0 : i32
      %dma_wait3A_86 = tpu.memref_slice %arg15[%add3A_10, %dma_wait3A_85] : memref<10240x128xf32, #tpu.memory_space<vmem_shared>> -> memref<160x128xf32, #tpu.memory_space<vmem_shared>>
      %dma_wait3A_87 = arith.constant 0 : i32
      %dma_wait3A_88 = tpu.memref_slice %arg15[%add3A_10, %dma_wait3A_87] : memref<10240x128xf32, #tpu.memory_space<vmem_shared>> -> memref<160x128xf32, #tpu.memory_space<vmem_shared>>
      %dma_wait3A_89 = arith.constant 0 : i32
      %dma_wait3A_90 = arith.constant 0 : i32
      %dma_wait3A_91 = tpu.memref_slice %arg13[%dma_wait3A_89, %dma_wait3A_90] : memref<160x128xf32, #tpu.memory_space<vmem>> -> memref<160x128xf32, #tpu.memory_space<vmem>>
      tpu.wait_dma2 semaphore(%run_scoped3A : memref<!tpu.dma_semaphore, #tpu.memory_space<semaphore_mem>>) src(%dma_wait3A_91 : memref<160x128xf32, #tpu.memory_space<vmem>>) dst(%dma_wait3A_88 : memref<160x128xf32, #tpu.memory_space<vmem_shared>>)
      tpu.yield
    }) : () -> ()
    %mul3A_11 = arith.constant 640 : i32
    %mul3A_12 = arith.muli %arg1, %mul3A_11 : i32
    %add3A_13 = arith.constant 320 : i32
    %add3A_14 = arith.addi %mul3A_12, %add3A_13 : i32
    "tpu.region"() ({
      %run_scoped3A = tpu.sem_alloc : memref<!tpu.dma_semaphore, #tpu.memory_space<semaphore_mem>>
      %dma_start3A_72 = arith.constant 0 : i32
      %dma_start3A_73 = arith.constant 0 : i32
      %dma_start3A_74 = tpu.memref_slice %arg13[%dma_start3A_72, %dma_start3A_73] : memref<160x128xf32, #tpu.memory_space<vmem>> -> memref<160x128xf32, #tpu.memory_space<vmem>>
      %dma_start3A_75 = arith.constant 0 : i32
      %dma_start3A_76 = tpu.memref_slice %arg15[%add3A_14, %dma_start3A_75] : memref<10240x128xf32, #tpu.memory_space<vmem_shared>> -> memref<160x128xf32, #tpu.memory_space<vmem_shared>>
      %dma_start3A_77 = arith.constant 0 : i32
      %dma_start3A_78 = tpu.memref_slice %arg15[%add3A_14, %dma_start3A_77] : memref<10240x128xf32, #tpu.memory_space<vmem_shared>> -> memref<160x128xf32, #tpu.memory_space<vmem_shared>>
      %dma_start3A_79 = arith.constant 0 : i32
      %dma_start3A_80 = arith.constant 0 : i32
      %dma_start3A_81 = tpu.memref_slice %arg13[%dma_start3A_79, %dma_start3A_80] : memref<160x128xf32, #tpu.memory_space<vmem>> -> memref<160x128xf32, #tpu.memory_space<vmem>>
      tpu.enqueue_dma source(%dma_start3A_81 : memref<160x128xf32, #tpu.memory_space<vmem>>) target(%dma_start3A_78 : memref<160x128xf32, #tpu.memory_space<vmem_shared>>) target_semaphore(%run_scoped3A : memref<!tpu.dma_semaphore, #tpu.memory_space<semaphore_mem>>)
      %dma_wait3A_82 = arith.constant 0 : i32
      %dma_wait3A_83 = arith.constant 0 : i32
      %dma_wait3A_84 = tpu.memref_slice %arg13[%dma_wait3A_82, %dma_wait3A_83] : memref<160x128xf32, #tpu.memory_space<vmem>> -> memref<160x128xf32, #tpu.memory_space<vmem>>
      %dma_wait3A_85 = arith.constant 0 : i32
      %dma_wait3A_86 = tpu.memref_slice %arg15[%add3A_14, %dma_wait3A_85] : memref<10240x128xf32, #tpu.memory_space<vmem_shared>> -> memref<160x128xf32, #tpu.memory_space<vmem_shared>>
      %dma_wait3A_87 = arith.constant 0 : i32
      %dma_wait3A_88 = tpu.memref_slice %arg15[%add3A_14, %dma_wait3A_87] : memref<10240x128xf32, #tpu.memory_space<vmem_shared>> -> memref<160x128xf32, #tpu.memory_space<vmem_shared>>
      %dma_wait3A_89 = arith.constant 0 : i32
      %dma_wait3A_90 = arith.constant 0 : i32
      %dma_wait3A_91 = tpu.memref_slice %arg13[%dma_wait3A_89, %dma_wait3A_90] : memref<160x128xf32, #tpu.memory_space<vmem>> -> memref<160x128xf32, #tpu.memory_space<vmem>>
      tpu.wait_dma2 semaphore(%run_scoped3A : memref<!tpu.dma_semaphore, #tpu.memory_space<semaphore_mem>>) src(%dma_wait3A_91 : memref<160x128xf32, #tpu.memory_space<vmem>>) dst(%dma_wait3A_88 : memref<160x128xf32, #tpu.memory_space<vmem_shared>>)
      tpu.yield
    }) : () -> ()
    %mul3A_15 = arith.constant 640 : i32
    %mul3A_16 = arith.muli %arg1, %mul3A_15 : i32
    %add3A_17 = arith.constant 480 : i32
    %add3A_18 = arith.addi %mul3A_16, %add3A_17 : i32
    "tpu.region"() ({
      %run_scoped3A = tpu.sem_alloc : memref<!tpu.dma_semaphore, #tpu.memory_space<semaphore_mem>>
      %dma_start3A_72 = arith.constant 0 : i32
      %dma_start3A_73 = arith.constant 0 : i32
      %dma_start3A_74 = tpu.memref_slice %arg13[%dma_start3A_72, %dma_start3A_73] : memref<160x128xf32, #tpu.memory_space<vmem>> -> memref<160x128xf32, #tpu.memory_space<vmem>>
      %dma_start3A_75 = arith.constant 0 : i32
      %dma_start3A_76 = tpu.memref_slice %arg15[%add3A_18, %dma_start3A_75] : memref<10240x128xf32, #tpu.memory_space<vmem_shared>> -> memref<160x128xf32, #tpu.memory_space<vmem_shared>>
      %dma_start3A_77 = arith.constant 0 : i32
      %dma_start3A_78 = tpu.memref_slice %arg15[%add3A_18, %dma_start3A_77] : memref<10240x128xf32, #tpu.memory_space<vmem_shared>> -> memref<160x128xf32, #tpu.memory_space<vmem_shared>>
      %dma_start3A_79 = arith.constant 0 : i32
      %dma_start3A_80 = arith.constant 0 : i32
      %dma_start3A_81 = tpu.memref_slice %arg13[%dma_start3A_79, %dma_start3A_80] : memref<160x128xf32, #tpu.memory_space<vmem>> -> memref<160x128xf32, #tpu.memory_space<vmem>>
      tpu.enqueue_dma source(%dma_start3A_81 : memref<160x128xf32, #tpu.memory_space<vmem>>) target(%dma_start3A_78 : memref<160x128xf32, #tpu.memory_space<vmem_shared>>) target_semaphore(%run_scoped3A : memref<!tpu.dma_semaphore, #tpu.memory_space<semaphore_mem>>)
      %dma_wait3A_82 = arith.constant 0 : i32
      %dma_wait3A_83 = arith.constant 0 : i32
      %dma_wait3A_84 = tpu.memref_slice %arg13[%dma_wait3A_82, %dma_wait3A_83] : memref<160x128xf32, #tpu.memory_space<vmem>> -> memref<160x128xf32, #tpu.memory_space<vmem>>
      %dma_wait3A_85 = arith.constant 0 : i32
      %dma_wait3A_86 = tpu.memref_slice %arg15[%add3A_18, %dma_wait3A_85] : memref<10240x128xf32, #tpu.memory_space<vmem_shared>> -> memref<160x128xf32, #tpu.memory_space<vmem_shared>>
      %dma_wait3A_87 = arith.constant 0 : i32
      %dma_wait3A_88 = tpu.memref_slice %arg15[%add3A_18, %dma_wait3A_87] : memref<10240x128xf32, #tpu.memory_space<vmem_shared>> -> memref<160x128xf32, #tpu.memory_space<vmem_shared>>
      %dma_wait3A_89 = arith.constant 0 : i32
      %dma_wait3A_90 = arith.constant 0 : i32
      %dma_wait3A_91 = tpu.memref_slice %arg13[%dma_wait3A_89, %dma_wait3A_90] : memref<160x128xf32, #tpu.memory_space<vmem>> -> memref<160x128xf32, #tpu.memory_space<vmem>>
      tpu.wait_dma2 semaphore(%run_scoped3A : memref<!tpu.dma_semaphore, #tpu.memory_space<semaphore_mem>>) src(%dma_wait3A_91 : memref<160x128xf32, #tpu.memory_space<vmem>>) dst(%dma_wait3A_88 : memref<160x128xf32, #tpu.memory_space<vmem_shared>>)
      tpu.yield
    }) : () -> ()
    %barrier3A = arith.constant 0 : index
    tpu.barrier barrier_id(%barrier3A)
    "tpu.region"() ({
      %run_scoped3A = tpu.sem_alloc : memref<!tpu.dma_semaphore, #tpu.memory_space<semaphore_mem>>
      %dma_start3A_72 = tpu.memref_slice %arg3[%mul3A_2] : memref<320000xi32, #tpu.memory_space<hbm>> -> memref<160xi32, #tpu.memory_space<hbm>>
      %dma_start3A_73 = tpu.memref_slice %arg3[%mul3A_2] : memref<320000xi32, #tpu.memory_space<hbm>> -> memref<160xi32, #tpu.memory_space<hbm>>
      tpu.enqueue_dma source(%dma_start3A_73 : memref<160xi32, #tpu.memory_space<hbm>>) target(%arg7 : memref<160xi32, #tpu.memory_space<vmem>>) target_semaphore(%run_scoped3A : memref<!tpu.dma_semaphore, #tpu.memory_space<semaphore_mem>>)
      %dma_wait3A_74 = tpu.memref_slice %arg3[%mul3A_2] : memref<320000xi32, #tpu.memory_space<hbm>> -> memref<160xi32, #tpu.memory_space<hbm>>
      %dma_wait3A_75 = tpu.memref_slice %arg3[%mul3A_2] : memref<320000xi32, #tpu.memory_space<hbm>> -> memref<160xi32, #tpu.memory_space<hbm>>
      tpu.wait_dma2 semaphore(%run_scoped3A : memref<!tpu.dma_semaphore, #tpu.memory_space<semaphore_mem>>) src(%dma_wait3A_75 : memref<160xi32, #tpu.memory_space<hbm>>) dst(%arg7 : memref<160xi32, #tpu.memory_space<vmem>>)
      tpu.yield
    }) : () -> ()
    "tpu.region"() ({
      %run_scoped3A = tpu.sem_alloc : memref<!tpu.dma_semaphore, #tpu.memory_space<semaphore_mem>>
      %dma_start3A_72 = tpu.memref_slice %arg4[%mul3A_2] : memref<320000xi32, #tpu.memory_space<hbm>> -> memref<160xi32, #tpu.memory_space<hbm>>
      %dma_start3A_73 = tpu.memref_slice %arg4[%mul3A_2] : memref<320000xi32, #tpu.memory_space<hbm>> -> memref<160xi32, #tpu.memory_space<hbm>>
      tpu.enqueue_dma source(%dma_start3A_73 : memref<160xi32, #tpu.memory_space<hbm>>) target(%arg8 : memref<160xi32, #tpu.memory_space<vmem>>) target_semaphore(%run_scoped3A : memref<!tpu.dma_semaphore, #tpu.memory_space<semaphore_mem>>)
      %dma_wait3A_74 = tpu.memref_slice %arg4[%mul3A_2] : memref<320000xi32, #tpu.memory_space<hbm>> -> memref<160xi32, #tpu.memory_space<hbm>>
      %dma_wait3A_75 = tpu.memref_slice %arg4[%mul3A_2] : memref<320000xi32, #tpu.memory_space<hbm>> -> memref<160xi32, #tpu.memory_space<hbm>>
      tpu.wait_dma2 semaphore(%run_scoped3A : memref<!tpu.dma_semaphore, #tpu.memory_space<semaphore_mem>>) src(%dma_wait3A_75 : memref<160xi32, #tpu.memory_space<hbm>>) dst(%arg8 : memref<160xi32, #tpu.memory_space<vmem>>)
      tpu.yield
    }) : () -> ()
    %dma_start3A = arith.constant 0 : i32
    %dma_start3A_19 = arith.constant 0 : i32
    %dma_start3A_20 = tpu.memref_slice %arg2[%dma_start3A, %dma_start3A_19] : memref<10000x128xf32, #tpu.memory_space<hbm>> -> memref<10000x128xf32, #tpu.memory_space<hbm>>
    tpu.enqueue_indirect_dma source(%dma_start3A_20 : memref<10000x128xf32, #tpu.memory_space<hbm>>) target(%arg13 : memref<160x128xf32, #tpu.memory_space<vmem>>) offsets(%arg7 : memref<160xi32, #tpu.memory_space<vmem>>) semaphore(%arg16 : memref<!tpu.dma_semaphore, #tpu.memory_space<semaphore_mem>>)
    %scan3A = arith.constant 0 : i32
    %scan3A_21 = arith.constant 0 : i32
    %scan3A_22 = arith.constant 31 : i32
    %scan3A_23 = arith.addi %scan3A_21, %scan3A_22 : i32
    %scan3A_24 = arith.constant 1 : i32
    scf.for %scan3A_72 = %scan3A_21 to %scan3A_23 step %scan3A_24  : i32 {
      %mul3A_73 = arith.constant 2 : i32
      %mul3A_74 = arith.muli %mul3A_73, %scan3A_72 : i32
      %add3A_75 = arith.constant 1 : i32
      %add3A_76 = arith.addi %mul3A_74, %add3A_75 : i32
      %mul3A_77 = arith.constant 160 : i32
      %mul3A_78 = arith.muli %add3A_76, %mul3A_77 : i32
      %add3A_79 = arith.addi %mul3A_2, %mul3A_78 : i32
      "tpu.region"() ({
        %run_scoped3A = tpu.sem_alloc : memref<!tpu.dma_semaphore, #tpu.memory_space<semaphore_mem>>
        %dma_start3A_103 = tpu.memref_slice %arg3[%add3A_79] : memref<320000xi32, #tpu.memory_space<hbm>> -> memref<160xi32, #tpu.memory_space<hbm>>
        %dma_start3A_104 = tpu.memref_slice %arg3[%add3A_79] : memref<320000xi32, #tpu.memory_space<hbm>> -> memref<160xi32, #tpu.memory_space<hbm>>
        tpu.enqueue_dma source(%dma_start3A_104 : memref<160xi32, #tpu.memory_space<hbm>>) target(%arg9 : memref<160xi32, #tpu.memory_space<vmem>>) target_semaphore(%run_scoped3A : memref<!tpu.dma_semaphore, #tpu.memory_space<semaphore_mem>>)
        %dma_wait3A_105 = tpu.memref_slice %arg3[%add3A_79] : memref<320000xi32, #tpu.memory_space<hbm>> -> memref<160xi32, #tpu.memory_space<hbm>>
        %dma_wait3A_106 = tpu.memref_slice %arg3[%add3A_79] : memref<320000xi32, #tpu.memory_space<hbm>> -> memref<160xi32, #tpu.memory_space<hbm>>
        tpu.wait_dma2 semaphore(%run_scoped3A : memref<!tpu.dma_semaphore, #tpu.memory_space<semaphore_mem>>) src(%dma_wait3A_106 : memref<160xi32, #tpu.memory_space<hbm>>) dst(%arg9 : memref<160xi32, #tpu.memory_space<vmem>>)
        tpu.yield
      }) : () -> ()
      "tpu.region"() ({
        %run_scoped3A = tpu.sem_alloc : memref<!tpu.dma_semaphore, #tpu.memory_space<semaphore_mem>>
        %dma_start3A_103 = tpu.memref_slice %arg4[%add3A_79] : memref<320000xi32, #tpu.memory_space<hbm>> -> memref<160xi32, #tpu.memory_space<hbm>>
        %dma_start3A_104 = tpu.memref_slice %arg4[%add3A_79] : memref<320000xi32, #tpu.memory_space<hbm>> -> memref<160xi32, #tpu.memory_space<hbm>>
        tpu.enqueue_dma source(%dma_start3A_104 : memref<160xi32, #tpu.memory_space<hbm>>) target(%arg10 : memref<160xi32, #tpu.memory_space<vmem>>) target_semaphore(%run_scoped3A : memref<!tpu.dma_semaphore, #tpu.memory_space<semaphore_mem>>)
        %dma_wait3A_105 = tpu.memref_slice %arg4[%add3A_79] : memref<320000xi32, #tpu.memory_space<hbm>> -> memref<160xi32, #tpu.memory_space<hbm>>
        %dma_wait3A_106 = tpu.memref_slice %arg4[%add3A_79] : memref<320000xi32, #tpu.memory_space<hbm>> -> memref<160xi32, #tpu.memory_space<hbm>>
        tpu.wait_dma2 semaphore(%run_scoped3A : memref<!tpu.dma_semaphore, #tpu.memory_space<semaphore_mem>>) src(%dma_wait3A_106 : memref<160xi32, #tpu.memory_space<hbm>>) dst(%arg10 : memref<160xi32, #tpu.memory_space<vmem>>)
        tpu.yield
      }) : () -> ()
      %dma_wait3A_80 = arith.constant 0 : i32
      %dma_wait3A_81 = arith.constant 0 : i32
      %dma_wait3A_82 = tpu.memref_slice %arg2[%dma_wait3A_80, %dma_wait3A_81] : memref<10000x128xf32, #tpu.memory_space<hbm>> -> memref<10000x128xf32, #tpu.memory_space<hbm>>
      tpu.wait_indirect_dma semaphore(%arg16 : memref<!tpu.dma_semaphore, #tpu.memory_space<semaphore_mem>>) src(%dma_wait3A_82 : memref<10000x128xf32, #tpu.memory_space<hbm>>) dst(%arg13 : memref<160x128xf32, #tpu.memory_space<vmem>>)
      %dma_start3A_83 = arith.constant 0 : i32
      %dma_start3A_84 = arith.constant 0 : i32
      %dma_start3A_85 = tpu.memref_slice %arg15[%dma_start3A_83, %dma_start3A_84] : memref<10240x128xf32, #tpu.memory_space<vmem_shared>> -> memref<10240x128xf32, #tpu.memory_space<vmem_shared>>
      tpu.enqueue_indirect_dma source(%arg13 : memref<160x128xf32, #tpu.memory_space<vmem>>) target(%dma_start3A_85 : memref<10240x128xf32, #tpu.memory_space<vmem_shared>>) offsets(%arg8 : memref<160xi32, #tpu.memory_space<vmem>>) semaphore(%arg18 : memref<!tpu.dma_semaphore, #tpu.memory_space<semaphore_mem>>) {add = true}
      %dma_start3A_86 = arith.constant 0 : i32
      %dma_start3A_87 = arith.constant 0 : i32
      %dma_start3A_88 = tpu.memref_slice %arg2[%dma_start3A_86, %dma_start3A_87] : memref<10000x128xf32, #tpu.memory_space<hbm>> -> memref<10000x128xf32, #tpu.memory_space<hbm>>
      tpu.enqueue_indirect_dma source(%dma_start3A_88 : memref<10000x128xf32, #tpu.memory_space<hbm>>) target(%arg14 : memref<160x128xf32, #tpu.memory_space<vmem>>) offsets(%arg9 : memref<160xi32, #tpu.memory_space<vmem>>) semaphore(%arg17 : memref<!tpu.dma_semaphore, #tpu.memory_space<semaphore_mem>>)
      %dma_wait3A_89 = arith.constant 0 : i32
      %dma_wait3A_90 = arith.constant 0 : i32
      %dma_wait3A_91 = tpu.memref_slice %arg15[%dma_wait3A_89, %dma_wait3A_90] : memref<10240x128xf32, #tpu.memory_space<vmem_shared>> -> memref<10240x128xf32, #tpu.memory_space<vmem_shared>>
      tpu.wait_indirect_dma semaphore(%arg18 : memref<!tpu.dma_semaphore, #tpu.memory_space<semaphore_mem>>) src(%arg13 : memref<160x128xf32, #tpu.memory_space<vmem>>) dst(%dma_wait3A_91 : memref<10240x128xf32, #tpu.memory_space<vmem_shared>>)
      %lt3A = arith.constant 30 : i32
      %lt3A_92 = arith.cmpi slt, %scan3A_72, %lt3A : i32
      %convert_element_type3A = arith.extui %lt3A_92 : i1 to i32
      %cond3A = arith.constant 0 : i32
      %cond3A_93 = arith.cmpi ne, %convert_element_type3A, %cond3A : i32
      scf.if %cond3A_93 {
        %mul3A_103 = arith.constant 2 : i32
        %mul3A_104 = arith.muli %mul3A_103, %scan3A_72 : i32
        %add3A_105 = arith.constant 2 : i32
        %add3A_106 = arith.addi %mul3A_104, %add3A_105 : i32
        %mul3A_107 = arith.constant 160 : i32
        %mul3A_108 = arith.muli %add3A_106, %mul3A_107 : i32
        %add3A_109 = arith.addi %mul3A_2, %mul3A_108 : i32
        "tpu.region"() ({
          %run_scoped3A = tpu.sem_alloc : memref<!tpu.dma_semaphore, #tpu.memory_space<semaphore_mem>>
          %dma_start3A_113 = tpu.memref_slice %arg3[%add3A_109] : memref<320000xi32, #tpu.memory_space<hbm>> -> memref<160xi32, #tpu.memory_space<hbm>>
          %dma_start3A_114 = tpu.memref_slice %arg3[%add3A_109] : memref<320000xi32, #tpu.memory_space<hbm>> -> memref<160xi32, #tpu.memory_space<hbm>>
          tpu.enqueue_dma source(%dma_start3A_114 : memref<160xi32, #tpu.memory_space<hbm>>) target(%arg7 : memref<160xi32, #tpu.memory_space<vmem>>) target_semaphore(%run_scoped3A : memref<!tpu.dma_semaphore, #tpu.memory_space<semaphore_mem>>)
          %dma_wait3A_115 = tpu.memref_slice %arg3[%add3A_109] : memref<320000xi32, #tpu.memory_space<hbm>> -> memref<160xi32, #tpu.memory_space<hbm>>
          %dma_wait3A_116 = tpu.memref_slice %arg3[%add3A_109] : memref<320000xi32, #tpu.memory_space<hbm>> -> memref<160xi32, #tpu.memory_space<hbm>>
          tpu.wait_dma2 semaphore(%run_scoped3A : memref<!tpu.dma_semaphore, #tpu.memory_space<semaphore_mem>>) src(%dma_wait3A_116 : memref<160xi32, #tpu.memory_space<hbm>>) dst(%arg7 : memref<160xi32, #tpu.memory_space<vmem>>)
          tpu.yield
        }) : () -> ()
        "tpu.region"() ({
          %run_scoped3A = tpu.sem_alloc : memref<!tpu.dma_semaphore, #tpu.memory_space<semaphore_mem>>
          %dma_start3A_113 = tpu.memref_slice %arg4[%add3A_109] : memref<320000xi32, #tpu.memory_space<hbm>> -> memref<160xi32, #tpu.memory_space<hbm>>
          %dma_start3A_114 = tpu.memref_slice %arg4[%add3A_109] : memref<320000xi32, #tpu.memory_space<hbm>> -> memref<160xi32, #tpu.memory_space<hbm>>
          tpu.enqueue_dma source(%dma_start3A_114 : memref<160xi32, #tpu.memory_space<hbm>>) target(%arg8 : memref<160xi32, #tpu.memory_space<vmem>>) target_semaphore(%run_scoped3A : memref<!tpu.dma_semaphore, #tpu.memory_space<semaphore_mem>>)
          %dma_wait3A_115 = tpu.memref_slice %arg4[%add3A_109] : memref<320000xi32, #tpu.memory_space<hbm>> -> memref<160xi32, #tpu.memory_space<hbm>>
          %dma_wait3A_116 = tpu.memref_slice %arg4[%add3A_109] : memref<320000xi32, #tpu.memory_space<hbm>> -> memref<160xi32, #tpu.memory_space<hbm>>
          tpu.wait_dma2 semaphore(%run_scoped3A : memref<!tpu.dma_semaphore, #tpu.memory_space<semaphore_mem>>) src(%dma_wait3A_116 : memref<160xi32, #tpu.memory_space<hbm>>) dst(%arg8 : memref<160xi32, #tpu.memory_space<vmem>>)
          tpu.yield
        }) : () -> ()
        %dma_start3A_110 = arith.constant 0 : i32
        %dma_start3A_111 = arith.constant 0 : i32
        %dma_start3A_112 = tpu.memref_slice %arg2[%dma_start3A_110, %dma_start3A_111] : memref<10000x128xf32, #tpu.memory_space<hbm>> -> memref<10000x128xf32, #tpu.memory_space<hbm>>
        tpu.enqueue_indirect_dma source(%dma_start3A_112 : memref<10000x128xf32, #tpu.memory_space<hbm>>) target(%arg13 : memref<160x128xf32, #tpu.memory_space<vmem>>) offsets(%arg7 : memref<160xi32, #tpu.memory_space<vmem>>) semaphore(%arg16 : memref<!tpu.dma_semaphore, #tpu.memory_space<semaphore_mem>>)
      } else {
      }
      %dma_wait3A_94 = arith.constant 0 : i32
      %dma_wait3A_95 = arith.constant 0 : i32
      %dma_wait3A_96 = tpu.memref_slice %arg2[%dma_wait3A_94, %dma_wait3A_95] : memref<10000x128xf32, #tpu.memory_space<hbm>> -> memref<10000x128xf32, #tpu.memory_space<hbm>>
      tpu.wait_indirect_dma semaphore(%arg17 : memref<!tpu.dma_semaphore, #tpu.memory_space<semaphore_mem>>) src(%dma_wait3A_96 : memref<10000x128xf32, #tpu.memory_space<hbm>>) dst(%arg14 : memref<160x128xf32, #tpu.memory_space<vmem>>)
      %dma_start3A_97 = arith.constant 0 : i32
      %dma_start3A_98 = arith.constant 0 : i32
      %dma_start3A_99 = tpu.memref_slice %arg15[%dma_start3A_97, %dma_start3A_98] : memref<10240x128xf32, #tpu.memory_space<vmem_shared>> -> memref<10240x128xf32, #tpu.memory_space<vmem_shared>>
      tpu.enqueue_indirect_dma source(%arg14 : memref<160x128xf32, #tpu.memory_space<vmem>>) target(%dma_start3A_99 : memref<10240x128xf32, #tpu.memory_space<vmem_shared>>) offsets(%arg10 : memref<160xi32, #tpu.memory_space<vmem>>) semaphore(%arg19 : memref<!tpu.dma_semaphore, #tpu.memory_space<semaphore_mem>>) {add = true}
      %dma_wait3A_100 = arith.constant 0 : i32
      %dma_wait3A_101 = arith.constant 0 : i32
      %dma_wait3A_102 = tpu.memref_slice %arg15[%dma_wait3A_100, %dma_wait3A_101] : memref<10240x128xf32, #tpu.memory_space<vmem_shared>> -> memref<10240x128xf32, #tpu.memory_space<vmem_shared>>
      tpu.wait_indirect_dma semaphore(%arg19 : memref<!tpu.dma_semaphore, #tpu.memory_space<semaphore_mem>>) src(%arg14 : memref<160x128xf32, #tpu.memory_space<vmem>>) dst(%dma_wait3A_102 : memref<10240x128xf32, #tpu.memory_space<vmem_shared>>)
    }
    %scan3A_25 = arith.constant 31 : i32
    %add3A_26 = arith.constant 9920 : i32
    %add3A_27 = arith.addi %mul3A_2, %add3A_26 : i32
    "tpu.region"() ({
      %run_scoped3A = tpu.sem_alloc : memref<!tpu.dma_semaphore, #tpu.memory_space<semaphore_mem>>
      %dma_start3A_72 = tpu.memref_slice %arg3[%add3A_27] : memref<320000xi32, #tpu.memory_space<hbm>> -> memref<80xi32, #tpu.memory_space<hbm>>
      %dma_start3A_73 = tpu.memref_slice %arg3[%add3A_27] : memref<320000xi32, #tpu.memory_space<hbm>> -> memref<80xi32, #tpu.memory_space<hbm>>
      tpu.enqueue_dma source(%dma_start3A_73 : memref<80xi32, #tpu.memory_space<hbm>>) target(%arg11 : memref<80xi32, #tpu.memory_space<vmem>>) target_semaphore(%run_scoped3A : memref<!tpu.dma_semaphore, #tpu.memory_space<semaphore_mem>>)
      %dma_wait3A_74 = tpu.memref_slice %arg3[%add3A_27] : memref<320000xi32, #tpu.memory_space<hbm>> -> memref<80xi32, #tpu.memory_space<hbm>>
      %dma_wait3A_75 = tpu.memref_slice %arg3[%add3A_27] : memref<320000xi32, #tpu.memory_space<hbm>> -> memref<80xi32, #tpu.memory_space<hbm>>
      tpu.wait_dma2 semaphore(%run_scoped3A : memref<!tpu.dma_semaphore, #tpu.memory_space<semaphore_mem>>) src(%dma_wait3A_75 : memref<80xi32, #tpu.memory_space<hbm>>) dst(%arg11 : memref<80xi32, #tpu.memory_space<vmem>>)
      tpu.yield
    }) : () -> ()
    "tpu.region"() ({
      %run_scoped3A = tpu.sem_alloc : memref<!tpu.dma_semaphore, #tpu.memory_space<semaphore_mem>>
      %dma_start3A_72 = tpu.memref_slice %arg4[%add3A_27] : memref<320000xi32, #tpu.memory_space<hbm>> -> memref<80xi32, #tpu.memory_space<hbm>>
      %dma_start3A_73 = tpu.memref_slice %arg4[%add3A_27] : memref<320000xi32, #tpu.memory_space<hbm>> -> memref<80xi32, #tpu.memory_space<hbm>>
      tpu.enqueue_dma source(%dma_start3A_73 : memref<80xi32, #tpu.memory_space<hbm>>) target(%arg12 : memref<80xi32, #tpu.memory_space<vmem>>) target_semaphore(%run_scoped3A : memref<!tpu.dma_semaphore, #tpu.memory_space<semaphore_mem>>)
      %dma_wait3A_74 = tpu.memref_slice %arg4[%add3A_27] : memref<320000xi32, #tpu.memory_space<hbm>> -> memref<80xi32, #tpu.memory_space<hbm>>
      %dma_wait3A_75 = tpu.memref_slice %arg4[%add3A_27] : memref<320000xi32, #tpu.memory_space<hbm>> -> memref<80xi32, #tpu.memory_space<hbm>>
      tpu.wait_dma2 semaphore(%run_scoped3A : memref<!tpu.dma_semaphore, #tpu.memory_space<semaphore_mem>>) src(%dma_wait3A_75 : memref<80xi32, #tpu.memory_space<hbm>>) dst(%arg12 : memref<80xi32, #tpu.memory_space<vmem>>)
      tpu.yield
    }) : () -> ()
    %dma_start3A_28 = arith.constant 0 : i32
    %dma_start3A_29 = arith.constant 0 : i32
    %dma_start3A_30 = tpu.memref_slice %arg13[%dma_start3A_28, %dma_start3A_29] : memref<160x128xf32, #tpu.memory_space<vmem>> -> memref<80x128xf32, #tpu.memory_space<vmem>>
    %dma_start3A_31 = arith.constant 0 : i32
    %dma_start3A_32 = arith.constant 0 : i32
    %dma_start3A_33 = tpu.memref_slice %arg2[%dma_start3A_31, %dma_start3A_32] : memref<10000x128xf32, #tpu.memory_space<hbm>> -> memref<10000x128xf32, #tpu.memory_space<hbm>>
    tpu.enqueue_indirect_dma source(%dma_start3A_33 : memref<10000x128xf32, #tpu.memory_space<hbm>>) target(%dma_start3A_30 : memref<80x128xf32, #tpu.memory_space<vmem>>) offsets(%arg11 : memref<80xi32, #tpu.memory_space<vmem>>) semaphore(%arg16 : memref<!tpu.dma_semaphore, #tpu.memory_space<semaphore_mem>>)
    %dma_wait3A = arith.constant 0 : i32
    %dma_wait3A_34 = arith.constant 0 : i32
    %dma_wait3A_35 = tpu.memref_slice %arg13[%dma_wait3A, %dma_wait3A_34] : memref<160x128xf32, #tpu.memory_space<vmem>> -> memref<80x128xf32, #tpu.memory_space<vmem>>
    %dma_wait3A_36 = arith.constant 0 : i32
    %dma_wait3A_37 = arith.constant 0 : i32
    %dma_wait3A_38 = tpu.memref_slice %arg2[%dma_wait3A_36, %dma_wait3A_37] : memref<10000x128xf32, #tpu.memory_space<hbm>> -> memref<10000x128xf32, #tpu.memory_space<hbm>>
    tpu.wait_indirect_dma semaphore(%arg16 : memref<!tpu.dma_semaphore, #tpu.memory_space<semaphore_mem>>) src(%dma_wait3A_38 : memref<10000x128xf32, #tpu.memory_space<hbm>>) dst(%dma_wait3A_35 : memref<80x128xf32, #tpu.memory_space<vmem>>)
    "tpu.region"() ({
      %run_scoped3A = tpu.sem_alloc : memref<!tpu.dma_semaphore, #tpu.memory_space<semaphore_mem>>
      %dma_start3A_72 = arith.constant 0 : i32
      %dma_start3A_73 = arith.constant 0 : i32
      %dma_start3A_74 = tpu.memref_slice %arg13[%dma_start3A_72, %dma_start3A_73] : memref<160x128xf32, #tpu.memory_space<vmem>> -> memref<80x128xf32, #tpu.memory_space<vmem>>
      %dma_start3A_75 = arith.constant 0 : i32
      %dma_start3A_76 = arith.constant 0 : i32
      %dma_start3A_77 = tpu.memref_slice %arg15[%dma_start3A_75, %dma_start3A_76] : memref<10240x128xf32, #tpu.memory_space<vmem_shared>> -> memref<10240x128xf32, #tpu.memory_space<vmem_shared>>
      tpu.enqueue_indirect_dma source(%dma_start3A_74 : memref<80x128xf32, #tpu.memory_space<vmem>>) target(%dma_start3A_77 : memref<10240x128xf32, #tpu.memory_space<vmem_shared>>) offsets(%arg12 : memref<80xi32, #tpu.memory_space<vmem>>) semaphore(%run_scoped3A : memref<!tpu.dma_semaphore, #tpu.memory_space<semaphore_mem>>) {add = true}
      %dma_wait3A_78 = arith.constant 0 : i32
      %dma_wait3A_79 = arith.constant 0 : i32
      %dma_wait3A_80 = tpu.memref_slice %arg13[%dma_wait3A_78, %dma_wait3A_79] : memref<160x128xf32, #tpu.memory_space<vmem>> -> memref<80x128xf32, #tpu.memory_space<vmem>>
      %dma_wait3A_81 = arith.constant 0 : i32
      %dma_wait3A_82 = arith.constant 0 : i32
      %dma_wait3A_83 = tpu.memref_slice %arg15[%dma_wait3A_81, %dma_wait3A_82] : memref<10240x128xf32, #tpu.memory_space<vmem_shared>> -> memref<10240x128xf32, #tpu.memory_space<vmem_shared>>
      tpu.wait_indirect_dma semaphore(%run_scoped3A : memref<!tpu.dma_semaphore, #tpu.memory_space<semaphore_mem>>) src(%dma_wait3A_80 : memref<80x128xf32, #tpu.memory_space<vmem>>) dst(%dma_wait3A_83 : memref<10240x128xf32, #tpu.memory_space<vmem_shared>>)
      tpu.yield
    }) : () -> ()
    %barrier3A_39 = arith.constant 0 : index
    tpu.barrier barrier_id(%barrier3A_39)
    %mul3A_40 = arith.constant 640 : i32
    %mul3A_41 = arith.muli %arg1, %mul3A_40 : i32
    %add3A_42 = arith.constant 0 : i32
    %add3A_43 = arith.addi %mul3A_41, %add3A_42 : i32
    %mul3A_44 = arith.constant 640 : i32
    %mul3A_45 = arith.muli %arg1, %mul3A_44 : i32
    %add3A_46 = arith.constant 0 : i32
    %add3A_47 = arith.addi %mul3A_45, %add3A_46 : i32
    "tpu.region"() ({
      %run_scoped3A = tpu.sem_alloc : memref<!tpu.dma_semaphore, #tpu.memory_space<semaphore_mem>>
      %dma_start3A_72 = arith.constant 0 : i32
      %dma_start3A_73 = tpu.memref_slice %arg6[%arg0, %add3A_47, %dma_start3A_72] : memref<2x10240x128xf32, #tpu.memory_space<hbm>> -> memref<1x160x128xf32, #tpu.memory_space<hbm>>
      %dma_start3A_74 = tpu.memref_squeeze %dma_start3A_73 : memref<1x160x128xf32, #tpu.memory_space<hbm>> -> memref<160x128xf32, #tpu.memory_space<hbm>>
      %dma_start3A_75 = arith.constant 0 : i32
      %dma_start3A_76 = tpu.memref_slice %arg15[%add3A_43, %dma_start3A_75] : memref<10240x128xf32, #tpu.memory_space<vmem_shared>> -> memref<160x128xf32, #tpu.memory_space<vmem_shared>>
      tpu.enqueue_dma source(%dma_start3A_76 : memref<160x128xf32, #tpu.memory_space<vmem_shared>>) target(%dma_start3A_74 : memref<160x128xf32, #tpu.memory_space<hbm>>) target_semaphore(%run_scoped3A : memref<!tpu.dma_semaphore, #tpu.memory_space<semaphore_mem>>)
      %dma_wait3A_77 = arith.constant 0 : i32
      %dma_wait3A_78 = tpu.memref_slice %arg6[%arg0, %add3A_47, %dma_wait3A_77] : memref<2x10240x128xf32, #tpu.memory_space<hbm>> -> memref<1x160x128xf32, #tpu.memory_space<hbm>>
      %dma_wait3A_79 = tpu.memref_squeeze %dma_wait3A_78 : memref<1x160x128xf32, #tpu.memory_space<hbm>> -> memref<160x128xf32, #tpu.memory_space<hbm>>
      %dma_wait3A_80 = arith.constant 0 : i32
      %dma_wait3A_81 = tpu.memref_slice %arg15[%add3A_43, %dma_wait3A_80] : memref<10240x128xf32, #tpu.memory_space<vmem_shared>> -> memref<160x128xf32, #tpu.memory_space<vmem_shared>>
      tpu.wait_dma2 semaphore(%run_scoped3A : memref<!tpu.dma_semaphore, #tpu.memory_space<semaphore_mem>>) src(%dma_wait3A_81 : memref<160x128xf32, #tpu.memory_space<vmem_shared>>) dst(%dma_wait3A_79 : memref<160x128xf32, #tpu.memory_space<hbm>>)
      tpu.yield
    }) : () -> ()
    %mul3A_48 = arith.constant 640 : i32
    %mul3A_49 = arith.muli %arg1, %mul3A_48 : i32
    %add3A_50 = arith.constant 160 : i32
    %add3A_51 = arith.addi %mul3A_49, %add3A_50 : i32
    %mul3A_52 = arith.constant 640 : i32
    %mul3A_53 = arith.muli %arg1, %mul3A_52 : i32
    %add3A_54 = arith.constant 160 : i32
    %add3A_55 = arith.addi %mul3A_53, %add3A_54 : i32
    "tpu.region"() ({
      %run_scoped3A = tpu.sem_alloc : memref<!tpu.dma_semaphore, #tpu.memory_space<semaphore_mem>>
      %dma_start3A_72 = arith.constant 0 : i32
      %dma_start3A_73 = tpu.memref_slice %arg6[%arg0, %add3A_55, %dma_start3A_72] : memref<2x10240x128xf32, #tpu.memory_space<hbm>> -> memref<1x160x128xf32, #tpu.memory_space<hbm>>
      %dma_start3A_74 = tpu.memref_squeeze %dma_start3A_73 : memref<1x160x128xf32, #tpu.memory_space<hbm>> -> memref<160x128xf32, #tpu.memory_space<hbm>>
      %dma_start3A_75 = arith.constant 0 : i32
      %dma_start3A_76 = tpu.memref_slice %arg15[%add3A_51, %dma_start3A_75] : memref<10240x128xf32, #tpu.memory_space<vmem_shared>> -> memref<160x128xf32, #tpu.memory_space<vmem_shared>>
      tpu.enqueue_dma source(%dma_start3A_76 : memref<160x128xf32, #tpu.memory_space<vmem_shared>>) target(%dma_start3A_74 : memref<160x128xf32, #tpu.memory_space<hbm>>) target_semaphore(%run_scoped3A : memref<!tpu.dma_semaphore, #tpu.memory_space<semaphore_mem>>)
      %dma_wait3A_77 = arith.constant 0 : i32
      %dma_wait3A_78 = tpu.memref_slice %arg6[%arg0, %add3A_55, %dma_wait3A_77] : memref<2x10240x128xf32, #tpu.memory_space<hbm>> -> memref<1x160x128xf32, #tpu.memory_space<hbm>>
      %dma_wait3A_79 = tpu.memref_squeeze %dma_wait3A_78 : memref<1x160x128xf32, #tpu.memory_space<hbm>> -> memref<160x128xf32, #tpu.memory_space<hbm>>
      %dma_wait3A_80 = arith.constant 0 : i32
      %dma_wait3A_81 = tpu.memref_slice %arg15[%add3A_51, %dma_wait3A_80] : memref<10240x128xf32, #tpu.memory_space<vmem_shared>> -> memref<160x128xf32, #tpu.memory_space<vmem_shared>>
      tpu.wait_dma2 semaphore(%run_scoped3A : memref<!tpu.dma_semaphore, #tpu.memory_space<semaphore_mem>>) src(%dma_wait3A_81 : memref<160x128xf32, #tpu.memory_space<vmem_shared>>) dst(%dma_wait3A_79 : memref<160x128xf32, #tpu.memory_space<hbm>>)
      tpu.yield
    }) : () -> ()
    %mul3A_56 = arith.constant 640 : i32
    %mul3A_57 = arith.muli %arg1, %mul3A_56 : i32
    %add3A_58 = arith.constant 320 : i32
    %add3A_59 = arith.addi %mul3A_57, %add3A_58 : i32
    %mul3A_60 = arith.constant 640 : i32
    %mul3A_61 = arith.muli %arg1, %mul3A_60 : i32
    %add3A_62 = arith.constant 320 : i32
    %add3A_63 = arith.addi %mul3A_61, %add3A_62 : i32
    "tpu.region"() ({
      %run_scoped3A = tpu.sem_alloc : memref<!tpu.dma_semaphore, #tpu.memory_space<semaphore_mem>>
      %dma_start3A_72 = arith.constant 0 : i32
      %dma_start3A_73 = tpu.memref_slice %arg6[%arg0, %add3A_63, %dma_start3A_72] : memref<2x10240x128xf32, #tpu.memory_space<hbm>> -> memref<1x160x128xf32, #tpu.memory_space<hbm>>
      %dma_start3A_74 = tpu.memref_squeeze %dma_start3A_73 : memref<1x160x128xf32, #tpu.memory_space<hbm>> -> memref<160x128xf32, #tpu.memory_space<hbm>>
      %dma_start3A_75 = arith.constant 0 : i32
      %dma_start3A_76 = tpu.memref_slice %arg15[%add3A_59, %dma_start3A_75] : memref<10240x128xf32, #tpu.memory_space<vmem_shared>> -> memref<160x128xf32, #tpu.memory_space<vmem_shared>>
      tpu.enqueue_dma source(%dma_start3A_76 : memref<160x128xf32, #tpu.memory_space<vmem_shared>>) target(%dma_start3A_74 : memref<160x128xf32, #tpu.memory_space<hbm>>) target_semaphore(%run_scoped3A : memref<!tpu.dma_semaphore, #tpu.memory_space<semaphore_mem>>)
      %dma_wait3A_77 = arith.constant 0 : i32
      %dma_wait3A_78 = tpu.memref_slice %arg6[%arg0, %add3A_63, %dma_wait3A_77] : memref<2x10240x128xf32, #tpu.memory_space<hbm>> -> memref<1x160x128xf32, #tpu.memory_space<hbm>>
      %dma_wait3A_79 = tpu.memref_squeeze %dma_wait3A_78 : memref<1x160x128xf32, #tpu.memory_space<hbm>> -> memref<160x128xf32, #tpu.memory_space<hbm>>
      %dma_wait3A_80 = arith.constant 0 : i32
      %dma_wait3A_81 = tpu.memref_slice %arg15[%add3A_59, %dma_wait3A_80] : memref<10240x128xf32, #tpu.memory_space<vmem_shared>> -> memref<160x128xf32, #tpu.memory_space<vmem_shared>>
      tpu.wait_dma2 semaphore(%run_scoped3A : memref<!tpu.dma_semaphore, #tpu.memory_space<semaphore_mem>>) src(%dma_wait3A_81 : memref<160x128xf32, #tpu.memory_space<vmem_shared>>) dst(%dma_wait3A_79 : memref<160x128xf32, #tpu.memory_space<hbm>>)
      tpu.yield
    }) : () -> ()
    %mul3A_64 = arith.constant 640 : i32
    %mul3A_65 = arith.muli %arg1, %mul3A_64 : i32
    %add3A_66 = arith.constant 480 : i32
    %add3A_67 = arith.addi %mul3A_65, %add3A_66 : i32
    %mul3A_68 = arith.constant 640 : i32
    %mul3A_69 = arith.muli %arg1, %mul3A_68 : i32
    %add3A_70 = arith.constant 480 : i32
    %add3A_71 = arith.addi %mul3A_69, %add3A_70 : i32
    "tpu.region"() ({
      %run_scoped3A = tpu.sem_alloc : memref<!tpu.dma_semaphore, #tpu.memory_space<semaphore_mem>>
      %dma_start3A_72 = arith.constant 0 : i32
      %dma_start3A_73 = tpu.memref_slice %arg6[%arg0, %add3A_71, %dma_start3A_72] : memref<2x10240x128xf32, #tpu.memory_space<hbm>> -> memref<1x160x128xf32, #tpu.memory_space<hbm>>
      %dma_start3A_74 = tpu.memref_squeeze %dma_start3A_73 : memref<1x160x128xf32, #tpu.memory_space<hbm>> -> memref<160x128xf32, #tpu.memory_space<hbm>>
      %dma_start3A_75 = arith.constant 0 : i32
      %dma_start3A_76 = tpu.memref_slice %arg15[%add3A_67, %dma_start3A_75] : memref<10240x128xf32, #tpu.memory_space<vmem_shared>> -> memref<160x128xf32, #tpu.memory_space<vmem_shared>>
      tpu.enqueue_dma source(%dma_start3A_76 : memref<160x128xf32, #tpu.memory_space<vmem_shared>>) target(%dma_start3A_74 : memref<160x128xf32, #tpu.memory_space<hbm>>) target_semaphore(%run_scoped3A : memref<!tpu.dma_semaphore, #tpu.memory_space<semaphore_mem>>)
      %dma_wait3A_77 = arith.constant 0 : i32
      %dma_wait3A_78 = tpu.memref_slice %arg6[%arg0, %add3A_71, %dma_wait3A_77] : memref<2x10240x128xf32, #tpu.memory_space<hbm>> -> memref<1x160x128xf32, #tpu.memory_space<hbm>>
      %dma_wait3A_79 = tpu.memref_squeeze %dma_wait3A_78 : memref<1x160x128xf32, #tpu.memory_space<hbm>> -> memref<160x128xf32, #tpu.memory_space<hbm>>
      %dma_wait3A_80 = arith.constant 0 : i32
      %dma_wait3A_81 = tpu.memref_slice %arg15[%add3A_67, %dma_wait3A_80] : memref<10240x128xf32, #tpu.memory_space<vmem_shared>> -> memref<160x128xf32, #tpu.memory_space<vmem_shared>>
      tpu.wait_dma2 semaphore(%run_scoped3A : memref<!tpu.dma_semaphore, #tpu.memory_space<semaphore_mem>>) src(%dma_wait3A_81 : memref<160x128xf32, #tpu.memory_space<vmem_shared>>) dst(%dma_wait3A_79 : memref<160x128xf32, #tpu.memory_space<hbm>>)
      tpu.yield
    }) : () -> ()
    return
  }
}

#map = affine_map<(d0, d1) -> (0, 0)>
#map1 = affine_map<(d0, d1) -> (0)>
#map2 = affine_map<(d0, d1) -> (0, 0, 0)>
module attributes {stable_mosaic.version = 14 : i64} {
  func.func @_segsum(%arg0: i32, %arg1: i32, %arg2: memref<10000x128xf32, #tpu.memory_space<hbm>>, %arg3: memref<320000xi32, #tpu.memory_space<hbm>>, %arg4: memref<320000xi32, #tpu.memory_space<hbm>>, %arg5: memref<160x128xf32, #tpu.memory_space<hbm>>, %arg6: memref<2x10240x128xf32, #tpu.memory_space<hbm>>, %arg7: memref<160xi32, #tpu.memory_space<vmem>>, %arg8: memref<160xi32, #tpu.memory_space<vmem>>, %arg9: memref<160xi32, #tpu.memory_space<vmem>>, %arg10: memref<160xi32, #tpu.memory_space<vmem>>, %arg11: memref<80xi32, #tpu.memory_space<vmem>>, %arg12: memref<80xi32, #tpu.memory_space<vmem>>, %arg13: memref<160x128xf32, #tpu.memory_space<vmem>>, %arg14: memref<160x128xf32, #tpu.memory_space<vmem>>, %arg15: memref<10240x128xf32, #tpu.memory_space<vmem_shared>>, %arg16: memref<!tpu.dma_semaphore, #tpu.memory_space<semaphore_mem>>, %arg17: memref<!tpu.dma_semaphore, #tpu.memory_space<semaphore_mem>>, %arg18: memref<!tpu.dma_semaphore, #tpu.memory_space<semaphore_mem>>, %arg19: memref<!tpu.dma_semaphore, #tpu.memory_space<semaphore_mem>>) attributes {dimension_semantics = [#tpu.dimension_semantics<core_parallel>, #tpu.dimension_semantics<subcore_parallel>], iteration_bounds = array<i64: 2, 16>, scalar_prefetch = 0 : i64, scratch_operands = 13 : i64, tpu.core_type = #tpu.core_type<sc_vector_subcore>, window_params = [{transform_indices = #map}, {transform_indices = #map1}, {transform_indices = #map1}, {transform_indices = #map}, {transform_indices = #map2}]} {
    %mul3A = arith.constant 16 : i32
    %mul3A_0 = arith.muli %arg0, %mul3A : i32
    %add3A = arith.addi %mul3A_0, %arg1 : i32
    %mul3A_1 = arith.constant 10000 : i32
    %mul3A_2 = arith.muli %add3A, %mul3A_1 : i32
    "tpu.region"() ({
      %run_scoped3A = tpu.sem_alloc : memref<!tpu.dma_semaphore, #tpu.memory_space<semaphore_mem>>
      %dma_start3A_72 = arith.constant 0 : i32
      %dma_start3A_73 = arith.constant 0 : i32
      %dma_start3A_74 = tpu.memref_slice %arg13[%dma_start3A_72, %dma_start3A_73] : memref<160x128xf32, #tpu.memory_space<vmem>> -> memref<160x128xf32, #tpu.memory_space<vmem>>
      %dma_start3A_75 = arith.constant 0 : i32
      %dma_start3A_76 = arith.constant 0 : i32
      %dma_start3A_77 = tpu.memref_slice %arg13[%dma_start3A_75, %dma_start3A_76] : memref<160x128xf32, #tpu.memory_space<vmem>> -> memref<160x128xf32, #tpu.memory_space<vmem>>
      tpu.enqueue_dma source(%arg5 : memref<160x128xf32, #tpu.memory_space<hbm>>) target(%dma_start3A_77 : memref<160x128xf32, #tpu.memory_space<vmem>>) target_semaphore(%run_scoped3A : memref<!tpu.dma_semaphore, #tpu.memory_space<semaphore_mem>>)
      %dma_wait3A_78 = arith.constant 0 : i32
      %dma_wait3A_79 = arith.constant 0 : i32
      %dma_wait3A_80 = tpu.memref_slice %arg13[%dma_wait3A_78, %dma_wait3A_79] : memref<160x128xf32, #tpu.memory_space<vmem>> -> memref<160x128xf32, #tpu.memory_space<vmem>>
      %dma_wait3A_81 = arith.constant 0 : i32
      %dma_wait3A_82 = arith.constant 0 : i32
      %dma_wait3A_83 = tpu.memref_slice %arg13[%dma_wait3A_81, %dma_wait3A_82] : memref<160x128xf32, #tpu.memory_space<vmem>> -> memref<160x128xf32, #tpu.memory_space<vmem>>
      tpu.wait_dma2 semaphore(%run_scoped3A : memref<!tpu.dma_semaphore, #tpu.memory_space<semaphore_mem>>) src(%arg5 : memref<160x128xf32, #tpu.memory_space<hbm>>) dst(%dma_wait3A_83 : memref<160x128xf32, #tpu.memory_space<vmem>>)
      tpu.yield
    }) : () -> ()
    %mul3A_3 = arith.constant 640 : i32
    %mul3A_4 = arith.muli %arg1, %mul3A_3 : i32
    %add3A_5 = arith.constant 0 : i32
    %add3A_6 = arith.addi %mul3A_4, %add3A_5 : i32
    "tpu.region"() ({
      %run_scoped3A = tpu.sem_alloc : memref<!tpu.dma_semaphore, #tpu.memory_space<semaphore_mem>>
      %dma_start3A_72 = arith.constant 0 : i32
      %dma_start3A_73 = arith.constant 0 : i32
      %dma_start3A_74 = tpu.memref_slice %arg13[%dma_start3A_72, %dma_start3A_73] : memref<160x128xf32, #tpu.memory_space<vmem>> -> memref<160x128xf32, #tpu.memory_space<vmem>>
      %dma_start3A_75 = arith.constant 0 : i32
      %dma_start3A_76 = tpu.memref_slice %arg15[%add3A_6, %dma_start3A_75] : memref<10240x128xf32, #tpu.memory_space<vmem_shared>> -> memref<160x128xf32, #tpu.memory_space<vmem_shared>>
      %dma_start3A_77 = arith.constant 0 : i32
      %dma_start3A_78 = tpu.memref_slice %arg15[%add3A_6, %dma_start3A_77] : memref<10240x128xf32, #tpu.memory_space<vmem_shared>> -> memref<160x128xf32, #tpu.memory_space<vmem_shared>>
      %dma_start3A_79 = arith.constant 0 : i32
      %dma_start3A_80 = arith.constant 0 : i32
      %dma_start3A_81 = tpu.memref_slice %arg13[%dma_start3A_79, %dma_start3A_80] : memref<160x128xf32, #tpu.memory_space<vmem>> -> memref<160x128xf32, #tpu.memory_space<vmem>>
      tpu.enqueue_dma source(%dma_start3A_81 : memref<160x128xf32, #tpu.memory_space<vmem>>) target(%dma_start3A_78 : memref<160x128xf32, #tpu.memory_space<vmem_shared>>) target_semaphore(%run_scoped3A : memref<!tpu.dma_semaphore, #tpu.memory_space<semaphore_mem>>)
      %dma_wait3A_82 = arith.constant 0 : i32
      %dma_wait3A_83 = arith.constant 0 : i32
      %dma_wait3A_84 = tpu.memref_slice %arg13[%dma_wait3A_82, %dma_wait3A_83] : memref<160x128xf32, #tpu.memory_space<vmem>> -> memref<160x128xf32, #tpu.memory_space<vmem>>
      %dma_wait3A_85 = arith.constant 0 : i32
      %dma_wait3A_86 = tpu.memref_slice %arg15[%add3A_6, %dma_wait3A_85] : memref<10240x128xf32, #tpu.memory_space<vmem_shared>> -> memref<160x128xf32, #tpu.memory_space<vmem_shared>>
      %dma_wait3A_87 = arith.constant 0 : i32
      %dma_wait3A_88 = tpu.memref_slice %arg15[%add3A_6, %dma_wait3A_87] : memref<10240x128xf32, #tpu.memory_space<vmem_shared>> -> memref<160x128xf32, #tpu.memory_space<vmem_shared>>
      %dma_wait3A_89 = arith.constant 0 : i32
      %dma_wait3A_90 = arith.constant 0 : i32
      %dma_wait3A_91 = tpu.memref_slice %arg13[%dma_wait3A_89, %dma_wait3A_90] : memref<160x128xf32, #tpu.memory_space<vmem>> -> memref<160x128xf32, #tpu.memory_space<vmem>>
      tpu.wait_dma2 semaphore(%run_scoped3A : memref<!tpu.dma_semaphore, #tpu.memory_space<semaphore_mem>>) src(%dma_wait3A_91 : memref<160x128xf32, #tpu.memory_space<vmem>>) dst(%dma_wait3A_88 : memref<160x128xf32, #tpu.memory_space<vmem_shared>>)
      tpu.yield
    }) : () -> ()
    %mul3A_7 = arith.constant 640 : i32
    %mul3A_8 = arith.muli %arg1, %mul3A_7 : i32
    %add3A_9 = arith.constant 160 : i32
    %add3A_10 = arith.addi %mul3A_8, %add3A_9 : i32
    "tpu.region"() ({
      %run_scoped3A = tpu.sem_alloc : memref<!tpu.dma_semaphore, #tpu.memory_space<semaphore_mem>>
      %dma_start3A_72 = arith.constant 0 : i32
      %dma_start3A_73 = arith.constant 0 : i32
      %dma_start3A_74 = tpu.memref_slice %arg13[%dma_start3A_72, %dma_start3A_73] : memref<160x128xf32, #tpu.memory_space<vmem>> -> memref<160x128xf32, #tpu.memory_space<vmem>>
      %dma_start3A_75 = arith.constant 0 : i32
      %dma_start3A_76 = tpu.memref_slice %arg15[%add3A_10, %dma_start3A_75] : memref<10240x128xf32, #tpu.memory_space<vmem_shared>> -> memref<160x128xf32, #tpu.memory_space<vmem_shared>>
      %dma_start3A_77 = arith.constant 0 : i32
      %dma_start3A_78 = tpu.memref_slice %arg15[%add3A_10, %dma_start3A_77] : memref<10240x128xf32, #tpu.memory_space<vmem_shared>> -> memref<160x128xf32, #tpu.memory_space<vmem_shared>>
      %dma_start3A_79 = arith.constant 0 : i32
      %dma_start3A_80 = arith.constant 0 : i32
      %dma_start3A_81 = tpu.memref_slice %arg13[%dma_start3A_79, %dma_start3A_80] : memref<160x128xf32, #tpu.memory_space<vmem>> -> memref<160x128xf32, #tpu.memory_space<vmem>>
      tpu.enqueue_dma source(%dma_start3A_81 : memref<160x128xf32, #tpu.memory_space<vmem>>) target(%dma_start3A_78 : memref<160x128xf32, #tpu.memory_space<vmem_shared>>) target_semaphore(%run_scoped3A : memref<!tpu.dma_semaphore, #tpu.memory_space<semaphore_mem>>)
      %dma_wait3A_82 = arith.constant 0 : i32
      %dma_wait3A_83 = arith.constant 0 : i32
      %dma_wait3A_84 = tpu.memref_slice %arg13[%dma_wait3A_82, %dma_wait3A_83] : memref<160x128xf32, #tpu.memory_space<vmem>> -> memref<160x128xf32, #tpu.memory_space<vmem>>
      %dma_wait3A_85 = arith.constant 0 : i32
      %dma_wait3A_86 = tpu.memref_slice %arg15[%add3A_10, %dma_wait3A_85] : memref<10240x128xf32, #tpu.memory_space<vmem_shared>> -> memref<160x128xf32, #tpu.memory_space<vmem_shared>>
      %dma_wait3A_87 = arith.constant 0 : i32
      %dma_wait3A_88 = tpu.memref_slice %arg15[%add3A_10, %dma_wait3A_87] : memref<10240x128xf32, #tpu.memory_space<vmem_shared>> -> memref<160x128xf32, #tpu.memory_space<vmem_shared>>
      %dma_wait3A_89 = arith.constant 0 : i32
      %dma_wait3A_90 = arith.constant 0 : i32
      %dma_wait3A_91 = tpu.memref_slice %arg13[%dma_wait3A_89, %dma_wait3A_90] : memref<160x128xf32, #tpu.memory_space<vmem>> -> memref<160x128xf32, #tpu.memory_space<vmem>>
      tpu.wait_dma2 semaphore(%run_scoped3A : memref<!tpu.dma_semaphore, #tpu.memory_space<semaphore_mem>>) src(%dma_wait3A_91 : memref<160x128xf32, #tpu.memory_space<vmem>>) dst(%dma_wait3A_88 : memref<160x128xf32, #tpu.memory_space<vmem_shared>>)
      tpu.yield
    }) : () -> ()
    %mul3A_11 = arith.constant 640 : i32
    %mul3A_12 = arith.muli %arg1, %mul3A_11 : i32
    %add3A_13 = arith.constant 320 : i32
    %add3A_14 = arith.addi %mul3A_12, %add3A_13 : i32
    "tpu.region"() ({
      %run_scoped3A = tpu.sem_alloc : memref<!tpu.dma_semaphore, #tpu.memory_space<semaphore_mem>>
      %dma_start3A_72 = arith.constant 0 : i32
      %dma_start3A_73 = arith.constant 0 : i32
      %dma_start3A_74 = tpu.memref_slice %arg13[%dma_start3A_72, %dma_start3A_73] : memref<160x128xf32, #tpu.memory_space<vmem>> -> memref<160x128xf32, #tpu.memory_space<vmem>>
      %dma_start3A_75 = arith.constant 0 : i32
      %dma_start3A_76 = tpu.memref_slice %arg15[%add3A_14, %dma_start3A_75] : memref<10240x128xf32, #tpu.memory_space<vmem_shared>> -> memref<160x128xf32, #tpu.memory_space<vmem_shared>>
      %dma_start3A_77 = arith.constant 0 : i32
      %dma_start3A_78 = tpu.memref_slice %arg15[%add3A_14, %dma_start3A_77] : memref<10240x128xf32, #tpu.memory_space<vmem_shared>> -> memref<160x128xf32, #tpu.memory_space<vmem_shared>>
      %dma_start3A_79 = arith.constant 0 : i32
      %dma_start3A_80 = arith.constant 0 : i32
      %dma_start3A_81 = tpu.memref_slice %arg13[%dma_start3A_79, %dma_start3A_80] : memref<160x128xf32, #tpu.memory_space<vmem>> -> memref<160x128xf32, #tpu.memory_space<vmem>>
      tpu.enqueue_dma source(%dma_start3A_81 : memref<160x128xf32, #tpu.memory_space<vmem>>) target(%dma_start3A_78 : memref<160x128xf32, #tpu.memory_space<vmem_shared>>) target_semaphore(%run_scoped3A : memref<!tpu.dma_semaphore, #tpu.memory_space<semaphore_mem>>)
      %dma_wait3A_82 = arith.constant 0 : i32
      %dma_wait3A_83 = arith.constant 0 : i32
      %dma_wait3A_84 = tpu.memref_slice %arg13[%dma_wait3A_82, %dma_wait3A_83] : memref<160x128xf32, #tpu.memory_space<vmem>> -> memref<160x128xf32, #tpu.memory_space<vmem>>
      %dma_wait3A_85 = arith.constant 0 : i32
      %dma_wait3A_86 = tpu.memref_slice %arg15[%add3A_14, %dma_wait3A_85] : memref<10240x128xf32, #tpu.memory_space<vmem_shared>> -> memref<160x128xf32, #tpu.memory_space<vmem_shared>>
      %dma_wait3A_87 = arith.constant 0 : i32
      %dma_wait3A_88 = tpu.memref_slice %arg15[%add3A_14, %dma_wait3A_87] : memref<10240x128xf32, #tpu.memory_space<vmem_shared>> -> memref<160x128xf32, #tpu.memory_space<vmem_shared>>
      %dma_wait3A_89 = arith.constant 0 : i32
      %dma_wait3A_90 = arith.constant 0 : i32
      %dma_wait3A_91 = tpu.memref_slice %arg13[%dma_wait3A_89, %dma_wait3A_90] : memref<160x128xf32, #tpu.memory_space<vmem>> -> memref<160x128xf32, #tpu.memory_space<vmem>>
      tpu.wait_dma2 semaphore(%run_scoped3A : memref<!tpu.dma_semaphore, #tpu.memory_space<semaphore_mem>>) src(%dma_wait3A_91 : memref<160x128xf32, #tpu.memory_space<vmem>>) dst(%dma_wait3A_88 : memref<160x128xf32, #tpu.memory_space<vmem_shared>>)
      tpu.yield
    }) : () -> ()
    %mul3A_15 = arith.constant 640 : i32
    %mul3A_16 = arith.muli %arg1, %mul3A_15 : i32
    %add3A_17 = arith.constant 480 : i32
    %add3A_18 = arith.addi %mul3A_16, %add3A_17 : i32
    "tpu.region"() ({
      %run_scoped3A = tpu.sem_alloc : memref<!tpu.dma_semaphore, #tpu.memory_space<semaphore_mem>>
      %dma_start3A_72 = arith.constant 0 : i32
      %dma_start3A_73 = arith.constant 0 : i32
      %dma_start3A_74 = tpu.memref_slice %arg13[%dma_start3A_72, %dma_start3A_73] : memref<160x128xf32, #tpu.memory_space<vmem>> -> memref<160x128xf32, #tpu.memory_space<vmem>>
      %dma_start3A_75 = arith.constant 0 : i32
      %dma_start3A_76 = tpu.memref_slice %arg15[%add3A_18, %dma_start3A_75] : memref<10240x128xf32, #tpu.memory_space<vmem_shared>> -> memref<160x128xf32, #tpu.memory_space<vmem_shared>>
      %dma_start3A_77 = arith.constant 0 : i32
      %dma_start3A_78 = tpu.memref_slice %arg15[%add3A_18, %dma_start3A_77] : memref<10240x128xf32, #tpu.memory_space<vmem_shared>> -> memref<160x128xf32, #tpu.memory_space<vmem_shared>>
      %dma_start3A_79 = arith.constant 0 : i32
      %dma_start3A_80 = arith.constant 0 : i32
      %dma_start3A_81 = tpu.memref_slice %arg13[%dma_start3A_79, %dma_start3A_80] : memref<160x128xf32, #tpu.memory_space<vmem>> -> memref<160x128xf32, #tpu.memory_space<vmem>>
      tpu.enqueue_dma source(%dma_start3A_81 : memref<160x128xf32, #tpu.memory_space<vmem>>) target(%dma_start3A_78 : memref<160x128xf32, #tpu.memory_space<vmem_shared>>) target_semaphore(%run_scoped3A : memref<!tpu.dma_semaphore, #tpu.memory_space<semaphore_mem>>)
      %dma_wait3A_82 = arith.constant 0 : i32
      %dma_wait3A_83 = arith.constant 0 : i32
      %dma_wait3A_84 = tpu.memref_slice %arg13[%dma_wait3A_82, %dma_wait3A_83] : memref<160x128xf32, #tpu.memory_space<vmem>> -> memref<160x128xf32, #tpu.memory_space<vmem>>
      %dma_wait3A_85 = arith.constant 0 : i32
      %dma_wait3A_86 = tpu.memref_slice %arg15[%add3A_18, %dma_wait3A_85] : memref<10240x128xf32, #tpu.memory_space<vmem_shared>> -> memref<160x128xf32, #tpu.memory_space<vmem_shared>>
      %dma_wait3A_87 = arith.constant 0 : i32
      %dma_wait3A_88 = tpu.memref_slice %arg15[%add3A_18, %dma_wait3A_87] : memref<10240x128xf32, #tpu.memory_space<vmem_shared>> -> memref<160x128xf32, #tpu.memory_space<vmem_shared>>
      %dma_wait3A_89 = arith.constant 0 : i32
      %dma_wait3A_90 = arith.constant 0 : i32
      %dma_wait3A_91 = tpu.memref_slice %arg13[%dma_wait3A_89, %dma_wait3A_90] : memref<160x128xf32, #tpu.memory_space<vmem>> -> memref<160x128xf32, #tpu.memory_space<vmem>>
      tpu.wait_dma2 semaphore(%run_scoped3A : memref<!tpu.dma_semaphore, #tpu.memory_space<semaphore_mem>>) src(%dma_wait3A_91 : memref<160x128xf32, #tpu.memory_space<vmem>>) dst(%dma_wait3A_88 : memref<160x128xf32, #tpu.memory_space<vmem_shared>>)
      tpu.yield
    }) : () -> ()
    %barrier3A = arith.constant 0 : index
    tpu.barrier barrier_id(%barrier3A)
    "tpu.region"() ({
      %run_scoped3A = tpu.sem_alloc : memref<!tpu.dma_semaphore, #tpu.memory_space<semaphore_mem>>
      %dma_start3A_72 = tpu.memref_slice %arg3[%mul3A_2] : memref<320000xi32, #tpu.memory_space<hbm>> -> memref<160xi32, #tpu.memory_space<hbm>>
      %dma_start3A_73 = tpu.memref_slice %arg3[%mul3A_2] : memref<320000xi32, #tpu.memory_space<hbm>> -> memref<160xi32, #tpu.memory_space<hbm>>
      tpu.enqueue_dma source(%dma_start3A_73 : memref<160xi32, #tpu.memory_space<hbm>>) target(%arg7 : memref<160xi32, #tpu.memory_space<vmem>>) target_semaphore(%run_scoped3A : memref<!tpu.dma_semaphore, #tpu.memory_space<semaphore_mem>>)
      %dma_wait3A_74 = tpu.memref_slice %arg3[%mul3A_2] : memref<320000xi32, #tpu.memory_space<hbm>> -> memref<160xi32, #tpu.memory_space<hbm>>
      %dma_wait3A_75 = tpu.memref_slice %arg3[%mul3A_2] : memref<320000xi32, #tpu.memory_space<hbm>> -> memref<160xi32, #tpu.memory_space<hbm>>
      tpu.wait_dma2 semaphore(%run_scoped3A : memref<!tpu.dma_semaphore, #tpu.memory_space<semaphore_mem>>) src(%dma_wait3A_75 : memref<160xi32, #tpu.memory_space<hbm>>) dst(%arg7 : memref<160xi32, #tpu.memory_space<vmem>>)
      tpu.yield
    }) : () -> ()
    "tpu.region"() ({
      %run_scoped3A = tpu.sem_alloc : memref<!tpu.dma_semaphore, #tpu.memory_space<semaphore_mem>>
      %dma_start3A_72 = tpu.memref_slice %arg4[%mul3A_2] : memref<320000xi32, #tpu.memory_space<hbm>> -> memref<160xi32, #tpu.memory_space<hbm>>
      %dma_start3A_73 = tpu.memref_slice %arg4[%mul3A_2] : memref<320000xi32, #tpu.memory_space<hbm>> -> memref<160xi32, #tpu.memory_space<hbm>>
      tpu.enqueue_dma source(%dma_start3A_73 : memref<160xi32, #tpu.memory_space<hbm>>) target(%arg8 : memref<160xi32, #tpu.memory_space<vmem>>) target_semaphore(%run_scoped3A : memref<!tpu.dma_semaphore, #tpu.memory_space<semaphore_mem>>)
      %dma_wait3A_74 = tpu.memref_slice %arg4[%mul3A_2] : memref<320000xi32, #tpu.memory_space<hbm>> -> memref<160xi32, #tpu.memory_space<hbm>>
      %dma_wait3A_75 = tpu.memref_slice %arg4[%mul3A_2] : memref<320000xi32, #tpu.memory_space<hbm>> -> memref<160xi32, #tpu.memory_space<hbm>>
      tpu.wait_dma2 semaphore(%run_scoped3A : memref<!tpu.dma_semaphore, #tpu.memory_space<semaphore_mem>>) src(%dma_wait3A_75 : memref<160xi32, #tpu.memory_space<hbm>>) dst(%arg8 : memref<160xi32, #tpu.memory_space<vmem>>)
      tpu.yield
    }) : () -> ()
    %dma_start3A = arith.constant 0 : i32
    %dma_start3A_19 = arith.constant 0 : i32
    %dma_start3A_20 = tpu.memref_slice %arg2[%dma_start3A, %dma_start3A_19] : memref<10000x128xf32, #tpu.memory_space<hbm>> -> memref<10000x128xf32, #tpu.memory_space<hbm>>
    tpu.enqueue_indirect_dma source(%dma_start3A_20 : memref<10000x128xf32, #tpu.memory_space<hbm>>) target(%arg13 : memref<160x128xf32, #tpu.memory_space<vmem>>) offsets(%arg7 : memref<160xi32, #tpu.memory_space<vmem>>) semaphore(%arg16 : memref<!tpu.dma_semaphore, #tpu.memory_space<semaphore_mem>>)
    %scan3A = arith.constant 0 : i32
    %scan3A_21 = arith.constant 0 : i32
    %scan3A_22 = arith.constant 31 : i32
    %scan3A_23 = arith.addi %scan3A_21, %scan3A_22 : i32
    %scan3A_24 = arith.constant 1 : i32
    scf.for %scan3A_72 = %scan3A_21 to %scan3A_23 step %scan3A_24  : i32 {
      %mul3A_73 = arith.constant 2 : i32
      %mul3A_74 = arith.muli %mul3A_73, %scan3A_72 : i32
      %add3A_75 = arith.constant 1 : i32
      %add3A_76 = arith.addi %mul3A_74, %add3A_75 : i32
      %mul3A_77 = arith.constant 160 : i32
      %mul3A_78 = arith.muli %add3A_76, %mul3A_77 : i32
      %add3A_79 = arith.addi %mul3A_2, %mul3A_78 : i32
      "tpu.region"() ({
        %run_scoped3A = tpu.sem_alloc : memref<!tpu.dma_semaphore, #tpu.memory_space<semaphore_mem>>
        %dma_start3A_103 = tpu.memref_slice %arg3[%add3A_79] : memref<320000xi32, #tpu.memory_space<hbm>> -> memref<160xi32, #tpu.memory_space<hbm>>
        %dma_start3A_104 = tpu.memref_slice %arg3[%add3A_79] : memref<320000xi32, #tpu.memory_space<hbm>> -> memref<160xi32, #tpu.memory_space<hbm>>
        tpu.enqueue_dma source(%dma_start3A_104 : memref<160xi32, #tpu.memory_space<hbm>>) target(%arg9 : memref<160xi32, #tpu.memory_space<vmem>>) target_semaphore(%run_scoped3A : memref<!tpu.dma_semaphore, #tpu.memory_space<semaphore_mem>>)
        %dma_wait3A_105 = tpu.memref_slice %arg3[%add3A_79] : memref<320000xi32, #tpu.memory_space<hbm>> -> memref<160xi32, #tpu.memory_space<hbm>>
        %dma_wait3A_106 = tpu.memref_slice %arg3[%add3A_79] : memref<320000xi32, #tpu.memory_space<hbm>> -> memref<160xi32, #tpu.memory_space<hbm>>
        tpu.wait_dma2 semaphore(%run_scoped3A : memref<!tpu.dma_semaphore, #tpu.memory_space<semaphore_mem>>) src(%dma_wait3A_106 : memref<160xi32, #tpu.memory_space<hbm>>) dst(%arg9 : memref<160xi32, #tpu.memory_space<vmem>>)
        tpu.yield
      }) : () -> ()
      "tpu.region"() ({
        %run_scoped3A = tpu.sem_alloc : memref<!tpu.dma_semaphore, #tpu.memory_space<semaphore_mem>>
        %dma_start3A_103 = tpu.memref_slice %arg4[%add3A_79] : memref<320000xi32, #tpu.memory_space<hbm>> -> memref<160xi32, #tpu.memory_space<hbm>>
        %dma_start3A_104 = tpu.memref_slice %arg4[%add3A_79] : memref<320000xi32, #tpu.memory_space<hbm>> -> memref<160xi32, #tpu.memory_space<hbm>>
        tpu.enqueue_dma source(%dma_start3A_104 : memref<160xi32, #tpu.memory_space<hbm>>) target(%arg10 : memref<160xi32, #tpu.memory_space<vmem>>) target_semaphore(%run_scoped3A : memref<!tpu.dma_semaphore, #tpu.memory_space<semaphore_mem>>)
        %dma_wait3A_105 = tpu.memref_slice %arg4[%add3A_79] : memref<320000xi32, #tpu.memory_space<hbm>> -> memref<160xi32, #tpu.memory_space<hbm>>
        %dma_wait3A_106 = tpu.memref_slice %arg4[%add3A_79] : memref<320000xi32, #tpu.memory_space<hbm>> -> memref<160xi32, #tpu.memory_space<hbm>>
        tpu.wait_dma2 semaphore(%run_scoped3A : memref<!tpu.dma_semaphore, #tpu.memory_space<semaphore_mem>>) src(%dma_wait3A_106 : memref<160xi32, #tpu.memory_space<hbm>>) dst(%arg10 : memref<160xi32, #tpu.memory_space<vmem>>)
        tpu.yield
      }) : () -> ()
      %dma_wait3A_80 = arith.constant 0 : i32
      %dma_wait3A_81 = arith.constant 0 : i32
      %dma_wait3A_82 = tpu.memref_slice %arg2[%dma_wait3A_80, %dma_wait3A_81] : memref<10000x128xf32, #tpu.memory_space<hbm>> -> memref<10000x128xf32, #tpu.memory_space<hbm>>
      tpu.wait_indirect_dma semaphore(%arg16 : memref<!tpu.dma_semaphore, #tpu.memory_space<semaphore_mem>>) src(%dma_wait3A_82 : memref<10000x128xf32, #tpu.memory_space<hbm>>) dst(%arg13 : memref<160x128xf32, #tpu.memory_space<vmem>>)
      %dma_start3A_83 = arith.constant 0 : i32
      %dma_start3A_84 = arith.constant 0 : i32
      %dma_start3A_85 = tpu.memref_slice %arg15[%dma_start3A_83, %dma_start3A_84] : memref<10240x128xf32, #tpu.memory_space<vmem_shared>> -> memref<10240x128xf32, #tpu.memory_space<vmem_shared>>
      tpu.enqueue_indirect_dma source(%arg13 : memref<160x128xf32, #tpu.memory_space<vmem>>) target(%dma_start3A_85 : memref<10240x128xf32, #tpu.memory_space<vmem_shared>>) offsets(%arg8 : memref<160xi32, #tpu.memory_space<vmem>>) semaphore(%arg18 : memref<!tpu.dma_semaphore, #tpu.memory_space<semaphore_mem>>) {add = true}
      %dma_start3A_86 = arith.constant 0 : i32
      %dma_start3A_87 = arith.constant 0 : i32
      %dma_start3A_88 = tpu.memref_slice %arg2[%dma_start3A_86, %dma_start3A_87] : memref<10000x128xf32, #tpu.memory_space<hbm>> -> memref<10000x128xf32, #tpu.memory_space<hbm>>
      tpu.enqueue_indirect_dma source(%dma_start3A_88 : memref<10000x128xf32, #tpu.memory_space<hbm>>) target(%arg14 : memref<160x128xf32, #tpu.memory_space<vmem>>) offsets(%arg9 : memref<160xi32, #tpu.memory_space<vmem>>) semaphore(%arg17 : memref<!tpu.dma_semaphore, #tpu.memory_space<semaphore_mem>>)
      %dma_wait3A_89 = arith.constant 0 : i32
      %dma_wait3A_90 = arith.constant 0 : i32
      %dma_wait3A_91 = tpu.memref_slice %arg15[%dma_wait3A_89, %dma_wait3A_90] : memref<10240x128xf32, #tpu.memory_space<vmem_shared>> -> memref<10240x128xf32, #tpu.memory_space<vmem_shared>>
      tpu.wait_indirect_dma semaphore(%arg18 : memref<!tpu.dma_semaphore, #tpu.memory_space<semaphore_mem>>) src(%arg13 : memref<160x128xf32, #tpu.memory_space<vmem>>) dst(%dma_wait3A_91 : memref<10240x128xf32, #tpu.memory_space<vmem_shared>>)
      %lt3A = arith.constant 30 : i32
      %lt3A_92 = arith.cmpi slt, %scan3A_72, %lt3A : i32
      %convert_element_type3A = arith.extui %lt3A_92 : i1 to i32
      %cond3A = arith.constant 0 : i32
      %cond3A_93 = arith.cmpi ne, %convert_element_type3A, %cond3A : i32
      scf.if %cond3A_93 {
        %mul3A_103 = arith.constant 2 : i32
        %mul3A_104 = arith.muli %mul3A_103, %scan3A_72 : i32
        %add3A_105 = arith.constant 2 : i32
        %add3A_106 = arith.addi %mul3A_104, %add3A_105 : i32
        %mul3A_107 = arith.constant 160 : i32
        %mul3A_108 = arith.muli %add3A_106, %mul3A_107 : i32
        %add3A_109 = arith.addi %mul3A_2, %mul3A_108 : i32
        "tpu.region"() ({
          %run_scoped3A = tpu.sem_alloc : memref<!tpu.dma_semaphore, #tpu.memory_space<semaphore_mem>>
          %dma_start3A_113 = tpu.memref_slice %arg3[%add3A_109] : memref<320000xi32, #tpu.memory_space<hbm>> -> memref<160xi32, #tpu.memory_space<hbm>>
          %dma_start3A_114 = tpu.memref_slice %arg3[%add3A_109] : memref<320000xi32, #tpu.memory_space<hbm>> -> memref<160xi32, #tpu.memory_space<hbm>>
          tpu.enqueue_dma source(%dma_start3A_114 : memref<160xi32, #tpu.memory_space<hbm>>) target(%arg7 : memref<160xi32, #tpu.memory_space<vmem>>) target_semaphore(%run_scoped3A : memref<!tpu.dma_semaphore, #tpu.memory_space<semaphore_mem>>)
          %dma_wait3A_115 = tpu.memref_slice %arg3[%add3A_109] : memref<320000xi32, #tpu.memory_space<hbm>> -> memref<160xi32, #tpu.memory_space<hbm>>
          %dma_wait3A_116 = tpu.memref_slice %arg3[%add3A_109] : memref<320000xi32, #tpu.memory_space<hbm>> -> memref<160xi32, #tpu.memory_space<hbm>>
          tpu.wait_dma2 semaphore(%run_scoped3A : memref<!tpu.dma_semaphore, #tpu.memory_space<semaphore_mem>>) src(%dma_wait3A_116 : memref<160xi32, #tpu.memory_space<hbm>>) dst(%arg7 : memref<160xi32, #tpu.memory_space<vmem>>)
          tpu.yield
        }) : () -> ()
        "tpu.region"() ({
          %run_scoped3A = tpu.sem_alloc : memref<!tpu.dma_semaphore, #tpu.memory_space<semaphore_mem>>
          %dma_start3A_113 = tpu.memref_slice %arg4[%add3A_109] : memref<320000xi32, #tpu.memory_space<hbm>> -> memref<160xi32, #tpu.memory_space<hbm>>
          %dma_start3A_114 = tpu.memref_slice %arg4[%add3A_109] : memref<320000xi32, #tpu.memory_space<hbm>> -> memref<160xi32, #tpu.memory_space<hbm>>
          tpu.enqueue_dma source(%dma_start3A_114 : memref<160xi32, #tpu.memory_space<hbm>>) target(%arg8 : memref<160xi32, #tpu.memory_space<vmem>>) target_semaphore(%run_scoped3A : memref<!tpu.dma_semaphore, #tpu.memory_space<semaphore_mem>>)
          %dma_wait3A_115 = tpu.memref_slice %arg4[%add3A_109] : memref<320000xi32, #tpu.memory_space<hbm>> -> memref<160xi32, #tpu.memory_space<hbm>>
          %dma_wait3A_116 = tpu.memref_slice %arg4[%add3A_109] : memref<320000xi32, #tpu.memory_space<hbm>> -> memref<160xi32, #tpu.memory_space<hbm>>
          tpu.wait_dma2 semaphore(%run_scoped3A : memref<!tpu.dma_semaphore, #tpu.memory_space<semaphore_mem>>) src(%dma_wait3A_116 : memref<160xi32, #tpu.memory_space<hbm>>) dst(%arg8 : memref<160xi32, #tpu.memory_space<vmem>>)
          tpu.yield
        }) : () -> ()
        %dma_start3A_110 = arith.constant 0 : i32
        %dma_start3A_111 = arith.constant 0 : i32
        %dma_start3A_112 = tpu.memref_slice %arg2[%dma_start3A_110, %dma_start3A_111] : memref<10000x128xf32, #tpu.memory_space<hbm>> -> memref<10000x128xf32, #tpu.memory_space<hbm>>
        tpu.enqueue_indirect_dma source(%dma_start3A_112 : memref<10000x128xf32, #tpu.memory_space<hbm>>) target(%arg13 : memref<160x128xf32, #tpu.memory_space<vmem>>) offsets(%arg7 : memref<160xi32, #tpu.memory_space<vmem>>) semaphore(%arg16 : memref<!tpu.dma_semaphore, #tpu.memory_space<semaphore_mem>>)
      } else {
      }
      %dma_wait3A_94 = arith.constant 0 : i32
      %dma_wait3A_95 = arith.constant 0 : i32
      %dma_wait3A_96 = tpu.memref_slice %arg2[%dma_wait3A_94, %dma_wait3A_95] : memref<10000x128xf32, #tpu.memory_space<hbm>> -> memref<10000x128xf32, #tpu.memory_space<hbm>>
      tpu.wait_indirect_dma semaphore(%arg17 : memref<!tpu.dma_semaphore, #tpu.memory_space<semaphore_mem>>) src(%dma_wait3A_96 : memref<10000x128xf32, #tpu.memory_space<hbm>>) dst(%arg14 : memref<160x128xf32, #tpu.memory_space<vmem>>)
      %dma_start3A_97 = arith.constant 0 : i32
      %dma_start3A_98 = arith.constant 0 : i32
      %dma_start3A_99 = tpu.memref_slice %arg15[%dma_start3A_97, %dma_start3A_98] : memref<10240x128xf32, #tpu.memory_space<vmem_shared>> -> memref<10240x128xf32, #tpu.memory_space<vmem_shared>>
      tpu.enqueue_indirect_dma source(%arg14 : memref<160x128xf32, #tpu.memory_space<vmem>>) target(%dma_start3A_99 : memref<10240x128xf32, #tpu.memory_space<vmem_shared>>) offsets(%arg10 : memref<160xi32, #tpu.memory_space<vmem>>) semaphore(%arg19 : memref<!tpu.dma_semaphore, #tpu.memory_space<semaphore_mem>>) {add = true}
      %dma_wait3A_100 = arith.constant 0 : i32
      %dma_wait3A_101 = arith.constant 0 : i32
      %dma_wait3A_102 = tpu.memref_slice %arg15[%dma_wait3A_100, %dma_wait3A_101] : memref<10240x128xf32, #tpu.memory_space<vmem_shared>> -> memref<10240x128xf32, #tpu.memory_space<vmem_shared>>
      tpu.wait_indirect_dma semaphore(%arg19 : memref<!tpu.dma_semaphore, #tpu.memory_space<semaphore_mem>>) src(%arg14 : memref<160x128xf32, #tpu.memory_space<vmem>>) dst(%dma_wait3A_102 : memref<10240x128xf32, #tpu.memory_space<vmem_shared>>)
    }
    %scan3A_25 = arith.constant 31 : i32
    %add3A_26 = arith.constant 9920 : i32
    %add3A_27 = arith.addi %mul3A_2, %add3A_26 : i32
    "tpu.region"() ({
      %run_scoped3A = tpu.sem_alloc : memref<!tpu.dma_semaphore, #tpu.memory_space<semaphore_mem>>
      %dma_start3A_72 = tpu.memref_slice %arg3[%add3A_27] : memref<320000xi32, #tpu.memory_space<hbm>> -> memref<80xi32, #tpu.memory_space<hbm>>
      %dma_start3A_73 = tpu.memref_slice %arg3[%add3A_27] : memref<320000xi32, #tpu.memory_space<hbm>> -> memref<80xi32, #tpu.memory_space<hbm>>
      tpu.enqueue_dma source(%dma_start3A_73 : memref<80xi32, #tpu.memory_space<hbm>>) target(%arg11 : memref<80xi32, #tpu.memory_space<vmem>>) target_semaphore(%run_scoped3A : memref<!tpu.dma_semaphore, #tpu.memory_space<semaphore_mem>>)
      %dma_wait3A_74 = tpu.memref_slice %arg3[%add3A_27] : memref<320000xi32, #tpu.memory_space<hbm>> -> memref<80xi32, #tpu.memory_space<hbm>>
      %dma_wait3A_75 = tpu.memref_slice %arg3[%add3A_27] : memref<320000xi32, #tpu.memory_space<hbm>> -> memref<80xi32, #tpu.memory_space<hbm>>
      tpu.wait_dma2 semaphore(%run_scoped3A : memref<!tpu.dma_semaphore, #tpu.memory_space<semaphore_mem>>) src(%dma_wait3A_75 : memref<80xi32, #tpu.memory_space<hbm>>) dst(%arg11 : memref<80xi32, #tpu.memory_space<vmem>>)
      tpu.yield
    }) : () -> ()
    "tpu.region"() ({
      %run_scoped3A = tpu.sem_alloc : memref<!tpu.dma_semaphore, #tpu.memory_space<semaphore_mem>>
      %dma_start3A_72 = tpu.memref_slice %arg4[%add3A_27] : memref<320000xi32, #tpu.memory_space<hbm>> -> memref<80xi32, #tpu.memory_space<hbm>>
      %dma_start3A_73 = tpu.memref_slice %arg4[%add3A_27] : memref<320000xi32, #tpu.memory_space<hbm>> -> memref<80xi32, #tpu.memory_space<hbm>>
      tpu.enqueue_dma source(%dma_start3A_73 : memref<80xi32, #tpu.memory_space<hbm>>) target(%arg12 : memref<80xi32, #tpu.memory_space<vmem>>) target_semaphore(%run_scoped3A : memref<!tpu.dma_semaphore, #tpu.memory_space<semaphore_mem>>)
      %dma_wait3A_74 = tpu.memref_slice %arg4[%add3A_27] : memref<320000xi32, #tpu.memory_space<hbm>> -> memref<80xi32, #tpu.memory_space<hbm>>
      %dma_wait3A_75 = tpu.memref_slice %arg4[%add3A_27] : memref<320000xi32, #tpu.memory_space<hbm>> -> memref<80xi32, #tpu.memory_space<hbm>>
      tpu.wait_dma2 semaphore(%run_scoped3A : memref<!tpu.dma_semaphore, #tpu.memory_space<semaphore_mem>>) src(%dma_wait3A_75 : memref<80xi32, #tpu.memory_space<hbm>>) dst(%arg12 : memref<80xi32, #tpu.memory_space<vmem>>)
      tpu.yield
    }) : () -> ()
    %dma_start3A_28 = arith.constant 0 : i32
    %dma_start3A_29 = arith.constant 0 : i32
    %dma_start3A_30 = tpu.memref_slice %arg13[%dma_start3A_28, %dma_start3A_29] : memref<160x128xf32, #tpu.memory_space<vmem>> -> memref<80x128xf32, #tpu.memory_space<vmem>>
    %dma_start3A_31 = arith.constant 0 : i32
    %dma_start3A_32 = arith.constant 0 : i32
    %dma_start3A_33 = tpu.memref_slice %arg2[%dma_start3A_31, %dma_start3A_32] : memref<10000x128xf32, #tpu.memory_space<hbm>> -> memref<10000x128xf32, #tpu.memory_space<hbm>>
    tpu.enqueue_indirect_dma source(%dma_start3A_33 : memref<10000x128xf32, #tpu.memory_space<hbm>>) target(%dma_start3A_30 : memref<80x128xf32, #tpu.memory_space<vmem>>) offsets(%arg11 : memref<80xi32, #tpu.memory_space<vmem>>) semaphore(%arg16 : memref<!tpu.dma_semaphore, #tpu.memory_space<semaphore_mem>>)
    %dma_wait3A = arith.constant 0 : i32
    %dma_wait3A_34 = arith.constant 0 : i32
    %dma_wait3A_35 = tpu.memref_slice %arg13[%dma_wait3A, %dma_wait3A_34] : memref<160x128xf32, #tpu.memory_space<vmem>> -> memref<80x128xf32, #tpu.memory_space<vmem>>
    %dma_wait3A_36 = arith.constant 0 : i32
    %dma_wait3A_37 = arith.constant 0 : i32
    %dma_wait3A_38 = tpu.memref_slice %arg2[%dma_wait3A_36, %dma_wait3A_37] : memref<10000x128xf32, #tpu.memory_space<hbm>> -> memref<10000x128xf32, #tpu.memory_space<hbm>>
    tpu.wait_indirect_dma semaphore(%arg16 : memref<!tpu.dma_semaphore, #tpu.memory_space<semaphore_mem>>) src(%dma_wait3A_38 : memref<10000x128xf32, #tpu.memory_space<hbm>>) dst(%dma_wait3A_35 : memref<80x128xf32, #tpu.memory_space<vmem>>)
    "tpu.region"() ({
      %run_scoped3A = tpu.sem_alloc : memref<!tpu.dma_semaphore, #tpu.memory_space<semaphore_mem>>
      %dma_start3A_72 = arith.constant 0 : i32
      %dma_start3A_73 = arith.constant 0 : i32
      %dma_start3A_74 = tpu.memref_slice %arg13[%dma_start3A_72, %dma_start3A_73] : memref<160x128xf32, #tpu.memory_space<vmem>> -> memref<80x128xf32, #tpu.memory_space<vmem>>
      %dma_start3A_75 = arith.constant 0 : i32
      %dma_start3A_76 = arith.constant 0 : i32
      %dma_start3A_77 = tpu.memref_slice %arg15[%dma_start3A_75, %dma_start3A_76] : memref<10240x128xf32, #tpu.memory_space<vmem_shared>> -> memref<10240x128xf32, #tpu.memory_space<vmem_shared>>
      tpu.enqueue_indirect_dma source(%dma_start3A_74 : memref<80x128xf32, #tpu.memory_space<vmem>>) target(%dma_start3A_77 : memref<10240x128xf32, #tpu.memory_space<vmem_shared>>) offsets(%arg12 : memref<80xi32, #tpu.memory_space<vmem>>) semaphore(%run_scoped3A : memref<!tpu.dma_semaphore, #tpu.memory_space<semaphore_mem>>) {add = true}
      %dma_wait3A_78 = arith.constant 0 : i32
      %dma_wait3A_79 = arith.constant 0 : i32
      %dma_wait3A_80 = tpu.memref_slice %arg13[%dma_wait3A_78, %dma_wait3A_79] : memref<160x128xf32, #tpu.memory_space<vmem>> -> memref<80x128xf32, #tpu.memory_space<vmem>>
      %dma_wait3A_81 = arith.constant 0 : i32
      %dma_wait3A_82 = arith.constant 0 : i32
      %dma_wait3A_83 = tpu.memref_slice %arg15[%dma_wait3A_81, %dma_wait3A_82] : memref<10240x128xf32, #tpu.memory_space<vmem_shared>> -> memref<10240x128xf32, #tpu.memory_space<vmem_shared>>
      tpu.wait_indirect_dma semaphore(%run_scoped3A : memref<!tpu.dma_semaphore, #tpu.memory_space<semaphore_mem>>) src(%dma_wait3A_80 : memref<80x128xf32, #tpu.memory_space<vmem>>) dst(%dma_wait3A_83 : memref<10240x128xf32, #tpu.memory_space<vmem_shared>>)
      tpu.yield
    }) : () -> ()
    %barrier3A_39 = arith.constant 0 : index
    tpu.barrier barrier_id(%barrier3A_39)
    %mul3A_40 = arith.constant 640 : i32
    %mul3A_41 = arith.muli %arg1, %mul3A_40 : i32
    %add3A_42 = arith.constant 0 : i32
    %add3A_43 = arith.addi %mul3A_41, %add3A_42 : i32
    %mul3A_44 = arith.constant 640 : i32
    %mul3A_45 = arith.muli %arg1, %mul3A_44 : i32
    %add3A_46 = arith.constant 0 : i32
    %add3A_47 = arith.addi %mul3A_45, %add3A_46 : i32
    "tpu.region"() ({
      %run_scoped3A = tpu.sem_alloc : memref<!tpu.dma_semaphore, #tpu.memory_space<semaphore_mem>>
      %dma_start3A_72 = arith.constant 0 : i32
      %dma_start3A_73 = tpu.memref_slice %arg6[%arg0, %add3A_47, %dma_start3A_72] : memref<2x10240x128xf32, #tpu.memory_space<hbm>> -> memref<1x160x128xf32, #tpu.memory_space<hbm>>
      %dma_start3A_74 = tpu.memref_squeeze %dma_start3A_73 : memref<1x160x128xf32, #tpu.memory_space<hbm>> -> memref<160x128xf32, #tpu.memory_space<hbm>>
      %dma_start3A_75 = arith.constant 0 : i32
      %dma_start3A_76 = tpu.memref_slice %arg15[%add3A_43, %dma_start3A_75] : memref<10240x128xf32, #tpu.memory_space<vmem_shared>> -> memref<160x128xf32, #tpu.memory_space<vmem_shared>>
      tpu.enqueue_dma source(%dma_start3A_76 : memref<160x128xf32, #tpu.memory_space<vmem_shared>>) target(%dma_start3A_74 : memref<160x128xf32, #tpu.memory_space<hbm>>) target_semaphore(%run_scoped3A : memref<!tpu.dma_semaphore, #tpu.memory_space<semaphore_mem>>)
      %dma_wait3A_77 = arith.constant 0 : i32
      %dma_wait3A_78 = tpu.memref_slice %arg6[%arg0, %add3A_47, %dma_wait3A_77] : memref<2x10240x128xf32, #tpu.memory_space<hbm>> -> memref<1x160x128xf32, #tpu.memory_space<hbm>>
      %dma_wait3A_79 = tpu.memref_squeeze %dma_wait3A_78 : memref<1x160x128xf32, #tpu.memory_space<hbm>> -> memref<160x128xf32, #tpu.memory_space<hbm>>
      %dma_wait3A_80 = arith.constant 0 : i32
      %dma_wait3A_81 = tpu.memref_slice %arg15[%add3A_43, %dma_wait3A_80] : memref<10240x128xf32, #tpu.memory_space<vmem_shared>> -> memref<160x128xf32, #tpu.memory_space<vmem_shared>>
      tpu.wait_dma2 semaphore(%run_scoped3A : memref<!tpu.dma_semaphore, #tpu.memory_space<semaphore_mem>>) src(%dma_wait3A_81 : memref<160x128xf32, #tpu.memory_space<vmem_shared>>) dst(%dma_wait3A_79 : memref<160x128xf32, #tpu.memory_space<hbm>>)
      tpu.yield
    }) : () -> ()
    %mul3A_48 = arith.constant 640 : i32
    %mul3A_49 = arith.muli %arg1, %mul3A_48 : i32
    %add3A_50 = arith.constant 160 : i32
    %add3A_51 = arith.addi %mul3A_49, %add3A_50 : i32
    %mul3A_52 = arith.constant 640 : i32
    %mul3A_53 = arith.muli %arg1, %mul3A_52 : i32
    %add3A_54 = arith.constant 160 : i32
    %add3A_55 = arith.addi %mul3A_53, %add3A_54 : i32
    "tpu.region"() ({
      %run_scoped3A = tpu.sem_alloc : memref<!tpu.dma_semaphore, #tpu.memory_space<semaphore_mem>>
      %dma_start3A_72 = arith.constant 0 : i32
      %dma_start3A_73 = tpu.memref_slice %arg6[%arg0, %add3A_55, %dma_start3A_72] : memref<2x10240x128xf32, #tpu.memory_space<hbm>> -> memref<1x160x128xf32, #tpu.memory_space<hbm>>
      %dma_start3A_74 = tpu.memref_squeeze %dma_start3A_73 : memref<1x160x128xf32, #tpu.memory_space<hbm>> -> memref<160x128xf32, #tpu.memory_space<hbm>>
      %dma_start3A_75 = arith.constant 0 : i32
      %dma_start3A_76 = tpu.memref_slice %arg15[%add3A_51, %dma_start3A_75] : memref<10240x128xf32, #tpu.memory_space<vmem_shared>> -> memref<160x128xf32, #tpu.memory_space<vmem_shared>>
      tpu.enqueue_dma source(%dma_start3A_76 : memref<160x128xf32, #tpu.memory_space<vmem_shared>>) target(%dma_start3A_74 : memref<160x128xf32, #tpu.memory_space<hbm>>) target_semaphore(%run_scoped3A : memref<!tpu.dma_semaphore, #tpu.memory_space<semaphore_mem>>)
      %dma_wait3A_77 = arith.constant 0 : i32
      %dma_wait3A_78 = tpu.memref_slice %arg6[%arg0, %add3A_55, %dma_wait3A_77] : memref<2x10240x128xf32, #tpu.memory_space<hbm>> -> memref<1x160x128xf32, #tpu.memory_space<hbm>>
      %dma_wait3A_79 = tpu.memref_squeeze %dma_wait3A_78 : memref<1x160x128xf32, #tpu.memory_space<hbm>> -> memref<160x128xf32, #tpu.memory_space<hbm>>
      %dma_wait3A_80 = arith.constant 0 : i32
      %dma_wait3A_81 = tpu.memref_slice %arg15[%add3A_51, %dma_wait3A_80] : memref<10240x128xf32, #tpu.memory_space<vmem_shared>> -> memref<160x128xf32, #tpu.memory_space<vmem_shared>>
      tpu.wait_dma2 semaphore(%run_scoped3A : memref<!tpu.dma_semaphore, #tpu.memory_space<semaphore_mem>>) src(%dma_wait3A_81 : memref<160x128xf32, #tpu.memory_space<vmem_shared>>) dst(%dma_wait3A_79 : memref<160x128xf32, #tpu.memory_space<hbm>>)
      tpu.yield
    }) : () -> ()
    %mul3A_56 = arith.constant 640 : i32
    %mul3A_57 = arith.muli %arg1, %mul3A_56 : i32
    %add3A_58 = arith.constant 320 : i32
    %add3A_59 = arith.addi %mul3A_57, %add3A_58 : i32
    %mul3A_60 = arith.constant 640 : i32
    %mul3A_61 = arith.muli %arg1, %mul3A_60 : i32
    %add3A_62 = arith.constant 320 : i32
    %add3A_63 = arith.addi %mul3A_61, %add3A_62 : i32
    "tpu.region"() ({
      %run_scoped3A = tpu.sem_alloc : memref<!tpu.dma_semaphore, #tpu.memory_space<semaphore_mem>>
      %dma_start3A_72 = arith.constant 0 : i32
      %dma_start3A_73 = tpu.memref_slice %arg6[%arg0, %add3A_63, %dma_start3A_72] : memref<2x10240x128xf32, #tpu.memory_space<hbm>> -> memref<1x160x128xf32, #tpu.memory_space<hbm>>
      %dma_start3A_74 = tpu.memref_squeeze %dma_start3A_73 : memref<1x160x128xf32, #tpu.memory_space<hbm>> -> memref<160x128xf32, #tpu.memory_space<hbm>>
      %dma_start3A_75 = arith.constant 0 : i32
      %dma_start3A_76 = tpu.memref_slice %arg15[%add3A_59, %dma_start3A_75] : memref<10240x128xf32, #tpu.memory_space<vmem_shared>> -> memref<160x128xf32, #tpu.memory_space<vmem_shared>>
      tpu.enqueue_dma source(%dma_start3A_76 : memref<160x128xf32, #tpu.memory_space<vmem_shared>>) target(%dma_start3A_74 : memref<160x128xf32, #tpu.memory_space<hbm>>) target_semaphore(%run_scoped3A : memref<!tpu.dma_semaphore, #tpu.memory_space<semaphore_mem>>)
      %dma_wait3A_77 = arith.constant 0 : i32
      %dma_wait3A_78 = tpu.memref_slice %arg6[%arg0, %add3A_63, %dma_wait3A_77] : memref<2x10240x128xf32, #tpu.memory_space<hbm>> -> memref<1x160x128xf32, #tpu.memory_space<hbm>>
      %dma_wait3A_79 = tpu.memref_squeeze %dma_wait3A_78 : memref<1x160x128xf32, #tpu.memory_space<hbm>> -> memref<160x128xf32, #tpu.memory_space<hbm>>
      %dma_wait3A_80 = arith.constant 0 : i32
      %dma_wait3A_81 = tpu.memref_slice %arg15[%add3A_59, %dma_wait3A_80] : memref<10240x128xf32, #tpu.memory_space<vmem_shared>> -> memref<160x128xf32, #tpu.memory_space<vmem_shared>>
      tpu.wait_dma2 semaphore(%run_scoped3A : memref<!tpu.dma_semaphore, #tpu.memory_space<semaphore_mem>>) src(%dma_wait3A_81 : memref<160x128xf32, #tpu.memory_space<vmem_shared>>) dst(%dma_wait3A_79 : memref<160x128xf32, #tpu.memory_space<hbm>>)
      tpu.yield
    }) : () -> ()
    %mul3A_64 = arith.constant 640 : i32
    %mul3A_65 = arith.muli %arg1, %mul3A_64 : i32
    %add3A_66 = arith.constant 480 : i32
    %add3A_67 = arith.addi %mul3A_65, %add3A_66 : i32
    %mul3A_68 = arith.constant 640 : i32
    %mul3A_69 = arith.muli %arg1, %mul3A_68 : i32
    %add3A_70 = arith.constant 480 : i32
    %add3A_71 = arith.addi %mul3A_69, %add3A_70 : i32
    "tpu.region"() ({
      %run_scoped3A = tpu.sem_alloc : memref<!tpu.dma_semaphore, #tpu.memory_space<semaphore_mem>>
      %dma_start3A_72 = arith.constant 0 : i32
      %dma_start3A_73 = tpu.memref_slice %arg6[%arg0, %add3A_71, %dma_start3A_72] : memref<2x10240x128xf32, #tpu.memory_space<hbm>> -> memref<1x160x128xf32, #tpu.memory_space<hbm>>
      %dma_start3A_74 = tpu.memref_squeeze %dma_start3A_73 : memref<1x160x128xf32, #tpu.memory_space<hbm>> -> memref<160x128xf32, #tpu.memory_space<hbm>>
      %dma_start3A_75 = arith.constant 0 : i32
      %dma_start3A_76 = tpu.memref_slice %arg15[%add3A_67, %dma_start3A_75] : memref<10240x128xf32, #tpu.memory_space<vmem_shared>> -> memref<160x128xf32, #tpu.memory_space<vmem_shared>>
      tpu.enqueue_dma source(%dma_start3A_76 : memref<160x128xf32, #tpu.memory_space<vmem_shared>>) target(%dma_start3A_74 : memref<160x128xf32, #tpu.memory_space<hbm>>) target_semaphore(%run_scoped3A : memref<!tpu.dma_semaphore, #tpu.memory_space<semaphore_mem>>)
      %dma_wait3A_77 = arith.constant 0 : i32
      %dma_wait3A_78 = tpu.memref_slice %arg6[%arg0, %add3A_71, %dma_wait3A_77] : memref<2x10240x128xf32, #tpu.memory_space<hbm>> -> memref<1x160x128xf32, #tpu.memory_space<hbm>>
      %dma_wait3A_79 = tpu.memref_squeeze %dma_wait3A_78 : memref<1x160x128xf32, #tpu.memory_space<hbm>> -> memref<160x128xf32, #tpu.memory_space<hbm>>
      %dma_wait3A_80 = arith.constant 0 : i32
      %dma_wait3A_81 = tpu.memref_slice %arg15[%add3A_67, %dma_wait3A_80] : memref<10240x128xf32, #tpu.memory_space<vmem_shared>> -> memref<160x128xf32, #tpu.memory_space<vmem_shared>>
      tpu.wait_dma2 semaphore(%run_scoped3A : memref<!tpu.dma_semaphore, #tpu.memory_space<semaphore_mem>>) src(%dma_wait3A_81 : memref<160x128xf32, #tpu.memory_space<vmem_shared>>) dst(%dma_wait3A_79 : memref<160x128xf32, #tpu.memory_space<hbm>>)
      tpu.yield
    }) : () -> ()
    return
  }
}

#map = affine_map<(d0, d1) -> (0, 0)>
#map1 = affine_map<(d0, d1) -> (0)>
module attributes {stable_mosaic.version = 14 : i64} {
  func.func @k(%arg0: i32, %arg1: i32, %arg2: memref<10000x128xf32, #tpu.memory_space<hbm>>, %arg3: memref<320000xi32, #tpu.memory_space<hbm>>, %arg4: memref<320000xi32, #tpu.memory_space<hbm>>, %arg5: memref<160000x128xf32, #tpu.memory_space<hbm>>, %arg6: memref<200xi32, #tpu.memory_space<vmem>>, %arg7: memref<200xi32, #tpu.memory_space<vmem>>, %arg8: memref<200xi32, #tpu.memory_space<vmem>>, %arg9: memref<200xi32, #tpu.memory_space<vmem>>, %arg10: memref<200x128xf32, #tpu.memory_space<vmem>>, %arg11: memref<200x128xf32, #tpu.memory_space<vmem>>, %arg12: memref<200x128xf32, #tpu.memory_space<vmem>>, %arg13: memref<200x128xf32, #tpu.memory_space<vmem>>, %arg14: memref<!tpu.dma_semaphore, #tpu.memory_space<semaphore_mem>>, %arg15: memref<!tpu.dma_semaphore, #tpu.memory_space<semaphore_mem>>, %arg16: memref<!tpu.dma_semaphore, #tpu.memory_space<semaphore_mem>>, %arg17: memref<!tpu.dma_semaphore, #tpu.memory_space<semaphore_mem>>, %arg18: memref<!tpu.dma_semaphore, #tpu.memory_space<semaphore_mem>>, %arg19: memref<!tpu.dma_semaphore, #tpu.memory_space<semaphore_mem>>) attributes {dimension_semantics = [#tpu.dimension_semantics<core_parallel>, #tpu.dimension_semantics<subcore_parallel>], iteration_bounds = array<i64: 2, 16>, scalar_prefetch = 0 : i64, scratch_operands = 14 : i64, tpu.core_type = #tpu.core_type<sc_vector_subcore>, window_params = [{transform_indices = #map}, {transform_indices = #map1}, {transform_indices = #map1}, {transform_indices = #map}]} {
    %mul3A = arith.constant 16 : i32
    %mul3A_0 = arith.muli %arg0, %mul3A : i32
    %add3A = arith.addi %mul3A_0, %arg1 : i32
    %mul3A_1 = arith.constant 5000 : i32
    %mul3A_2 = arith.muli %add3A, %mul3A_1 : i32
    %add3A_3 = arith.constant 0 : i32
    %add3A_4 = arith.addi %add3A_3, %mul3A_2 : i32
    %mul3A_5 = arith.constant 5000 : i32
    %mul3A_6 = arith.muli %add3A, %mul3A_5 : i32
    %add3A_7 = arith.constant 0 : i32
    %add3A_8 = arith.addi %add3A_4, %add3A_7 : i32
    "tpu.region"() ({
      %run_scoped3A = tpu.sem_alloc : memref<!tpu.dma_semaphore, #tpu.memory_space<semaphore_mem>>
      %dma_start3A_42 = tpu.memref_slice %arg3[%add3A_8] : memref<320000xi32, #tpu.memory_space<hbm>> -> memref<200xi32, #tpu.memory_space<hbm>>
      %dma_start3A_43 = tpu.memref_slice %arg3[%add3A_8] : memref<320000xi32, #tpu.memory_space<hbm>> -> memref<200xi32, #tpu.memory_space<hbm>>
      tpu.enqueue_dma source(%dma_start3A_43 : memref<200xi32, #tpu.memory_space<hbm>>) target(%arg6 : memref<200xi32, #tpu.memory_space<vmem>>) target_semaphore(%run_scoped3A : memref<!tpu.dma_semaphore, #tpu.memory_space<semaphore_mem>>)
      %dma_wait3A_44 = tpu.memref_slice %arg3[%add3A_8] : memref<320000xi32, #tpu.memory_space<hbm>> -> memref<200xi32, #tpu.memory_space<hbm>>
      %dma_wait3A_45 = tpu.memref_slice %arg3[%add3A_8] : memref<320000xi32, #tpu.memory_space<hbm>> -> memref<200xi32, #tpu.memory_space<hbm>>
      tpu.wait_dma2 semaphore(%run_scoped3A : memref<!tpu.dma_semaphore, #tpu.memory_space<semaphore_mem>>) src(%dma_wait3A_45 : memref<200xi32, #tpu.memory_space<hbm>>) dst(%arg6 : memref<200xi32, #tpu.memory_space<vmem>>)
      tpu.yield
    }) : () -> ()
    "tpu.region"() ({
      %run_scoped3A = tpu.sem_alloc : memref<!tpu.dma_semaphore, #tpu.memory_space<semaphore_mem>>
      %dma_start3A_42 = tpu.memref_slice %arg4[%add3A_8] : memref<320000xi32, #tpu.memory_space<hbm>> -> memref<200xi32, #tpu.memory_space<hbm>>
      %dma_start3A_43 = tpu.memref_slice %arg4[%add3A_8] : memref<320000xi32, #tpu.memory_space<hbm>> -> memref<200xi32, #tpu.memory_space<hbm>>
      tpu.enqueue_dma source(%dma_start3A_43 : memref<200xi32, #tpu.memory_space<hbm>>) target(%arg7 : memref<200xi32, #tpu.memory_space<vmem>>) target_semaphore(%run_scoped3A : memref<!tpu.dma_semaphore, #tpu.memory_space<semaphore_mem>>)
      %dma_wait3A_44 = tpu.memref_slice %arg4[%add3A_8] : memref<320000xi32, #tpu.memory_space<hbm>> -> memref<200xi32, #tpu.memory_space<hbm>>
      %dma_wait3A_45 = tpu.memref_slice %arg4[%add3A_8] : memref<320000xi32, #tpu.memory_space<hbm>> -> memref<200xi32, #tpu.memory_space<hbm>>
      tpu.wait_dma2 semaphore(%run_scoped3A : memref<!tpu.dma_semaphore, #tpu.memory_space<semaphore_mem>>) src(%dma_wait3A_45 : memref<200xi32, #tpu.memory_space<hbm>>) dst(%arg7 : memref<200xi32, #tpu.memory_space<vmem>>)
      tpu.yield
    }) : () -> ()
    %dma_start3A = arith.constant 0 : i32
    %dma_start3A_9 = arith.constant 0 : i32
    %dma_start3A_10 = tpu.memref_slice %arg2[%dma_start3A, %dma_start3A_9] : memref<10000x128xf32, #tpu.memory_space<hbm>> -> memref<10000x128xf32, #tpu.memory_space<hbm>>
    tpu.enqueue_indirect_dma source(%dma_start3A_10 : memref<10000x128xf32, #tpu.memory_space<hbm>>) target(%arg10 : memref<200x128xf32, #tpu.memory_space<vmem>>) offsets(%arg6 : memref<200xi32, #tpu.memory_space<vmem>>) semaphore(%arg14 : memref<!tpu.dma_semaphore, #tpu.memory_space<semaphore_mem>>)
    %dma_start3A_11 = arith.constant 0 : i32
    %dma_start3A_12 = arith.constant 0 : i32
    %dma_start3A_13 = tpu.memref_slice %arg2[%dma_start3A_11, %dma_start3A_12] : memref<10000x128xf32, #tpu.memory_space<hbm>> -> memref<10000x128xf32, #tpu.memory_space<hbm>>
    tpu.enqueue_indirect_dma source(%dma_start3A_13 : memref<10000x128xf32, #tpu.memory_space<hbm>>) target(%arg11 : memref<200x128xf32, #tpu.memory_space<vmem>>) offsets(%arg7 : memref<200xi32, #tpu.memory_space<vmem>>) semaphore(%arg15 : memref<!tpu.dma_semaphore, #tpu.memory_space<semaphore_mem>>)
    %scan3A = arith.constant 0 : i32
    %scan3A_14 = arith.constant 0 : i32
    %scan3A_15 = arith.constant 12 : i32
    %scan3A_16 = arith.addi %scan3A_14, %scan3A_15 : i32
    %scan3A_17 = arith.constant 1 : i32
    scf.for %scan3A_42 = %scan3A_14 to %scan3A_16 step %scan3A_17  : i32 {
      %mul3A_43 = arith.constant 2 : i32
      %mul3A_44 = arith.muli %mul3A_43, %scan3A_42 : i32
      %add3A_45 = arith.constant 1 : i32
      %add3A_46 = arith.addi %mul3A_44, %add3A_45 : i32
      %mul3A_47 = arith.constant 200 : i32
      %mul3A_48 = arith.muli %add3A_46, %mul3A_47 : i32
      %add3A_49 = arith.addi %add3A_4, %mul3A_48 : i32
      "tpu.region"() ({
        %run_scoped3A = tpu.sem_alloc : memref<!tpu.dma_semaphore, #tpu.memory_space<semaphore_mem>>
        %dma_start3A_119 = tpu.memref_slice %arg3[%add3A_49] : memref<320000xi32, #tpu.memory_space<hbm>> -> memref<200xi32, #tpu.memory_space<hbm>>
        %dma_start3A_120 = tpu.memref_slice %arg3[%add3A_49] : memref<320000xi32, #tpu.memory_space<hbm>> -> memref<200xi32, #tpu.memory_space<hbm>>
        tpu.enqueue_dma source(%dma_start3A_120 : memref<200xi32, #tpu.memory_space<hbm>>) target(%arg8 : memref<200xi32, #tpu.memory_space<vmem>>) target_semaphore(%run_scoped3A : memref<!tpu.dma_semaphore, #tpu.memory_space<semaphore_mem>>)
        %dma_wait3A_121 = tpu.memref_slice %arg3[%add3A_49] : memref<320000xi32, #tpu.memory_space<hbm>> -> memref<200xi32, #tpu.memory_space<hbm>>
        %dma_wait3A_122 = tpu.memref_slice %arg3[%add3A_49] : memref<320000xi32, #tpu.memory_space<hbm>> -> memref<200xi32, #tpu.memory_space<hbm>>
        tpu.wait_dma2 semaphore(%run_scoped3A : memref<!tpu.dma_semaphore, #tpu.memory_space<semaphore_mem>>) src(%dma_wait3A_122 : memref<200xi32, #tpu.memory_space<hbm>>) dst(%arg8 : memref<200xi32, #tpu.memory_space<vmem>>)
        tpu.yield
      }) : () -> ()
      "tpu.region"() ({
        %run_scoped3A = tpu.sem_alloc : memref<!tpu.dma_semaphore, #tpu.memory_space<semaphore_mem>>
        %dma_start3A_119 = tpu.memref_slice %arg4[%add3A_49] : memref<320000xi32, #tpu.memory_space<hbm>> -> memref<200xi32, #tpu.memory_space<hbm>>
        %dma_start3A_120 = tpu.memref_slice %arg4[%add3A_49] : memref<320000xi32, #tpu.memory_space<hbm>> -> memref<200xi32, #tpu.memory_space<hbm>>
        tpu.enqueue_dma source(%dma_start3A_120 : memref<200xi32, #tpu.memory_space<hbm>>) target(%arg9 : memref<200xi32, #tpu.memory_space<vmem>>) target_semaphore(%run_scoped3A : memref<!tpu.dma_semaphore, #tpu.memory_space<semaphore_mem>>)
        %dma_wait3A_121 = tpu.memref_slice %arg4[%add3A_49] : memref<320000xi32, #tpu.memory_space<hbm>> -> memref<200xi32, #tpu.memory_space<hbm>>
        %dma_wait3A_122 = tpu.memref_slice %arg4[%add3A_49] : memref<320000xi32, #tpu.memory_space<hbm>> -> memref<200xi32, #tpu.memory_space<hbm>>
        tpu.wait_dma2 semaphore(%run_scoped3A : memref<!tpu.dma_semaphore, #tpu.memory_space<semaphore_mem>>) src(%dma_wait3A_122 : memref<200xi32, #tpu.memory_space<hbm>>) dst(%arg9 : memref<200xi32, #tpu.memory_space<vmem>>)
        tpu.yield
      }) : () -> ()
      %dma_wait3A_50 = arith.constant 0 : i32
      %dma_wait3A_51 = arith.constant 0 : i32
      %dma_wait3A_52 = tpu.memref_slice %arg2[%dma_wait3A_50, %dma_wait3A_51] : memref<10000x128xf32, #tpu.memory_space<hbm>> -> memref<10000x128xf32, #tpu.memory_space<hbm>>
      tpu.wait_indirect_dma semaphore(%arg14 : memref<!tpu.dma_semaphore, #tpu.memory_space<semaphore_mem>>) src(%dma_wait3A_52 : memref<10000x128xf32, #tpu.memory_space<hbm>>) dst(%arg10 : memref<200x128xf32, #tpu.memory_space<vmem>>)
      %dma_wait3A_53 = arith.constant 0 : i32
      %dma_wait3A_54 = arith.constant 0 : i32
      %dma_wait3A_55 = tpu.memref_slice %arg2[%dma_wait3A_53, %dma_wait3A_54] : memref<10000x128xf32, #tpu.memory_space<hbm>> -> memref<10000x128xf32, #tpu.memory_space<hbm>>
      tpu.wait_indirect_dma semaphore(%arg15 : memref<!tpu.dma_semaphore, #tpu.memory_space<semaphore_mem>>) src(%dma_wait3A_55 : memref<10000x128xf32, #tpu.memory_space<hbm>>) dst(%arg11 : memref<200x128xf32, #tpu.memory_space<vmem>>)
      %scan3A_56 = arith.constant 0 : i32
      %scan3A_57 = arith.constant 0 : i32
      %scan3A_58 = arith.constant 200 : i32
      %scan3A_59 = arith.addi %scan3A_57, %scan3A_58 : i32
      %scan3A_60 = arith.constant 1 : i32
      scf.for %scan3A_119 = %scan3A_57 to %scan3A_59 step %scan3A_60  : i32 {
        %get3A = arith.index_cast %scan3A_119 : i32 to index
        %get3A_120 = arith.constant 64 : index
        %get3A_121 = tpu.vector_load %arg11[%get3A, %get3A_120] {strides = array<i32>} : memref<200x128xf32, #tpu.memory_space<vmem>>, vector<1x16xf32>,
        %get3A_122 = vector.shape_cast %get3A_121 : vector<1x16xf32> to vector<16xf32>
        %swap3A = arith.index_cast %scan3A_119 : i32 to index
        %swap3A_123 = arith.constant 64 : index
        %swap3A_124 = tpu.vector_load %arg10[%swap3A, %swap3A_123] {strides = array<i32>} : memref<200x128xf32, #tpu.memory_space<vmem>>, vector<1x16xf32>,
        %swap3A_125 = vector.shape_cast %swap3A_124 : vector<1x16xf32> to vector<16xf32>
        %swap3A_126 = vector.shape_cast %get3A_122 : vector<16xf32> to vector<1x16xf32>
        tpu.vector_store %arg10[%swap3A, %swap3A_123], %swap3A_126 {strides = array<i32>} : memref<200x128xf32, #tpu.memory_space<vmem>>, vector<1x16xf32>,
        %get3A_127 = arith.index_cast %scan3A_119 : i32 to index
        %get3A_128 = arith.constant 80 : index
        %get3A_129 = tpu.vector_load %arg11[%get3A_127, %get3A_128] {strides = array<i32>} : memref<200x128xf32, #tpu.memory_space<vmem>>, vector<1x16xf32>,
        %get3A_130 = vector.shape_cast %get3A_129 : vector<1x16xf32> to vector<16xf32>
        %swap3A_131 = arith.index_cast %scan3A_119 : i32 to index
        %swap3A_132 = arith.constant 80 : index
        %swap3A_133 = tpu.vector_load %arg10[%swap3A_131, %swap3A_132] {strides = array<i32>} : memref<200x128xf32, #tpu.memory_space<vmem>>, vector<1x16xf32>,
        %swap3A_134 = vector.shape_cast %swap3A_133 : vector<1x16xf32> to vector<16xf32>
        %swap3A_135 = vector.shape_cast %get3A_130 : vector<16xf32> to vector<1x16xf32>
        tpu.vector_store %arg10[%swap3A_131, %swap3A_132], %swap3A_135 {strides = array<i32>} : memref<200x128xf32, #tpu.memory_space<vmem>>, vector<1x16xf32>,
        %get3A_136 = arith.index_cast %scan3A_119 : i32 to index
        %get3A_137 = arith.constant 96 : index
        %get3A_138 = tpu.vector_load %arg11[%get3A_136, %get3A_137] {strides = array<i32>} : memref<200x128xf32, #tpu.memory_space<vmem>>, vector<1x16xf32>,
        %get3A_139 = vector.shape_cast %get3A_138 : vector<1x16xf32> to vector<16xf32>
        %swap3A_140 = arith.index_cast %scan3A_119 : i32 to index
        %swap3A_141 = arith.constant 96 : index
        %swap3A_142 = tpu.vector_load %arg10[%swap3A_140, %swap3A_141] {strides = array<i32>} : memref<200x128xf32, #tpu.memory_space<vmem>>, vector<1x16xf32>,
        %swap3A_143 = vector.shape_cast %swap3A_142 : vector<1x16xf32> to vector<16xf32>
        %swap3A_144 = vector.shape_cast %get3A_139 : vector<16xf32> to vector<1x16xf32>
        tpu.vector_store %arg10[%swap3A_140, %swap3A_141], %swap3A_144 {strides = array<i32>} : memref<200x128xf32, #tpu.memory_space<vmem>>, vector<1x16xf32>,
        %get3A_145 = arith.index_cast %scan3A_119 : i32 to index
        %get3A_146 = arith.constant 112 : index
        %get3A_147 = tpu.vector_load %arg11[%get3A_145, %get3A_146] {strides = array<i32>} : memref<200x128xf32, #tpu.memory_space<vmem>>, vector<1x16xf32>,
        %get3A_148 = vector.shape_cast %get3A_147 : vector<1x16xf32> to vector<16xf32>
        %swap3A_149 = arith.index_cast %scan3A_119 : i32 to index
        %swap3A_150 = arith.constant 112 : index
        %swap3A_151 = tpu.vector_load %arg10[%swap3A_149, %swap3A_150] {strides = array<i32>} : memref<200x128xf32, #tpu.memory_space<vmem>>, vector<1x16xf32>,
        %swap3A_152 = vector.shape_cast %swap3A_151 : vector<1x16xf32> to vector<16xf32>
        %swap3A_153 = vector.shape_cast %get3A_148 : vector<16xf32> to vector<1x16xf32>
        tpu.vector_store %arg10[%swap3A_149, %swap3A_150], %swap3A_153 {strides = array<i32>} : memref<200x128xf32, #tpu.memory_space<vmem>>, vector<1x16xf32>,
      }
      %scan3A_61 = arith.constant 200 : i32
      %mul3A_62 = arith.constant 200 : i32
      %mul3A_63 = arith.muli %mul3A_44, %mul3A_62 : i32
      %add3A_64 = arith.addi %mul3A_6, %mul3A_63 : i32
      %dma_start3A_65 = arith.constant 0 : i32
      %dma_start3A_66 = tpu.memref_slice %arg5[%add3A_64, %dma_start3A_65] : memref<160000x128xf32, #tpu.memory_space<hbm>> -> memref<200x128xf32, #tpu.memory_space<hbm>>
      %dma_start3A_67 = arith.constant 0 : i32
      %dma_start3A_68 = tpu.memref_slice %arg5[%add3A_64, %dma_start3A_67] : memref<160000x128xf32, #tpu.memory_space<hbm>> -> memref<200x128xf32, #tpu.memory_space<hbm>>
      tpu.enqueue_dma source(%arg10 : memref<200x128xf32, #tpu.memory_space<vmem>>) target(%dma_start3A_68 : memref<200x128xf32, #tpu.memory_space<hbm>>) target_semaphore(%arg18 : memref<!tpu.dma_semaphore, #tpu.memory_space<semaphore_mem>>)
      %dma_start3A_69 = arith.constant 0 : i32
      %dma_start3A_70 = arith.constant 0 : i32
      %dma_start3A_71 = tpu.memref_slice %arg2[%dma_start3A_69, %dma_start3A_70] : memref<10000x128xf32, #tpu.memory_space<hbm>> -> memref<10000x128xf32, #tpu.memory_space<hbm>>
      tpu.enqueue_indirect_dma source(%dma_start3A_71 : memref<10000x128xf32, #tpu.memory_space<hbm>>) target(%arg12 : memref<200x128xf32, #tpu.memory_space<vmem>>) offsets(%arg8 : memref<200xi32, #tpu.memory_space<vmem>>) semaphore(%arg16 : memref<!tpu.dma_semaphore, #tpu.memory_space<semaphore_mem>>)
      %dma_start3A_72 = arith.constant 0 : i32
      %dma_start3A_73 = arith.constant 0 : i32
      %dma_start3A_74 = tpu.memref_slice %arg2[%dma_start3A_72, %dma_start3A_73] : memref<10000x128xf32, #tpu.memory_space<hbm>> -> memref<10000x128xf32, #tpu.memory_space<hbm>>
      tpu.enqueue_indirect_dma source(%dma_start3A_74 : memref<10000x128xf32, #tpu.memory_space<hbm>>) target(%arg13 : memref<200x128xf32, #tpu.memory_space<vmem>>) offsets(%arg9 : memref<200xi32, #tpu.memory_space<vmem>>) semaphore(%arg17 : memref<!tpu.dma_semaphore, #tpu.memory_space<semaphore_mem>>)
      %mul3A_75 = arith.constant 200 : i32
      %mul3A_76 = arith.muli %mul3A_44, %mul3A_75 : i32
      %add3A_77 = arith.addi %mul3A_6, %mul3A_76 : i32
      %dma_wait3A_78 = arith.constant 0 : i32
      %dma_wait3A_79 = tpu.memref_slice %arg5[%add3A_77, %dma_wait3A_78] : memref<160000x128xf32, #tpu.memory_space<hbm>> -> memref<200x128xf32, #tpu.memory_space<hbm>>
      %dma_wait3A_80 = arith.constant 0 : i32
      %dma_wait3A_81 = tpu.memref_slice %arg5[%add3A_77, %dma_wait3A_80] : memref<160000x128xf32, #tpu.memory_space<hbm>> -> memref<200x128xf32, #tpu.memory_space<hbm>>
      tpu.wait_dma2 semaphore(%arg18 : memref<!tpu.dma_semaphore, #tpu.memory_space<semaphore_mem>>) src(%arg10 : memref<200x128xf32, #tpu.memory_space<vmem>>) dst(%dma_wait3A_81 : memref<200x128xf32, #tpu.memory_space<hbm>>)
      %add3A_82 = arith.constant 2 : i32
      %add3A_83 = arith.addi %mul3A_44, %add3A_82 : i32
      %mul3A_84 = arith.constant 200 : i32
      %mul3A_85 = arith.muli %add3A_83, %mul3A_84 : i32
      %add3A_86 = arith.addi %add3A_4, %mul3A_85 : i32
      "tpu.region"() ({
        %run_scoped3A = tpu.sem_alloc : memref<!tpu.dma_semaphore, #tpu.memory_space<semaphore_mem>>
        %dma_start3A_119 = tpu.memref_slice %arg3[%add3A_86] : memref<320000xi32, #tpu.memory_space<hbm>> -> memref<200xi32, #tpu.memory_space<hbm>>
        %dma_start3A_120 = tpu.memref_slice %arg3[%add3A_86] : memref<320000xi32, #tpu.memory_space<hbm>> -> memref<200xi32, #tpu.memory_space<hbm>>
        tpu.enqueue_dma source(%dma_start3A_120 : memref<200xi32, #tpu.memory_space<hbm>>) target(%arg6 : memref<200xi32, #tpu.memory_space<vmem>>) target_semaphore(%run_scoped3A : memref<!tpu.dma_semaphore, #tpu.memory_space<semaphore_mem>>)
        %dma_wait3A_121 = tpu.memref_slice %arg3[%add3A_86] : memref<320000xi32, #tpu.memory_space<hbm>> -> memref<200xi32, #tpu.memory_space<hbm>>
        %dma_wait3A_122 = tpu.memref_slice %arg3[%add3A_86] : memref<320000xi32, #tpu.memory_space<hbm>> -> memref<200xi32, #tpu.memory_space<hbm>>
        tpu.wait_dma2 semaphore(%run_scoped3A : memref<!tpu.dma_semaphore, #tpu.memory_space<semaphore_mem>>) src(%dma_wait3A_122 : memref<200xi32, #tpu.memory_space<hbm>>) dst(%arg6 : memref<200xi32, #tpu.memory_space<vmem>>)
        tpu.yield
      }) : () -> ()
      "tpu.region"() ({
        %run_scoped3A = tpu.sem_alloc : memref<!tpu.dma_semaphore, #tpu.memory_space<semaphore_mem>>
        %dma_start3A_119 = tpu.memref_slice %arg4[%add3A_86] : memref<320000xi32, #tpu.memory_space<hbm>> -> memref<200xi32, #tpu.memory_space<hbm>>
        %dma_start3A_120 = tpu.memref_slice %arg4[%add3A_86] : memref<320000xi32, #tpu.memory_space<hbm>> -> memref<200xi32, #tpu.memory_space<hbm>>
        tpu.enqueue_dma source(%dma_start3A_120 : memref<200xi32, #tpu.memory_space<hbm>>) target(%arg7 : memref<200xi32, #tpu.memory_space<vmem>>) target_semaphore(%run_scoped3A : memref<!tpu.dma_semaphore, #tpu.memory_space<semaphore_mem>>)
        %dma_wait3A_121 = tpu.memref_slice %arg4[%add3A_86] : memref<320000xi32, #tpu.memory_space<hbm>> -> memref<200xi32, #tpu.memory_space<hbm>>
        %dma_wait3A_122 = tpu.memref_slice %arg4[%add3A_86] : memref<320000xi32, #tpu.memory_space<hbm>> -> memref<200xi32, #tpu.memory_space<hbm>>
        tpu.wait_dma2 semaphore(%run_scoped3A : memref<!tpu.dma_semaphore, #tpu.memory_space<semaphore_mem>>) src(%dma_wait3A_122 : memref<200xi32, #tpu.memory_space<hbm>>) dst(%arg7 : memref<200xi32, #tpu.memory_space<vmem>>)
        tpu.yield
      }) : () -> ()
      %dma_start3A_87 = arith.constant 0 : i32
      %dma_start3A_88 = arith.constant 0 : i32
      %dma_start3A_89 = tpu.memref_slice %arg2[%dma_start3A_87, %dma_start3A_88] : memref<10000x128xf32, #tpu.memory_space<hbm>> -> memref<10000x128xf32, #tpu.memory_space<hbm>>
      tpu.enqueue_indirect_dma source(%dma_start3A_89 : memref<10000x128xf32, #tpu.memory_space<hbm>>) target(%arg10 : memref<200x128xf32, #tpu.memory_space<vmem>>) offsets(%arg6 : memref<200xi32, #tpu.memory_space<vmem>>) semaphore(%arg14 : memref<!tpu.dma_semaphore, #tpu.memory_space<semaphore_mem>>)
      %dma_start3A_90 = arith.constant 0 : i32
      %dma_start3A_91 = arith.constant 0 : i32
      %dma_start3A_92 = tpu.memref_slice %arg2[%dma_start3A_90, %dma_start3A_91] : memref<10000x128xf32, #tpu.memory_space<hbm>> -> memref<10000x128xf32, #tpu.memory_space<hbm>>
      tpu.enqueue_indirect_dma source(%dma_start3A_92 : memref<10000x128xf32, #tpu.memory_space<hbm>>) target(%arg11 : memref<200x128xf32, #tpu.memory_space<vmem>>) offsets(%arg7 : memref<200xi32, #tpu.memory_space<vmem>>) semaphore(%arg15 : memref<!tpu.dma_semaphore, #tpu.memory_space<semaphore_mem>>)
      %dma_wait3A_93 = arith.constant 0 : i32
      %dma_wait3A_94 = arith.constant 0 : i32
      %dma_wait3A_95 = tpu.memref_slice %arg2[%dma_wait3A_93, %dma_wait3A_94] : memref<10000x128xf32, #tpu.memory_space<hbm>> -> memref<10000x128xf32, #tpu.memory_space<hbm>>
      tpu.wait_indirect_dma semaphore(%arg16 : memref<!tpu.dma_semaphore, #tpu.memory_space<semaphore_mem>>) src(%dma_wait3A_95 : memref<10000x128xf32, #tpu.memory_space<hbm>>) dst(%arg12 : memref<200x128xf32, #tpu.memory_space<vmem>>)
      %dma_wait3A_96 = arith.constant 0 : i32
      %dma_wait3A_97 = arith.constant 0 : i32
      %dma_wait3A_98 = tpu.memref_slice %arg2[%dma_wait3A_96, %dma_wait3A_97] : memref<10000x128xf32, #tpu.memory_space<hbm>> -> memref<10000x128xf32, #tpu.memory_space<hbm>>
      tpu.wait_indirect_dma semaphore(%arg17 : memref<!tpu.dma_semaphore, #tpu.memory_space<semaphore_mem>>) src(%dma_wait3A_98 : memref<10000x128xf32, #tpu.memory_space<hbm>>) dst(%arg13 : memref<200x128xf32, #tpu.memory_space<vmem>>)
      %scan3A_99 = arith.constant 0 : i32
      %scan3A_100 = arith.constant 0 : i32
      %scan3A_101 = arith.constant 200 : i32
      %scan3A_102 = arith.addi %scan3A_100, %scan3A_101 : i32
      %scan3A_103 = arith.constant 1 : i32
      scf.for %scan3A_119 = %scan3A_100 to %scan3A_102 step %scan3A_103  : i32 {
        %get3A = arith.index_cast %scan3A_119 : i32 to index
        %get3A_120 = arith.constant 64 : index
        %get3A_121 = tpu.vector_load %arg13[%get3A, %get3A_120] {strides = array<i32>} : memref<200x128xf32, #tpu.memory_space<vmem>>, vector<1x16xf32>,
        %get3A_122 = vector.shape_cast %get3A_121 : vector<1x16xf32> to vector<16xf32>
        %swap3A = arith.index_cast %scan3A_119 : i32 to index
        %swap3A_123 = arith.constant 64 : index
        %swap3A_124 = tpu.vector_load %arg12[%swap3A, %swap3A_123] {strides = array<i32>} : memref<200x128xf32, #tpu.memory_space<vmem>>, vector<1x16xf32>,
        %swap3A_125 = vector.shape_cast %swap3A_124 : vector<1x16xf32> to vector<16xf32>
        %swap3A_126 = vector.shape_cast %get3A_122 : vector<16xf32> to vector<1x16xf32>
        tpu.vector_store %arg12[%swap3A, %swap3A_123], %swap3A_126 {strides = array<i32>} : memref<200x128xf32, #tpu.memory_space<vmem>>, vector<1x16xf32>,
        %get3A_127 = arith.index_cast %scan3A_119 : i32 to index
        %get3A_128 = arith.constant 80 : index
        %get3A_129 = tpu.vector_load %arg13[%get3A_127, %get3A_128] {strides = array<i32>} : memref<200x128xf32, #tpu.memory_space<vmem>>, vector<1x16xf32>,
        %get3A_130 = vector.shape_cast %get3A_129 : vector<1x16xf32> to vector<16xf32>
        %swap3A_131 = arith.index_cast %scan3A_119 : i32 to index
        %swap3A_132 = arith.constant 80 : index
        %swap3A_133 = tpu.vector_load %arg12[%swap3A_131, %swap3A_132] {strides = array<i32>} : memref<200x128xf32, #tpu.memory_space<vmem>>, vector<1x16xf32>,
        %swap3A_134 = vector.shape_cast %swap3A_133 : vector<1x16xf32> to vector<16xf32>
        %swap3A_135 = vector.shape_cast %get3A_130 : vector<16xf32> to vector<1x16xf32>
        tpu.vector_store %arg12[%swap3A_131, %swap3A_132], %swap3A_135 {strides = array<i32>} : memref<200x128xf32, #tpu.memory_space<vmem>>, vector<1x16xf32>,
        %get3A_136 = arith.index_cast %scan3A_119 : i32 to index
        %get3A_137 = arith.constant 96 : index
        %get3A_138 = tpu.vector_load %arg13[%get3A_136, %get3A_137] {strides = array<i32>} : memref<200x128xf32, #tpu.memory_space<vmem>>, vector<1x16xf32>,
        %get3A_139 = vector.shape_cast %get3A_138 : vector<1x16xf32> to vector<16xf32>
        %swap3A_140 = arith.index_cast %scan3A_119 : i32 to index
        %swap3A_141 = arith.constant 96 : index
        %swap3A_142 = tpu.vector_load %arg12[%swap3A_140, %swap3A_141] {strides = array<i32>} : memref<200x128xf32, #tpu.memory_space<vmem>>, vector<1x16xf32>,
        %swap3A_143 = vector.shape_cast %swap3A_142 : vector<1x16xf32> to vector<16xf32>
        %swap3A_144 = vector.shape_cast %get3A_139 : vector<16xf32> to vector<1x16xf32>
        tpu.vector_store %arg12[%swap3A_140, %swap3A_141], %swap3A_144 {strides = array<i32>} : memref<200x128xf32, #tpu.memory_space<vmem>>, vector<1x16xf32>,
        %get3A_145 = arith.index_cast %scan3A_119 : i32 to index
        %get3A_146 = arith.constant 112 : index
        %get3A_147 = tpu.vector_load %arg13[%get3A_145, %get3A_146] {strides = array<i32>} : memref<200x128xf32, #tpu.memory_space<vmem>>, vector<1x16xf32>,
        %get3A_148 = vector.shape_cast %get3A_147 : vector<1x16xf32> to vector<16xf32>
        %swap3A_149 = arith.index_cast %scan3A_119 : i32 to index
        %swap3A_150 = arith.constant 112 : index
        %swap3A_151 = tpu.vector_load %arg12[%swap3A_149, %swap3A_150] {strides = array<i32>} : memref<200x128xf32, #tpu.memory_space<vmem>>, vector<1x16xf32>,
        %swap3A_152 = vector.shape_cast %swap3A_151 : vector<1x16xf32> to vector<16xf32>
        %swap3A_153 = vector.shape_cast %get3A_148 : vector<16xf32> to vector<1x16xf32>
        tpu.vector_store %arg12[%swap3A_149, %swap3A_150], %swap3A_153 {strides = array<i32>} : memref<200x128xf32, #tpu.memory_space<vmem>>, vector<1x16xf32>,
      }
      %scan3A_104 = arith.constant 200 : i32
      %mul3A_105 = arith.constant 200 : i32
      %mul3A_106 = arith.muli %add3A_46, %mul3A_105 : i32
      %add3A_107 = arith.addi %mul3A_6, %mul3A_106 : i32
      %dma_start3A_108 = arith.constant 0 : i32
      %dma_start3A_109 = tpu.memref_slice %arg5[%add3A_107, %dma_start3A_108] : memref<160000x128xf32, #tpu.memory_space<hbm>> -> memref<200x128xf32, #tpu.memory_space<hbm>>
      %dma_start3A_110 = arith.constant 0 : i32
      %dma_start3A_111 = tpu.memref_slice %arg5[%add3A_107, %dma_start3A_110] : memref<160000x128xf32, #tpu.memory_space<hbm>> -> memref<200x128xf32, #tpu.memory_space<hbm>>
      tpu.enqueue_dma source(%arg12 : memref<200x128xf32, #tpu.memory_space<vmem>>) target(%dma_start3A_111 : memref<200x128xf32, #tpu.memory_space<hbm>>) target_semaphore(%arg19 : memref<!tpu.dma_semaphore, #tpu.memory_space<semaphore_mem>>)
      %mul3A_112 = arith.constant 200 : i32
      %mul3A_113 = arith.muli %add3A_46, %mul3A_112 : i32
      %add3A_114 = arith.addi %mul3A_6, %mul3A_113 : i32
      %dma_wait3A_115 = arith.constant 0 : i32
      %dma_wait3A_116 = tpu.memref_slice %arg5[%add3A_114, %dma_wait3A_115] : memref<160000x128xf32, #tpu.memory_space<hbm>> -> memref<200x128xf32, #tpu.memory_space<hbm>>
      %dma_wait3A_117 = arith.constant 0 : i32
      %dma_wait3A_118 = tpu.memref_slice %arg5[%add3A_114, %dma_wait3A_117] : memref<160000x128xf32, #tpu.memory_space<hbm>> -> memref<200x128xf32, #tpu.memory_space<hbm>>
      tpu.wait_dma2 semaphore(%arg19 : memref<!tpu.dma_semaphore, #tpu.memory_space<semaphore_mem>>) src(%arg12 : memref<200x128xf32, #tpu.memory_space<vmem>>) dst(%dma_wait3A_118 : memref<200x128xf32, #tpu.memory_space<hbm>>)
    }
    %scan3A_18 = arith.constant 12 : i32
    %dma_wait3A = arith.constant 0 : i32
    %dma_wait3A_19 = arith.constant 0 : i32
    %dma_wait3A_20 = tpu.memref_slice %arg2[%dma_wait3A, %dma_wait3A_19] : memref<10000x128xf32, #tpu.memory_space<hbm>> -> memref<10000x128xf32, #tpu.memory_space<hbm>>
    tpu.wait_indirect_dma semaphore(%arg14 : memref<!tpu.dma_semaphore, #tpu.memory_space<semaphore_mem>>) src(%dma_wait3A_20 : memref<10000x128xf32, #tpu.memory_space<hbm>>) dst(%arg10 : memref<200x128xf32, #tpu.memory_space<vmem>>)
    %dma_wait3A_21 = arith.constant 0 : i32
    %dma_wait3A_22 = arith.constant 0 : i32
    %dma_wait3A_23 = tpu.memref_slice %arg2[%dma_wait3A_21, %dma_wait3A_22] : memref<10000x128xf32, #tpu.memory_space<hbm>> -> memref<10000x128xf32, #tpu.memory_space<hbm>>
    tpu.wait_indirect_dma semaphore(%arg15 : memref<!tpu.dma_semaphore, #tpu.memory_space<semaphore_mem>>) src(%dma_wait3A_23 : memref<10000x128xf32, #tpu.memory_space<hbm>>) dst(%arg11 : memref<200x128xf32, #tpu.memory_space<vmem>>)
    %scan3A_24 = arith.constant 0 : i32
    %scan3A_25 = arith.constant 0 : i32
    %scan3A_26 = arith.constant 200 : i32
    %scan3A_27 = arith.addi %scan3A_25, %scan3A_26 : i32
    %scan3A_28 = arith.constant 1 : i32
    scf.for %scan3A_42 = %scan3A_25 to %scan3A_27 step %scan3A_28  : i32 {
      %get3A = arith.index_cast %scan3A_42 : i32 to index
      %get3A_43 = arith.constant 64 : index
      %get3A_44 = tpu.vector_load %arg11[%get3A, %get3A_43] {strides = array<i32>} : memref<200x128xf32, #tpu.memory_space<vmem>>, vector<1x16xf32>,
      %get3A_45 = vector.shape_cast %get3A_44 : vector<1x16xf32> to vector<16xf32>
      %swap3A = arith.index_cast %scan3A_42 : i32 to index
      %swap3A_46 = arith.constant 64 : index
      %swap3A_47 = tpu.vector_load %arg10[%swap3A, %swap3A_46] {strides = array<i32>} : memref<200x128xf32, #tpu.memory_space<vmem>>, vector<1x16xf32>,
      %swap3A_48 = vector.shape_cast %swap3A_47 : vector<1x16xf32> to vector<16xf32>
      %swap3A_49 = vector.shape_cast %get3A_45 : vector<16xf32> to vector<1x16xf32>
      tpu.vector_store %arg10[%swap3A, %swap3A_46], %swap3A_49 {strides = array<i32>} : memref<200x128xf32, #tpu.memory_space<vmem>>, vector<1x16xf32>,
      %get3A_50 = arith.index_cast %scan3A_42 : i32 to index
      %get3A_51 = arith.constant 80 : index
      %get3A_52 = tpu.vector_load %arg11[%get3A_50, %get3A_51] {strides = array<i32>} : memref<200x128xf32, #tpu.memory_space<vmem>>, vector<1x16xf32>,
      %get3A_53 = vector.shape_cast %get3A_52 : vector<1x16xf32> to vector<16xf32>
      %swap3A_54 = arith.index_cast %scan3A_42 : i32 to index
      %swap3A_55 = arith.constant 80 : index
      %swap3A_56 = tpu.vector_load %arg10[%swap3A_54, %swap3A_55] {strides = array<i32>} : memref<200x128xf32, #tpu.memory_space<vmem>>, vector<1x16xf32>,
      %swap3A_57 = vector.shape_cast %swap3A_56 : vector<1x16xf32> to vector<16xf32>
      %swap3A_58 = vector.shape_cast %get3A_53 : vector<16xf32> to vector<1x16xf32>
      tpu.vector_store %arg10[%swap3A_54, %swap3A_55], %swap3A_58 {strides = array<i32>} : memref<200x128xf32, #tpu.memory_space<vmem>>, vector<1x16xf32>,
      %get3A_59 = arith.index_cast %scan3A_42 : i32 to index
      %get3A_60 = arith.constant 96 : index
      %get3A_61 = tpu.vector_load %arg11[%get3A_59, %get3A_60] {strides = array<i32>} : memref<200x128xf32, #tpu.memory_space<vmem>>, vector<1x16xf32>,
      %get3A_62 = vector.shape_cast %get3A_61 : vector<1x16xf32> to vector<16xf32>
      %swap3A_63 = arith.index_cast %scan3A_42 : i32 to index
      %swap3A_64 = arith.constant 96 : index
      %swap3A_65 = tpu.vector_load %arg10[%swap3A_63, %swap3A_64] {strides = array<i32>} : memref<200x128xf32, #tpu.memory_space<vmem>>, vector<1x16xf32>,
      %swap3A_66 = vector.shape_cast %swap3A_65 : vector<1x16xf32> to vector<16xf32>
      %swap3A_67 = vector.shape_cast %get3A_62 : vector<16xf32> to vector<1x16xf32>
      tpu.vector_store %arg10[%swap3A_63, %swap3A_64], %swap3A_67 {strides = array<i32>} : memref<200x128xf32, #tpu.memory_space<vmem>>, vector<1x16xf32>,
      %get3A_68 = arith.index_cast %scan3A_42 : i32 to index
      %get3A_69 = arith.constant 112 : index
      %get3A_70 = tpu.vector_load %arg11[%get3A_68, %get3A_69] {strides = array<i32>} : memref<200x128xf32, #tpu.memory_space<vmem>>, vector<1x16xf32>,
      %get3A_71 = vector.shape_cast %get3A_70 : vector<1x16xf32> to vector<16xf32>
      %swap3A_72 = arith.index_cast %scan3A_42 : i32 to index
      %swap3A_73 = arith.constant 112 : index
      %swap3A_74 = tpu.vector_load %arg10[%swap3A_72, %swap3A_73] {strides = array<i32>} : memref<200x128xf32, #tpu.memory_space<vmem>>, vector<1x16xf32>,
      %swap3A_75 = vector.shape_cast %swap3A_74 : vector<1x16xf32> to vector<16xf32>
      %swap3A_76 = vector.shape_cast %get3A_71 : vector<16xf32> to vector<1x16xf32>
      tpu.vector_store %arg10[%swap3A_72, %swap3A_73], %swap3A_76 {strides = array<i32>} : memref<200x128xf32, #tpu.memory_space<vmem>>, vector<1x16xf32>,
    }
    %scan3A_29 = arith.constant 200 : i32
    %add3A_30 = arith.constant 4800 : i32
    %add3A_31 = arith.addi %mul3A_6, %add3A_30 : i32
    %dma_start3A_32 = arith.constant 0 : i32
    %dma_start3A_33 = tpu.memref_slice %arg5[%add3A_31, %dma_start3A_32] : memref<160000x128xf32, #tpu.memory_space<hbm>> -> memref<200x128xf32, #tpu.memory_space<hbm>>
    %dma_start3A_34 = arith.constant 0 : i32
    %dma_start3A_35 = tpu.memref_slice %arg5[%add3A_31, %dma_start3A_34] : memref<160000x128xf32, #tpu.memory_space<hbm>> -> memref<200x128xf32, #tpu.memory_space<hbm>>
    tpu.enqueue_dma source(%arg10 : memref<200x128xf32, #tpu.memory_space<vmem>>) target(%dma_start3A_35 : memref<200x128xf32, #tpu.memory_space<hbm>>) target_semaphore(%arg18 : memref<!tpu.dma_semaphore, #tpu.memory_space<semaphore_mem>>)
    %add3A_36 = arith.constant 4800 : i32
    %add3A_37 = arith.addi %mul3A_6, %add3A_36 : i32
    %dma_wait3A_38 = arith.constant 0 : i32
    %dma_wait3A_39 = tpu.memref_slice %arg5[%add3A_37, %dma_wait3A_38] : memref<160000x128xf32, #tpu.memory_space<hbm>> -> memref<200x128xf32, #tpu.memory_space<hbm>>
    %dma_wait3A_40 = arith.constant 0 : i32
    %dma_wait3A_41 = tpu.memref_slice %arg5[%add3A_37, %dma_wait3A_40] : memref<160000x128xf32, #tpu.memory_space<hbm>> -> memref<200x128xf32, #tpu.memory_space<hbm>>
    tpu.wait_dma2 semaphore(%arg18 : memref<!tpu.dma_semaphore, #tpu.memory_space<semaphore_mem>>) src(%arg10 : memref<200x128xf32, #tpu.memory_space<vmem>>) dst(%dma_wait3A_41 : memref<200x128xf32, #tpu.memory_space<hbm>>)
    return
  }
}

#map = affine_map<(d0, d1) -> (0, 0)>
#map1 = affine_map<(d0, d1) -> (0)>
module attributes {stable_mosaic.version = 14 : i64} {
  func.func @k(%arg0: i32, %arg1: i32, %arg2: memref<10000x128xf32, #tpu.memory_space<hbm>>, %arg3: memref<320000xi32, #tpu.memory_space<hbm>>, %arg4: memref<320000xi32, #tpu.memory_space<hbm>>, %arg5: memref<160000x128xf32, #tpu.memory_space<hbm>>, %arg6: memref<200xi32, #tpu.memory_space<vmem>>, %arg7: memref<200xi32, #tpu.memory_space<vmem>>, %arg8: memref<200xi32, #tpu.memory_space<vmem>>, %arg9: memref<200xi32, #tpu.memory_space<vmem>>, %arg10: memref<200x128xf32, #tpu.memory_space<vmem>>, %arg11: memref<200x128xf32, #tpu.memory_space<vmem>>, %arg12: memref<200x128xf32, #tpu.memory_space<vmem>>, %arg13: memref<200x128xf32, #tpu.memory_space<vmem>>, %arg14: memref<!tpu.dma_semaphore, #tpu.memory_space<semaphore_mem>>, %arg15: memref<!tpu.dma_semaphore, #tpu.memory_space<semaphore_mem>>, %arg16: memref<!tpu.dma_semaphore, #tpu.memory_space<semaphore_mem>>, %arg17: memref<!tpu.dma_semaphore, #tpu.memory_space<semaphore_mem>>, %arg18: memref<!tpu.dma_semaphore, #tpu.memory_space<semaphore_mem>>, %arg19: memref<!tpu.dma_semaphore, #tpu.memory_space<semaphore_mem>>) attributes {dimension_semantics = [#tpu.dimension_semantics<core_parallel>, #tpu.dimension_semantics<subcore_parallel>], iteration_bounds = array<i64: 2, 16>, scalar_prefetch = 0 : i64, scratch_operands = 14 : i64, tpu.core_type = #tpu.core_type<sc_vector_subcore>, window_params = [{transform_indices = #map}, {transform_indices = #map1}, {transform_indices = #map1}, {transform_indices = #map}]} {
    %mul3A = arith.constant 16 : i32
    %mul3A_0 = arith.muli %arg0, %mul3A : i32
    %add3A = arith.addi %mul3A_0, %arg1 : i32
    %mul3A_1 = arith.constant 5000 : i32
    %mul3A_2 = arith.muli %add3A, %mul3A_1 : i32
    %add3A_3 = arith.constant 160000 : i32
    %add3A_4 = arith.addi %add3A_3, %mul3A_2 : i32
    %mul3A_5 = arith.constant 5000 : i32
    %mul3A_6 = arith.muli %add3A, %mul3A_5 : i32
    %add3A_7 = arith.constant 0 : i32
    %add3A_8 = arith.addi %add3A_4, %add3A_7 : i32
    "tpu.region"() ({
      %run_scoped3A = tpu.sem_alloc : memref<!tpu.dma_semaphore, #tpu.memory_space<semaphore_mem>>
      %dma_start3A_42 = tpu.memref_slice %arg3[%add3A_8] : memref<320000xi32, #tpu.memory_space<hbm>> -> memref<200xi32, #tpu.memory_space<hbm>>
      %dma_start3A_43 = tpu.memref_slice %arg3[%add3A_8] : memref<320000xi32, #tpu.memory_space<hbm>> -> memref<200xi32, #tpu.memory_space<hbm>>
      tpu.enqueue_dma source(%dma_start3A_43 : memref<200xi32, #tpu.memory_space<hbm>>) target(%arg6 : memref<200xi32, #tpu.memory_space<vmem>>) target_semaphore(%run_scoped3A : memref<!tpu.dma_semaphore, #tpu.memory_space<semaphore_mem>>)
      %dma_wait3A_44 = tpu.memref_slice %arg3[%add3A_8] : memref<320000xi32, #tpu.memory_space<hbm>> -> memref<200xi32, #tpu.memory_space<hbm>>
      %dma_wait3A_45 = tpu.memref_slice %arg3[%add3A_8] : memref<320000xi32, #tpu.memory_space<hbm>> -> memref<200xi32, #tpu.memory_space<hbm>>
      tpu.wait_dma2 semaphore(%run_scoped3A : memref<!tpu.dma_semaphore, #tpu.memory_space<semaphore_mem>>) src(%dma_wait3A_45 : memref<200xi32, #tpu.memory_space<hbm>>) dst(%arg6 : memref<200xi32, #tpu.memory_space<vmem>>)
      tpu.yield
    }) : () -> ()
    "tpu.region"() ({
      %run_scoped3A = tpu.sem_alloc : memref<!tpu.dma_semaphore, #tpu.memory_space<semaphore_mem>>
      %dma_start3A_42 = tpu.memref_slice %arg4[%add3A_8] : memref<320000xi32, #tpu.memory_space<hbm>> -> memref<200xi32, #tpu.memory_space<hbm>>
      %dma_start3A_43 = tpu.memref_slice %arg4[%add3A_8] : memref<320000xi32, #tpu.memory_space<hbm>> -> memref<200xi32, #tpu.memory_space<hbm>>
      tpu.enqueue_dma source(%dma_start3A_43 : memref<200xi32, #tpu.memory_space<hbm>>) target(%arg7 : memref<200xi32, #tpu.memory_space<vmem>>) target_semaphore(%run_scoped3A : memref<!tpu.dma_semaphore, #tpu.memory_space<semaphore_mem>>)
      %dma_wait3A_44 = tpu.memref_slice %arg4[%add3A_8] : memref<320000xi32, #tpu.memory_space<hbm>> -> memref<200xi32, #tpu.memory_space<hbm>>
      %dma_wait3A_45 = tpu.memref_slice %arg4[%add3A_8] : memref<320000xi32, #tpu.memory_space<hbm>> -> memref<200xi32, #tpu.memory_space<hbm>>
      tpu.wait_dma2 semaphore(%run_scoped3A : memref<!tpu.dma_semaphore, #tpu.memory_space<semaphore_mem>>) src(%dma_wait3A_45 : memref<200xi32, #tpu.memory_space<hbm>>) dst(%arg7 : memref<200xi32, #tpu.memory_space<vmem>>)
      tpu.yield
    }) : () -> ()
    %dma_start3A = arith.constant 0 : i32
    %dma_start3A_9 = arith.constant 0 : i32
    %dma_start3A_10 = tpu.memref_slice %arg2[%dma_start3A, %dma_start3A_9] : memref<10000x128xf32, #tpu.memory_space<hbm>> -> memref<10000x128xf32, #tpu.memory_space<hbm>>
    tpu.enqueue_indirect_dma source(%dma_start3A_10 : memref<10000x128xf32, #tpu.memory_space<hbm>>) target(%arg10 : memref<200x128xf32, #tpu.memory_space<vmem>>) offsets(%arg6 : memref<200xi32, #tpu.memory_space<vmem>>) semaphore(%arg14 : memref<!tpu.dma_semaphore, #tpu.memory_space<semaphore_mem>>)
    %dma_start3A_11 = arith.constant 0 : i32
    %dma_start3A_12 = arith.constant 0 : i32
    %dma_start3A_13 = tpu.memref_slice %arg2[%dma_start3A_11, %dma_start3A_12] : memref<10000x128xf32, #tpu.memory_space<hbm>> -> memref<10000x128xf32, #tpu.memory_space<hbm>>
    tpu.enqueue_indirect_dma source(%dma_start3A_13 : memref<10000x128xf32, #tpu.memory_space<hbm>>) target(%arg11 : memref<200x128xf32, #tpu.memory_space<vmem>>) offsets(%arg7 : memref<200xi32, #tpu.memory_space<vmem>>) semaphore(%arg15 : memref<!tpu.dma_semaphore, #tpu.memory_space<semaphore_mem>>)
    %scan3A = arith.constant 0 : i32
    %scan3A_14 = arith.constant 0 : i32
    %scan3A_15 = arith.constant 12 : i32
    %scan3A_16 = arith.addi %scan3A_14, %scan3A_15 : i32
    %scan3A_17 = arith.constant 1 : i32
    scf.for %scan3A_42 = %scan3A_14 to %scan3A_16 step %scan3A_17  : i32 {
      %mul3A_43 = arith.constant 2 : i32
      %mul3A_44 = arith.muli %mul3A_43, %scan3A_42 : i32
      %add3A_45 = arith.constant 1 : i32
      %add3A_46 = arith.addi %mul3A_44, %add3A_45 : i32
      %mul3A_47 = arith.constant 200 : i32
      %mul3A_48 = arith.muli %add3A_46, %mul3A_47 : i32
      %add3A_49 = arith.addi %add3A_4, %mul3A_48 : i32
      "tpu.region"() ({
        %run_scoped3A = tpu.sem_alloc : memref<!tpu.dma_semaphore, #tpu.memory_space<semaphore_mem>>
        %dma_start3A_119 = tpu.memref_slice %arg3[%add3A_49] : memref<320000xi32, #tpu.memory_space<hbm>> -> memref<200xi32, #tpu.memory_space<hbm>>
        %dma_start3A_120 = tpu.memref_slice %arg3[%add3A_49] : memref<320000xi32, #tpu.memory_space<hbm>> -> memref<200xi32, #tpu.memory_space<hbm>>
        tpu.enqueue_dma source(%dma_start3A_120 : memref<200xi32, #tpu.memory_space<hbm>>) target(%arg8 : memref<200xi32, #tpu.memory_space<vmem>>) target_semaphore(%run_scoped3A : memref<!tpu.dma_semaphore, #tpu.memory_space<semaphore_mem>>)
        %dma_wait3A_121 = tpu.memref_slice %arg3[%add3A_49] : memref<320000xi32, #tpu.memory_space<hbm>> -> memref<200xi32, #tpu.memory_space<hbm>>
        %dma_wait3A_122 = tpu.memref_slice %arg3[%add3A_49] : memref<320000xi32, #tpu.memory_space<hbm>> -> memref<200xi32, #tpu.memory_space<hbm>>
        tpu.wait_dma2 semaphore(%run_scoped3A : memref<!tpu.dma_semaphore, #tpu.memory_space<semaphore_mem>>) src(%dma_wait3A_122 : memref<200xi32, #tpu.memory_space<hbm>>) dst(%arg8 : memref<200xi32, #tpu.memory_space<vmem>>)
        tpu.yield
      }) : () -> ()
      "tpu.region"() ({
        %run_scoped3A = tpu.sem_alloc : memref<!tpu.dma_semaphore, #tpu.memory_space<semaphore_mem>>
        %dma_start3A_119 = tpu.memref_slice %arg4[%add3A_49] : memref<320000xi32, #tpu.memory_space<hbm>> -> memref<200xi32, #tpu.memory_space<hbm>>
        %dma_start3A_120 = tpu.memref_slice %arg4[%add3A_49] : memref<320000xi32, #tpu.memory_space<hbm>> -> memref<200xi32, #tpu.memory_space<hbm>>
        tpu.enqueue_dma source(%dma_start3A_120 : memref<200xi32, #tpu.memory_space<hbm>>) target(%arg9 : memref<200xi32, #tpu.memory_space<vmem>>) target_semaphore(%run_scoped3A : memref<!tpu.dma_semaphore, #tpu.memory_space<semaphore_mem>>)
        %dma_wait3A_121 = tpu.memref_slice %arg4[%add3A_49] : memref<320000xi32, #tpu.memory_space<hbm>> -> memref<200xi32, #tpu.memory_space<hbm>>
        %dma_wait3A_122 = tpu.memref_slice %arg4[%add3A_49] : memref<320000xi32, #tpu.memory_space<hbm>> -> memref<200xi32, #tpu.memory_space<hbm>>
        tpu.wait_dma2 semaphore(%run_scoped3A : memref<!tpu.dma_semaphore, #tpu.memory_space<semaphore_mem>>) src(%dma_wait3A_122 : memref<200xi32, #tpu.memory_space<hbm>>) dst(%arg9 : memref<200xi32, #tpu.memory_space<vmem>>)
        tpu.yield
      }) : () -> ()
      %dma_wait3A_50 = arith.constant 0 : i32
      %dma_wait3A_51 = arith.constant 0 : i32
      %dma_wait3A_52 = tpu.memref_slice %arg2[%dma_wait3A_50, %dma_wait3A_51] : memref<10000x128xf32, #tpu.memory_space<hbm>> -> memref<10000x128xf32, #tpu.memory_space<hbm>>
      tpu.wait_indirect_dma semaphore(%arg14 : memref<!tpu.dma_semaphore, #tpu.memory_space<semaphore_mem>>) src(%dma_wait3A_52 : memref<10000x128xf32, #tpu.memory_space<hbm>>) dst(%arg10 : memref<200x128xf32, #tpu.memory_space<vmem>>)
      %dma_wait3A_53 = arith.constant 0 : i32
      %dma_wait3A_54 = arith.constant 0 : i32
      %dma_wait3A_55 = tpu.memref_slice %arg2[%dma_wait3A_53, %dma_wait3A_54] : memref<10000x128xf32, #tpu.memory_space<hbm>> -> memref<10000x128xf32, #tpu.memory_space<hbm>>
      tpu.wait_indirect_dma semaphore(%arg15 : memref<!tpu.dma_semaphore, #tpu.memory_space<semaphore_mem>>) src(%dma_wait3A_55 : memref<10000x128xf32, #tpu.memory_space<hbm>>) dst(%arg11 : memref<200x128xf32, #tpu.memory_space<vmem>>)
      %scan3A_56 = arith.constant 0 : i32
      %scan3A_57 = arith.constant 0 : i32
      %scan3A_58 = arith.constant 200 : i32
      %scan3A_59 = arith.addi %scan3A_57, %scan3A_58 : i32
      %scan3A_60 = arith.constant 1 : i32
      scf.for %scan3A_119 = %scan3A_57 to %scan3A_59 step %scan3A_60  : i32 {
        %get3A = arith.index_cast %scan3A_119 : i32 to index
        %get3A_120 = arith.constant 64 : index
        %get3A_121 = tpu.vector_load %arg11[%get3A, %get3A_120] {strides = array<i32>} : memref<200x128xf32, #tpu.memory_space<vmem>>, vector<1x16xf32>,
        %get3A_122 = vector.shape_cast %get3A_121 : vector<1x16xf32> to vector<16xf32>
        %swap3A = arith.index_cast %scan3A_119 : i32 to index
        %swap3A_123 = arith.constant 64 : index
        %swap3A_124 = tpu.vector_load %arg10[%swap3A, %swap3A_123] {strides = array<i32>} : memref<200x128xf32, #tpu.memory_space<vmem>>, vector<1x16xf32>,
        %swap3A_125 = vector.shape_cast %swap3A_124 : vector<1x16xf32> to vector<16xf32>
        %swap3A_126 = vector.shape_cast %get3A_122 : vector<16xf32> to vector<1x16xf32>
        tpu.vector_store %arg10[%swap3A, %swap3A_123], %swap3A_126 {strides = array<i32>} : memref<200x128xf32, #tpu.memory_space<vmem>>, vector<1x16xf32>,
        %get3A_127 = arith.index_cast %scan3A_119 : i32 to index
        %get3A_128 = arith.constant 80 : index
        %get3A_129 = tpu.vector_load %arg11[%get3A_127, %get3A_128] {strides = array<i32>} : memref<200x128xf32, #tpu.memory_space<vmem>>, vector<1x16xf32>,
        %get3A_130 = vector.shape_cast %get3A_129 : vector<1x16xf32> to vector<16xf32>
        %swap3A_131 = arith.index_cast %scan3A_119 : i32 to index
        %swap3A_132 = arith.constant 80 : index
        %swap3A_133 = tpu.vector_load %arg10[%swap3A_131, %swap3A_132] {strides = array<i32>} : memref<200x128xf32, #tpu.memory_space<vmem>>, vector<1x16xf32>,
        %swap3A_134 = vector.shape_cast %swap3A_133 : vector<1x16xf32> to vector<16xf32>
        %swap3A_135 = vector.shape_cast %get3A_130 : vector<16xf32> to vector<1x16xf32>
        tpu.vector_store %arg10[%swap3A_131, %swap3A_132], %swap3A_135 {strides = array<i32>} : memref<200x128xf32, #tpu.memory_space<vmem>>, vector<1x16xf32>,
        %get3A_136 = arith.index_cast %scan3A_119 : i32 to index
        %get3A_137 = arith.constant 96 : index
        %get3A_138 = tpu.vector_load %arg11[%get3A_136, %get3A_137] {strides = array<i32>} : memref<200x128xf32, #tpu.memory_space<vmem>>, vector<1x16xf32>,
        %get3A_139 = vector.shape_cast %get3A_138 : vector<1x16xf32> to vector<16xf32>
        %swap3A_140 = arith.index_cast %scan3A_119 : i32 to index
        %swap3A_141 = arith.constant 96 : index
        %swap3A_142 = tpu.vector_load %arg10[%swap3A_140, %swap3A_141] {strides = array<i32>} : memref<200x128xf32, #tpu.memory_space<vmem>>, vector<1x16xf32>,
        %swap3A_143 = vector.shape_cast %swap3A_142 : vector<1x16xf32> to vector<16xf32>
        %swap3A_144 = vector.shape_cast %get3A_139 : vector<16xf32> to vector<1x16xf32>
        tpu.vector_store %arg10[%swap3A_140, %swap3A_141], %swap3A_144 {strides = array<i32>} : memref<200x128xf32, #tpu.memory_space<vmem>>, vector<1x16xf32>,
        %get3A_145 = arith.index_cast %scan3A_119 : i32 to index
        %get3A_146 = arith.constant 112 : index
        %get3A_147 = tpu.vector_load %arg11[%get3A_145, %get3A_146] {strides = array<i32>} : memref<200x128xf32, #tpu.memory_space<vmem>>, vector<1x16xf32>,
        %get3A_148 = vector.shape_cast %get3A_147 : vector<1x16xf32> to vector<16xf32>
        %swap3A_149 = arith.index_cast %scan3A_119 : i32 to index
        %swap3A_150 = arith.constant 112 : index
        %swap3A_151 = tpu.vector_load %arg10[%swap3A_149, %swap3A_150] {strides = array<i32>} : memref<200x128xf32, #tpu.memory_space<vmem>>, vector<1x16xf32>,
        %swap3A_152 = vector.shape_cast %swap3A_151 : vector<1x16xf32> to vector<16xf32>
        %swap3A_153 = vector.shape_cast %get3A_148 : vector<16xf32> to vector<1x16xf32>
        tpu.vector_store %arg10[%swap3A_149, %swap3A_150], %swap3A_153 {strides = array<i32>} : memref<200x128xf32, #tpu.memory_space<vmem>>, vector<1x16xf32>,
      }
      %scan3A_61 = arith.constant 200 : i32
      %mul3A_62 = arith.constant 200 : i32
      %mul3A_63 = arith.muli %mul3A_44, %mul3A_62 : i32
      %add3A_64 = arith.addi %mul3A_6, %mul3A_63 : i32
      %dma_start3A_65 = arith.constant 0 : i32
      %dma_start3A_66 = tpu.memref_slice %arg5[%add3A_64, %dma_start3A_65] : memref<160000x128xf32, #tpu.memory_space<hbm>> -> memref<200x128xf32, #tpu.memory_space<hbm>>
      %dma_start3A_67 = arith.constant 0 : i32
      %dma_start3A_68 = tpu.memref_slice %arg5[%add3A_64, %dma_start3A_67] : memref<160000x128xf32, #tpu.memory_space<hbm>> -> memref<200x128xf32, #tpu.memory_space<hbm>>
      tpu.enqueue_dma source(%arg10 : memref<200x128xf32, #tpu.memory_space<vmem>>) target(%dma_start3A_68 : memref<200x128xf32, #tpu.memory_space<hbm>>) target_semaphore(%arg18 : memref<!tpu.dma_semaphore, #tpu.memory_space<semaphore_mem>>)
      %dma_start3A_69 = arith.constant 0 : i32
      %dma_start3A_70 = arith.constant 0 : i32
      %dma_start3A_71 = tpu.memref_slice %arg2[%dma_start3A_69, %dma_start3A_70] : memref<10000x128xf32, #tpu.memory_space<hbm>> -> memref<10000x128xf32, #tpu.memory_space<hbm>>
      tpu.enqueue_indirect_dma source(%dma_start3A_71 : memref<10000x128xf32, #tpu.memory_space<hbm>>) target(%arg12 : memref<200x128xf32, #tpu.memory_space<vmem>>) offsets(%arg8 : memref<200xi32, #tpu.memory_space<vmem>>) semaphore(%arg16 : memref<!tpu.dma_semaphore, #tpu.memory_space<semaphore_mem>>)
      %dma_start3A_72 = arith.constant 0 : i32
      %dma_start3A_73 = arith.constant 0 : i32
      %dma_start3A_74 = tpu.memref_slice %arg2[%dma_start3A_72, %dma_start3A_73] : memref<10000x128xf32, #tpu.memory_space<hbm>> -> memref<10000x128xf32, #tpu.memory_space<hbm>>
      tpu.enqueue_indirect_dma source(%dma_start3A_74 : memref<10000x128xf32, #tpu.memory_space<hbm>>) target(%arg13 : memref<200x128xf32, #tpu.memory_space<vmem>>) offsets(%arg9 : memref<200xi32, #tpu.memory_space<vmem>>) semaphore(%arg17 : memref<!tpu.dma_semaphore, #tpu.memory_space<semaphore_mem>>)
      %mul3A_75 = arith.constant 200 : i32
      %mul3A_76 = arith.muli %mul3A_44, %mul3A_75 : i32
      %add3A_77 = arith.addi %mul3A_6, %mul3A_76 : i32
      %dma_wait3A_78 = arith.constant 0 : i32
      %dma_wait3A_79 = tpu.memref_slice %arg5[%add3A_77, %dma_wait3A_78] : memref<160000x128xf32, #tpu.memory_space<hbm>> -> memref<200x128xf32, #tpu.memory_space<hbm>>
      %dma_wait3A_80 = arith.constant 0 : i32
      %dma_wait3A_81 = tpu.memref_slice %arg5[%add3A_77, %dma_wait3A_80] : memref<160000x128xf32, #tpu.memory_space<hbm>> -> memref<200x128xf32, #tpu.memory_space<hbm>>
      tpu.wait_dma2 semaphore(%arg18 : memref<!tpu.dma_semaphore, #tpu.memory_space<semaphore_mem>>) src(%arg10 : memref<200x128xf32, #tpu.memory_space<vmem>>) dst(%dma_wait3A_81 : memref<200x128xf32, #tpu.memory_space<hbm>>)
      %add3A_82 = arith.constant 2 : i32
      %add3A_83 = arith.addi %mul3A_44, %add3A_82 : i32
      %mul3A_84 = arith.constant 200 : i32
      %mul3A_85 = arith.muli %add3A_83, %mul3A_84 : i32
      %add3A_86 = arith.addi %add3A_4, %mul3A_85 : i32
      "tpu.region"() ({
        %run_scoped3A = tpu.sem_alloc : memref<!tpu.dma_semaphore, #tpu.memory_space<semaphore_mem>>
        %dma_start3A_119 = tpu.memref_slice %arg3[%add3A_86] : memref<320000xi32, #tpu.memory_space<hbm>> -> memref<200xi32, #tpu.memory_space<hbm>>
        %dma_start3A_120 = tpu.memref_slice %arg3[%add3A_86] : memref<320000xi32, #tpu.memory_space<hbm>> -> memref<200xi32, #tpu.memory_space<hbm>>
        tpu.enqueue_dma source(%dma_start3A_120 : memref<200xi32, #tpu.memory_space<hbm>>) target(%arg6 : memref<200xi32, #tpu.memory_space<vmem>>) target_semaphore(%run_scoped3A : memref<!tpu.dma_semaphore, #tpu.memory_space<semaphore_mem>>)
        %dma_wait3A_121 = tpu.memref_slice %arg3[%add3A_86] : memref<320000xi32, #tpu.memory_space<hbm>> -> memref<200xi32, #tpu.memory_space<hbm>>
        %dma_wait3A_122 = tpu.memref_slice %arg3[%add3A_86] : memref<320000xi32, #tpu.memory_space<hbm>> -> memref<200xi32, #tpu.memory_space<hbm>>
        tpu.wait_dma2 semaphore(%run_scoped3A : memref<!tpu.dma_semaphore, #tpu.memory_space<semaphore_mem>>) src(%dma_wait3A_122 : memref<200xi32, #tpu.memory_space<hbm>>) dst(%arg6 : memref<200xi32, #tpu.memory_space<vmem>>)
        tpu.yield
      }) : () -> ()
      "tpu.region"() ({
        %run_scoped3A = tpu.sem_alloc : memref<!tpu.dma_semaphore, #tpu.memory_space<semaphore_mem>>
        %dma_start3A_119 = tpu.memref_slice %arg4[%add3A_86] : memref<320000xi32, #tpu.memory_space<hbm>> -> memref<200xi32, #tpu.memory_space<hbm>>
        %dma_start3A_120 = tpu.memref_slice %arg4[%add3A_86] : memref<320000xi32, #tpu.memory_space<hbm>> -> memref<200xi32, #tpu.memory_space<hbm>>
        tpu.enqueue_dma source(%dma_start3A_120 : memref<200xi32, #tpu.memory_space<hbm>>) target(%arg7 : memref<200xi32, #tpu.memory_space<vmem>>) target_semaphore(%run_scoped3A : memref<!tpu.dma_semaphore, #tpu.memory_space<semaphore_mem>>)
        %dma_wait3A_121 = tpu.memref_slice %arg4[%add3A_86] : memref<320000xi32, #tpu.memory_space<hbm>> -> memref<200xi32, #tpu.memory_space<hbm>>
        %dma_wait3A_122 = tpu.memref_slice %arg4[%add3A_86] : memref<320000xi32, #tpu.memory_space<hbm>> -> memref<200xi32, #tpu.memory_space<hbm>>
        tpu.wait_dma2 semaphore(%run_scoped3A : memref<!tpu.dma_semaphore, #tpu.memory_space<semaphore_mem>>) src(%dma_wait3A_122 : memref<200xi32, #tpu.memory_space<hbm>>) dst(%arg7 : memref<200xi32, #tpu.memory_space<vmem>>)
        tpu.yield
      }) : () -> ()
      %dma_start3A_87 = arith.constant 0 : i32
      %dma_start3A_88 = arith.constant 0 : i32
      %dma_start3A_89 = tpu.memref_slice %arg2[%dma_start3A_87, %dma_start3A_88] : memref<10000x128xf32, #tpu.memory_space<hbm>> -> memref<10000x128xf32, #tpu.memory_space<hbm>>
      tpu.enqueue_indirect_dma source(%dma_start3A_89 : memref<10000x128xf32, #tpu.memory_space<hbm>>) target(%arg10 : memref<200x128xf32, #tpu.memory_space<vmem>>) offsets(%arg6 : memref<200xi32, #tpu.memory_space<vmem>>) semaphore(%arg14 : memref<!tpu.dma_semaphore, #tpu.memory_space<semaphore_mem>>)
      %dma_start3A_90 = arith.constant 0 : i32
      %dma_start3A_91 = arith.constant 0 : i32
      %dma_start3A_92 = tpu.memref_slice %arg2[%dma_start3A_90, %dma_start3A_91] : memref<10000x128xf32, #tpu.memory_space<hbm>> -> memref<10000x128xf32, #tpu.memory_space<hbm>>
      tpu.enqueue_indirect_dma source(%dma_start3A_92 : memref<10000x128xf32, #tpu.memory_space<hbm>>) target(%arg11 : memref<200x128xf32, #tpu.memory_space<vmem>>) offsets(%arg7 : memref<200xi32, #tpu.memory_space<vmem>>) semaphore(%arg15 : memref<!tpu.dma_semaphore, #tpu.memory_space<semaphore_mem>>)
      %dma_wait3A_93 = arith.constant 0 : i32
      %dma_wait3A_94 = arith.constant 0 : i32
      %dma_wait3A_95 = tpu.memref_slice %arg2[%dma_wait3A_93, %dma_wait3A_94] : memref<10000x128xf32, #tpu.memory_space<hbm>> -> memref<10000x128xf32, #tpu.memory_space<hbm>>
      tpu.wait_indirect_dma semaphore(%arg16 : memref<!tpu.dma_semaphore, #tpu.memory_space<semaphore_mem>>) src(%dma_wait3A_95 : memref<10000x128xf32, #tpu.memory_space<hbm>>) dst(%arg12 : memref<200x128xf32, #tpu.memory_space<vmem>>)
      %dma_wait3A_96 = arith.constant 0 : i32
      %dma_wait3A_97 = arith.constant 0 : i32
      %dma_wait3A_98 = tpu.memref_slice %arg2[%dma_wait3A_96, %dma_wait3A_97] : memref<10000x128xf32, #tpu.memory_space<hbm>> -> memref<10000x128xf32, #tpu.memory_space<hbm>>
      tpu.wait_indirect_dma semaphore(%arg17 : memref<!tpu.dma_semaphore, #tpu.memory_space<semaphore_mem>>) src(%dma_wait3A_98 : memref<10000x128xf32, #tpu.memory_space<hbm>>) dst(%arg13 : memref<200x128xf32, #tpu.memory_space<vmem>>)
      %scan3A_99 = arith.constant 0 : i32
      %scan3A_100 = arith.constant 0 : i32
      %scan3A_101 = arith.constant 200 : i32
      %scan3A_102 = arith.addi %scan3A_100, %scan3A_101 : i32
      %scan3A_103 = arith.constant 1 : i32
      scf.for %scan3A_119 = %scan3A_100 to %scan3A_102 step %scan3A_103  : i32 {
        %get3A = arith.index_cast %scan3A_119 : i32 to index
        %get3A_120 = arith.constant 64 : index
        %get3A_121 = tpu.vector_load %arg13[%get3A, %get3A_120] {strides = array<i32>} : memref<200x128xf32, #tpu.memory_space<vmem>>, vector<1x16xf32>,
        %get3A_122 = vector.shape_cast %get3A_121 : vector<1x16xf32> to vector<16xf32>
        %swap3A = arith.index_cast %scan3A_119 : i32 to index
        %swap3A_123 = arith.constant 64 : index
        %swap3A_124 = tpu.vector_load %arg12[%swap3A, %swap3A_123] {strides = array<i32>} : memref<200x128xf32, #tpu.memory_space<vmem>>, vector<1x16xf32>,
        %swap3A_125 = vector.shape_cast %swap3A_124 : vector<1x16xf32> to vector<16xf32>
        %swap3A_126 = vector.shape_cast %get3A_122 : vector<16xf32> to vector<1x16xf32>
        tpu.vector_store %arg12[%swap3A, %swap3A_123], %swap3A_126 {strides = array<i32>} : memref<200x128xf32, #tpu.memory_space<vmem>>, vector<1x16xf32>,
        %get3A_127 = arith.index_cast %scan3A_119 : i32 to index
        %get3A_128 = arith.constant 80 : index
        %get3A_129 = tpu.vector_load %arg13[%get3A_127, %get3A_128] {strides = array<i32>} : memref<200x128xf32, #tpu.memory_space<vmem>>, vector<1x16xf32>,
        %get3A_130 = vector.shape_cast %get3A_129 : vector<1x16xf32> to vector<16xf32>
        %swap3A_131 = arith.index_cast %scan3A_119 : i32 to index
        %swap3A_132 = arith.constant 80 : index
        %swap3A_133 = tpu.vector_load %arg12[%swap3A_131, %swap3A_132] {strides = array<i32>} : memref<200x128xf32, #tpu.memory_space<vmem>>, vector<1x16xf32>,
        %swap3A_134 = vector.shape_cast %swap3A_133 : vector<1x16xf32> to vector<16xf32>
        %swap3A_135 = vector.shape_cast %get3A_130 : vector<16xf32> to vector<1x16xf32>
        tpu.vector_store %arg12[%swap3A_131, %swap3A_132], %swap3A_135 {strides = array<i32>} : memref<200x128xf32, #tpu.memory_space<vmem>>, vector<1x16xf32>,
        %get3A_136 = arith.index_cast %scan3A_119 : i32 to index
        %get3A_137 = arith.constant 96 : index
        %get3A_138 = tpu.vector_load %arg13[%get3A_136, %get3A_137] {strides = array<i32>} : memref<200x128xf32, #tpu.memory_space<vmem>>, vector<1x16xf32>,
        %get3A_139 = vector.shape_cast %get3A_138 : vector<1x16xf32> to vector<16xf32>
        %swap3A_140 = arith.index_cast %scan3A_119 : i32 to index
        %swap3A_141 = arith.constant 96 : index
        %swap3A_142 = tpu.vector_load %arg12[%swap3A_140, %swap3A_141] {strides = array<i32>} : memref<200x128xf32, #tpu.memory_space<vmem>>, vector<1x16xf32>,
        %swap3A_143 = vector.shape_cast %swap3A_142 : vector<1x16xf32> to vector<16xf32>
        %swap3A_144 = vector.shape_cast %get3A_139 : vector<16xf32> to vector<1x16xf32>
        tpu.vector_store %arg12[%swap3A_140, %swap3A_141], %swap3A_144 {strides = array<i32>} : memref<200x128xf32, #tpu.memory_space<vmem>>, vector<1x16xf32>,
        %get3A_145 = arith.index_cast %scan3A_119 : i32 to index
        %get3A_146 = arith.constant 112 : index
        %get3A_147 = tpu.vector_load %arg13[%get3A_145, %get3A_146] {strides = array<i32>} : memref<200x128xf32, #tpu.memory_space<vmem>>, vector<1x16xf32>,
        %get3A_148 = vector.shape_cast %get3A_147 : vector<1x16xf32> to vector<16xf32>
        %swap3A_149 = arith.index_cast %scan3A_119 : i32 to index
        %swap3A_150 = arith.constant 112 : index
        %swap3A_151 = tpu.vector_load %arg12[%swap3A_149, %swap3A_150] {strides = array<i32>} : memref<200x128xf32, #tpu.memory_space<vmem>>, vector<1x16xf32>,
        %swap3A_152 = vector.shape_cast %swap3A_151 : vector<1x16xf32> to vector<16xf32>
        %swap3A_153 = vector.shape_cast %get3A_148 : vector<16xf32> to vector<1x16xf32>
        tpu.vector_store %arg12[%swap3A_149, %swap3A_150], %swap3A_153 {strides = array<i32>} : memref<200x128xf32, #tpu.memory_space<vmem>>, vector<1x16xf32>,
      }
      %scan3A_104 = arith.constant 200 : i32
      %mul3A_105 = arith.constant 200 : i32
      %mul3A_106 = arith.muli %add3A_46, %mul3A_105 : i32
      %add3A_107 = arith.addi %mul3A_6, %mul3A_106 : i32
      %dma_start3A_108 = arith.constant 0 : i32
      %dma_start3A_109 = tpu.memref_slice %arg5[%add3A_107, %dma_start3A_108] : memref<160000x128xf32, #tpu.memory_space<hbm>> -> memref<200x128xf32, #tpu.memory_space<hbm>>
      %dma_start3A_110 = arith.constant 0 : i32
      %dma_start3A_111 = tpu.memref_slice %arg5[%add3A_107, %dma_start3A_110] : memref<160000x128xf32, #tpu.memory_space<hbm>> -> memref<200x128xf32, #tpu.memory_space<hbm>>
      tpu.enqueue_dma source(%arg12 : memref<200x128xf32, #tpu.memory_space<vmem>>) target(%dma_start3A_111 : memref<200x128xf32, #tpu.memory_space<hbm>>) target_semaphore(%arg19 : memref<!tpu.dma_semaphore, #tpu.memory_space<semaphore_mem>>)
      %mul3A_112 = arith.constant 200 : i32
      %mul3A_113 = arith.muli %add3A_46, %mul3A_112 : i32
      %add3A_114 = arith.addi %mul3A_6, %mul3A_113 : i32
      %dma_wait3A_115 = arith.constant 0 : i32
      %dma_wait3A_116 = tpu.memref_slice %arg5[%add3A_114, %dma_wait3A_115] : memref<160000x128xf32, #tpu.memory_space<hbm>> -> memref<200x128xf32, #tpu.memory_space<hbm>>
      %dma_wait3A_117 = arith.constant 0 : i32
      %dma_wait3A_118 = tpu.memref_slice %arg5[%add3A_114, %dma_wait3A_117] : memref<160000x128xf32, #tpu.memory_space<hbm>> -> memref<200x128xf32, #tpu.memory_space<hbm>>
      tpu.wait_dma2 semaphore(%arg19 : memref<!tpu.dma_semaphore, #tpu.memory_space<semaphore_mem>>) src(%arg12 : memref<200x128xf32, #tpu.memory_space<vmem>>) dst(%dma_wait3A_118 : memref<200x128xf32, #tpu.memory_space<hbm>>)
    }
    %scan3A_18 = arith.constant 12 : i32
    %dma_wait3A = arith.constant 0 : i32
    %dma_wait3A_19 = arith.constant 0 : i32
    %dma_wait3A_20 = tpu.memref_slice %arg2[%dma_wait3A, %dma_wait3A_19] : memref<10000x128xf32, #tpu.memory_space<hbm>> -> memref<10000x128xf32, #tpu.memory_space<hbm>>
    tpu.wait_indirect_dma semaphore(%arg14 : memref<!tpu.dma_semaphore, #tpu.memory_space<semaphore_mem>>) src(%dma_wait3A_20 : memref<10000x128xf32, #tpu.memory_space<hbm>>) dst(%arg10 : memref<200x128xf32, #tpu.memory_space<vmem>>)
    %dma_wait3A_21 = arith.constant 0 : i32
    %dma_wait3A_22 = arith.constant 0 : i32
    %dma_wait3A_23 = tpu.memref_slice %arg2[%dma_wait3A_21, %dma_wait3A_22] : memref<10000x128xf32, #tpu.memory_space<hbm>> -> memref<10000x128xf32, #tpu.memory_space<hbm>>
    tpu.wait_indirect_dma semaphore(%arg15 : memref<!tpu.dma_semaphore, #tpu.memory_space<semaphore_mem>>) src(%dma_wait3A_23 : memref<10000x128xf32, #tpu.memory_space<hbm>>) dst(%arg11 : memref<200x128xf32, #tpu.memory_space<vmem>>)
    %scan3A_24 = arith.constant 0 : i32
    %scan3A_25 = arith.constant 0 : i32
    %scan3A_26 = arith.constant 200 : i32
    %scan3A_27 = arith.addi %scan3A_25, %scan3A_26 : i32
    %scan3A_28 = arith.constant 1 : i32
    scf.for %scan3A_42 = %scan3A_25 to %scan3A_27 step %scan3A_28  : i32 {
      %get3A = arith.index_cast %scan3A_42 : i32 to index
      %get3A_43 = arith.constant 64 : index
      %get3A_44 = tpu.vector_load %arg11[%get3A, %get3A_43] {strides = array<i32>} : memref<200x128xf32, #tpu.memory_space<vmem>>, vector<1x16xf32>,
      %get3A_45 = vector.shape_cast %get3A_44 : vector<1x16xf32> to vector<16xf32>
      %swap3A = arith.index_cast %scan3A_42 : i32 to index
      %swap3A_46 = arith.constant 64 : index
      %swap3A_47 = tpu.vector_load %arg10[%swap3A, %swap3A_46] {strides = array<i32>} : memref<200x128xf32, #tpu.memory_space<vmem>>, vector<1x16xf32>,
      %swap3A_48 = vector.shape_cast %swap3A_47 : vector<1x16xf32> to vector<16xf32>
      %swap3A_49 = vector.shape_cast %get3A_45 : vector<16xf32> to vector<1x16xf32>
      tpu.vector_store %arg10[%swap3A, %swap3A_46], %swap3A_49 {strides = array<i32>} : memref<200x128xf32, #tpu.memory_space<vmem>>, vector<1x16xf32>,
      %get3A_50 = arith.index_cast %scan3A_42 : i32 to index
      %get3A_51 = arith.constant 80 : index
      %get3A_52 = tpu.vector_load %arg11[%get3A_50, %get3A_51] {strides = array<i32>} : memref<200x128xf32, #tpu.memory_space<vmem>>, vector<1x16xf32>,
      %get3A_53 = vector.shape_cast %get3A_52 : vector<1x16xf32> to vector<16xf32>
      %swap3A_54 = arith.index_cast %scan3A_42 : i32 to index
      %swap3A_55 = arith.constant 80 : index
      %swap3A_56 = tpu.vector_load %arg10[%swap3A_54, %swap3A_55] {strides = array<i32>} : memref<200x128xf32, #tpu.memory_space<vmem>>, vector<1x16xf32>,
      %swap3A_57 = vector.shape_cast %swap3A_56 : vector<1x16xf32> to vector<16xf32>
      %swap3A_58 = vector.shape_cast %get3A_53 : vector<16xf32> to vector<1x16xf32>
      tpu.vector_store %arg10[%swap3A_54, %swap3A_55], %swap3A_58 {strides = array<i32>} : memref<200x128xf32, #tpu.memory_space<vmem>>, vector<1x16xf32>,
      %get3A_59 = arith.index_cast %scan3A_42 : i32 to index
      %get3A_60 = arith.constant 96 : index
      %get3A_61 = tpu.vector_load %arg11[%get3A_59, %get3A_60] {strides = array<i32>} : memref<200x128xf32, #tpu.memory_space<vmem>>, vector<1x16xf32>,
      %get3A_62 = vector.shape_cast %get3A_61 : vector<1x16xf32> to vector<16xf32>
      %swap3A_63 = arith.index_cast %scan3A_42 : i32 to index
      %swap3A_64 = arith.constant 96 : index
      %swap3A_65 = tpu.vector_load %arg10[%swap3A_63, %swap3A_64] {strides = array<i32>} : memref<200x128xf32, #tpu.memory_space<vmem>>, vector<1x16xf32>,
      %swap3A_66 = vector.shape_cast %swap3A_65 : vector<1x16xf32> to vector<16xf32>
      %swap3A_67 = vector.shape_cast %get3A_62 : vector<16xf32> to vector<1x16xf32>
      tpu.vector_store %arg10[%swap3A_63, %swap3A_64], %swap3A_67 {strides = array<i32>} : memref<200x128xf32, #tpu.memory_space<vmem>>, vector<1x16xf32>,
      %get3A_68 = arith.index_cast %scan3A_42 : i32 to index
      %get3A_69 = arith.constant 112 : index
      %get3A_70 = tpu.vector_load %arg11[%get3A_68, %get3A_69] {strides = array<i32>} : memref<200x128xf32, #tpu.memory_space<vmem>>, vector<1x16xf32>,
      %get3A_71 = vector.shape_cast %get3A_70 : vector<1x16xf32> to vector<16xf32>
      %swap3A_72 = arith.index_cast %scan3A_42 : i32 to index
      %swap3A_73 = arith.constant 112 : index
      %swap3A_74 = tpu.vector_load %arg10[%swap3A_72, %swap3A_73] {strides = array<i32>} : memref<200x128xf32, #tpu.memory_space<vmem>>, vector<1x16xf32>,
      %swap3A_75 = vector.shape_cast %swap3A_74 : vector<1x16xf32> to vector<16xf32>
      %swap3A_76 = vector.shape_cast %get3A_71 : vector<16xf32> to vector<1x16xf32>
      tpu.vector_store %arg10[%swap3A_72, %swap3A_73], %swap3A_76 {strides = array<i32>} : memref<200x128xf32, #tpu.memory_space<vmem>>, vector<1x16xf32>,
    }
    %scan3A_29 = arith.constant 200 : i32
    %add3A_30 = arith.constant 4800 : i32
    %add3A_31 = arith.addi %mul3A_6, %add3A_30 : i32
    %dma_start3A_32 = arith.constant 0 : i32
    %dma_start3A_33 = tpu.memref_slice %arg5[%add3A_31, %dma_start3A_32] : memref<160000x128xf32, #tpu.memory_space<hbm>> -> memref<200x128xf32, #tpu.memory_space<hbm>>
    %dma_start3A_34 = arith.constant 0 : i32
    %dma_start3A_35 = tpu.memref_slice %arg5[%add3A_31, %dma_start3A_34] : memref<160000x128xf32, #tpu.memory_space<hbm>> -> memref<200x128xf32, #tpu.memory_space<hbm>>
    tpu.enqueue_dma source(%arg10 : memref<200x128xf32, #tpu.memory_space<vmem>>) target(%dma_start3A_35 : memref<200x128xf32, #tpu.memory_space<hbm>>) target_semaphore(%arg18 : memref<!tpu.dma_semaphore, #tpu.memory_space<semaphore_mem>>)
    %add3A_36 = arith.constant 4800 : i32
    %add3A_37 = arith.addi %mul3A_6, %add3A_36 : i32
    %dma_wait3A_38 = arith.constant 0 : i32
    %dma_wait3A_39 = tpu.memref_slice %arg5[%add3A_37, %dma_wait3A_38] : memref<160000x128xf32, #tpu.memory_space<hbm>> -> memref<200x128xf32, #tpu.memory_space<hbm>>
    %dma_wait3A_40 = arith.constant 0 : i32
    %dma_wait3A_41 = tpu.memref_slice %arg5[%add3A_37, %dma_wait3A_40] : memref<160000x128xf32, #tpu.memory_space<hbm>> -> memref<200x128xf32, #tpu.memory_space<hbm>>
    tpu.wait_dma2 semaphore(%arg18 : memref<!tpu.dma_semaphore, #tpu.memory_space<semaphore_mem>>) src(%arg10 : memref<200x128xf32, #tpu.memory_space<vmem>>) dst(%dma_wait3A_41 : memref<200x128xf32, #tpu.memory_space<hbm>>)
    return
  }
}

module attributes {stable_mosaic.version = 14 : i64} {
  func.func @_combine1_body(%arg0: memref<2x10240x128xf32, #tpu.memory_space<vmem>>, %arg1: memref<10000x64xf32, #tpu.memory_space<vmem>>, %arg2: memref<1x64xf32, #tpu.memory_space<vmem>>, %arg3: memref<1x64xf32, #tpu.memory_space<vmem>>, %arg4: memref<64x64xf32, #tpu.memory_space<vmem>>, %arg5: memref<64x64xf32, #tpu.memory_space<vmem>>, %arg6: memref<1x64xf32, #tpu.memory_space<vmem>>, %arg7: memref<10000x128xf32, #tpu.memory_space<vmem>>, %arg8: memref<10000x64xf32, #tpu.memory_space<vmem>>, %arg9: memref<10000x1xf32, #tpu.memory_space<vmem>>) attributes {dimension_semantics = [], scalar_prefetch = 0 : i64, scratch_operands = 0 : i64, tpu.core_type = #tpu.core_type<tc>} {
    %get3A = arith.constant 0 : index
    %get3A_0 = arith.constant 0 : index
    %get3A_1 = arith.constant 64 : index
    %get3A_2 = vector.load %arg0[%get3A, %get3A_0, %get3A_1] : memref<2x10240x128xf32, #tpu.memory_space<vmem>>, vector<1x10000x1xf32>
    %get3A_3 = vector.shape_cast %get3A_2 : vector<1x10000x1xf32> to vector<10000x1xf32>
    %get3A_4 = arith.constant 1 : index
    %get3A_5 = arith.constant 0 : index
    %get3A_6 = arith.constant 64 : index
    %get3A_7 = vector.load %arg0[%get3A_4, %get3A_5, %get3A_6] : memref<2x10240x128xf32, #tpu.memory_space<vmem>>, vector<1x10000x1xf32>
    %get3A_8 = vector.shape_cast %get3A_7 : vector<1x10000x1xf32> to vector<10000x1xf32>
    %add3A = arith.addf %get3A_3, %get3A_8 : vector<10000x1xf32>
    %max3A = arith.constant 1.000000e+00 : f32
    %max3A_9 = vector.broadcast %max3A : f32 to vector<10000x1xf32>
    %max3A_10 = arith.maximumf %add3A, %max3A_9 : vector<10000x1xf32>
    %div3A = arith.constant 1.000000e+00 : f32
    %div3A_11 = vector.broadcast %div3A : f32 to vector<10000x1xf32>
    %div3A_12 = arith.divf %div3A_11, %max3A_10 : vector<10000x1xf32>
    %get3A_13 = arith.constant 0 : index
    %get3A_14 = arith.constant 0 : index
    %get3A_15 = arith.constant 0 : index
    %get3A_16 = vector.load %arg0[%get3A_13, %get3A_14, %get3A_15] : memref<2x10240x128xf32, #tpu.memory_space<vmem>>, vector<1x10000x64xf32>
    %get3A_17 = vector.shape_cast %get3A_16 : vector<1x10000x64xf32> to vector<10000x64xf32>
    %get3A_18 = arith.constant 1 : index
    %get3A_19 = arith.constant 0 : index
    %get3A_20 = arith.constant 0 : index
    %get3A_21 = vector.load %arg0[%get3A_18, %get3A_19, %get3A_20] : memref<2x10240x128xf32, #tpu.memory_space<vmem>>, vector<1x10000x64xf32>
    %get3A_22 = vector.shape_cast %get3A_21 : vector<1x10000x64xf32> to vector<10000x64xf32>
    %add3A_23 = arith.addf %get3A_17, %get3A_22 : vector<10000x64xf32>
    %mul3A = vector.broadcast %div3A_12 : vector<10000x1xf32> to vector<10000x64xf32>
    %mul3A_24 = arith.mulf %add3A_23, %mul3A : vector<10000x64xf32>
    %get3A_25 = arith.constant 0 : index
    %get3A_26 = arith.constant 0 : index
    %get3A_27 = vector.load %arg1[%get3A_25, %get3A_26] : memref<10000x64xf32, #tpu.memory_space<vmem>>, vector<10000x64xf32>
    %add3A_28 = arith.addf %mul3A_24, %get3A_27 : vector<10000x64xf32>
    %get3A_29 = arith.constant 0 : index
    %get3A_30 = arith.constant 0 : index
    %get3A_31 = vector.load %arg2[%get3A_29, %get3A_30] : memref<1x64xf32, #tpu.memory_space<vmem>>, vector<1x64xf32>
    %get3A_32 = arith.constant 0 : index
    %get3A_33 = arith.constant 0 : index
    %get3A_34 = vector.load %arg3[%get3A_32, %get3A_33] : memref<1x64xf32, #tpu.memory_space<vmem>>, vector<1x64xf32>
    %reduce_sum3A = arith.constant dense<0.000000e+00> : vector<64xf32>
    %reduce_sum3A_35 = vector.multi_reduction <add>, %add3A_28, %reduce_sum3A [0] : vector<10000x64xf32> to vector<64xf32>
    %broadcast_in_dim3A = vector.shape_cast %reduce_sum3A_35 : vector<64xf32> to vector<1x64xf32>
    %div3A_36 = arith.constant 1.000000e+04 : f32
    %div3A_37 = vector.broadcast %div3A_36 : f32 to vector<1x64xf32>
    %div3A_38 = arith.divf %broadcast_in_dim3A, %div3A_37 : vector<1x64xf32>
    %sub3A = vector.broadcast %div3A_38 : vector<1x64xf32> to vector<10000x64xf32>
    %sub3A_39 = arith.subf %add3A_28, %sub3A : vector<10000x64xf32>
    %integer_pow3A = arith.mulf %sub3A_39, %sub3A_39 : vector<10000x64xf32>
    %reduce_sum3A_40 = arith.constant dense<0.000000e+00> : vector<64xf32>
    %reduce_sum3A_41 = vector.multi_reduction <add>, %integer_pow3A, %reduce_sum3A_40 [0] : vector<10000x64xf32> to vector<64xf32>
    %broadcast_in_dim3A_42 = vector.shape_cast %reduce_sum3A_41 : vector<64xf32> to vector<1x64xf32>
    %div3A_43 = arith.constant 1.000000e+04 : f32
    %div3A_44 = vector.broadcast %div3A_43 : f32 to vector<1x64xf32>
    %div3A_45 = arith.divf %broadcast_in_dim3A_42, %div3A_44 : vector<1x64xf32>
    %sub3A_46 = vector.broadcast %div3A_38 : vector<1x64xf32> to vector<10000x64xf32>
    %sub3A_47 = arith.subf %add3A_28, %sub3A_46 : vector<10000x64xf32>
    %mul3A_48 = vector.broadcast %get3A_31 : vector<1x64xf32> to vector<10000x64xf32>
    %mul3A_49 = arith.mulf %mul3A_48, %sub3A_47 : vector<10000x64xf32>
    %add3A_50 = arith.constant 9.99999974E-6 : f32
    %add3A_51 = vector.broadcast %add3A_50 : f32 to vector<1x64xf32>
    %add3A_52 = arith.addf %div3A_45, %add3A_51 : vector<1x64xf32>
    %sqrt3A = math.sqrt %add3A_52 : vector<1x64xf32>
    %div3A_53 = vector.broadcast %sqrt3A : vector<1x64xf32> to vector<10000x64xf32>
    %div3A_54 = arith.divf %mul3A_49, %div3A_53 : vector<10000x64xf32>
    %add3A_55 = vector.broadcast %get3A_34 : vector<1x64xf32> to vector<10000x64xf32>
    %add3A_56 = arith.addf %div3A_54, %add3A_55 : vector<10000x64xf32>
    %max3A_57 = arith.constant 0.000000e+00 : f32
    %max3A_58 = vector.broadcast %max3A_57 : f32 to vector<10000x64xf32>
    %max3A_59 = arith.maximumf %add3A_56, %max3A_58 : vector<10000x64xf32>
    %get3A_60 = arith.constant 0 : index
    %get3A_61 = arith.constant 0 : index
    %get3A_62 = vector.load %arg4[%get3A_60, %get3A_61] : memref<64x64xf32, #tpu.memory_space<vmem>>, vector<64x64xf32>
    %dot_general3A = arith.constant dense<0.000000e+00> : vector<10000x64xf32>
    %dot_general3A_63 = tpu.matmul %max3A_59, %get3A_62, %dot_general3A {dimension_numbers = #tpu.dot_dimension_numbers<[1], [0], [0], [1], [0, 0, 1, 1], [], []>, transpose_lhs_hint = false} : vector<10000x64xf32>, vector<64x64xf32>, vector<10000x64xf32> -> vector<10000x64xf32>
    %broadcast_in_dim3A_64 = arith.constant 1.000000e+00 : f32
    %broadcast_in_dim3A_65 = vector.broadcast %broadcast_in_dim3A_64 : f32 to vector<10000x64xf32>
    %concatenate3A = tpu.concatenate %dot_general3A_63, %broadcast_in_dim3A_65 in 1 : vector<10000x64xf32>, vector<10000x64xf32> -> vector<10000x128xf32>
    %swap3A = arith.constant 0 : index
    %swap3A_66 = arith.constant 0 : index
    %swap3A_67 = vector.load %arg7[%swap3A, %swap3A_66] : memref<10000x128xf32, #tpu.memory_space<vmem>>, vector<10000x128xf32>
    tpu.vector_store %arg7[%swap3A, %swap3A_66], %concatenate3A {strides = array<i32>} : memref<10000x128xf32, #tpu.memory_space<vmem>>, vector<10000x128xf32>,
    %get3A_68 = arith.constant 0 : index
    %get3A_69 = arith.constant 0 : index
    %get3A_70 = vector.load %arg5[%get3A_68, %get3A_69] : memref<64x64xf32, #tpu.memory_space<vmem>>, vector<64x64xf32>
    %dot_general3A_71 = arith.constant dense<0.000000e+00> : vector<10000x64xf32>
    %dot_general3A_72 = tpu.matmul %max3A_59, %get3A_70, %dot_general3A_71 {dimension_numbers = #tpu.dot_dimension_numbers<[1], [0], [0], [1], [0, 0, 1, 1], [], []>, transpose_lhs_hint = false} : vector<10000x64xf32>, vector<64x64xf32>, vector<10000x64xf32> -> vector<10000x64xf32>
    %get3A_73 = arith.constant 0 : index
    %get3A_74 = arith.constant 0 : index
    %get3A_75 = vector.load %arg6[%get3A_73, %get3A_74] : memref<1x64xf32, #tpu.memory_space<vmem>>, vector<1x64xf32>
    %add3A_76 = vector.broadcast %get3A_75 : vector<1x64xf32> to vector<10000x64xf32>
    %add3A_77 = arith.addf %dot_general3A_72, %add3A_76 : vector<10000x64xf32>
    %swap3A_78 = arith.constant 0 : index
    %swap3A_79 = arith.constant 0 : index
    %swap3A_80 = vector.load %arg8[%swap3A_78, %swap3A_79] : memref<10000x64xf32, #tpu.memory_space<vmem>>, vector<10000x64xf32>
    tpu.vector_store %arg8[%swap3A_78, %swap3A_79], %add3A_77 {strides = array<i32>} : memref<10000x64xf32, #tpu.memory_space<vmem>>, vector<10000x64xf32>,
    %swap3A_81 = arith.constant 0 : index
    %swap3A_82 = arith.constant 0 : index
    %swap3A_83 = vector.load %arg9[%swap3A_81, %swap3A_82] : memref<10000x1xf32, #tpu.memory_space<vmem>>, vector<10000x1xf32>
    tpu.vector_store %arg9[%swap3A_81, %swap3A_82], %div3A_12 {strides = array<i32>} : memref<10000x1xf32, #tpu.memory_space<vmem>>, vector<10000x1xf32>,
    return
  }
}

module attributes {stable_mosaic.version = 14 : i64} {
  func.func @_combine2_body(%arg0: memref<2x10240x128xf32, #tpu.memory_space<vmem>>, %arg1: memref<10000x1xf32, #tpu.memory_space<vmem>>, %arg2: memref<10000x64xf32, #tpu.memory_space<vmem>>, %arg3: memref<1x64xf32, #tpu.memory_space<vmem>>, %arg4: memref<1x64xf32, #tpu.memory_space<vmem>>, %arg5: memref<10000x128xf32, #tpu.memory_space<vmem>>) attributes {dimension_semantics = [], scalar_prefetch = 0 : i64, scratch_operands = 0 : i64, tpu.core_type = #tpu.core_type<tc>} {
    %get3A = arith.constant 0 : index
    %get3A_0 = arith.constant 0 : index
    %get3A_1 = arith.constant 0 : index
    %get3A_2 = vector.load %arg0[%get3A, %get3A_0, %get3A_1] : memref<2x10240x128xf32, #tpu.memory_space<vmem>>, vector<1x10000x64xf32>
    %get3A_3 = vector.shape_cast %get3A_2 : vector<1x10000x64xf32> to vector<10000x64xf32>
    %get3A_4 = arith.constant 1 : index
    %get3A_5 = arith.constant 0 : index
    %get3A_6 = arith.constant 0 : index
    %get3A_7 = vector.load %arg0[%get3A_4, %get3A_5, %get3A_6] : memref<2x10240x128xf32, #tpu.memory_space<vmem>>, vector<1x10000x64xf32>
    %get3A_8 = vector.shape_cast %get3A_7 : vector<1x10000x64xf32> to vector<10000x64xf32>
    %add3A = arith.addf %get3A_3, %get3A_8 : vector<10000x64xf32>
    %get3A_9 = arith.constant 0 : index
    %get3A_10 = arith.constant 0 : index
    %get3A_11 = vector.load %arg1[%get3A_9, %get3A_10] : memref<10000x1xf32, #tpu.memory_space<vmem>>, vector<10000x1xf32>
    %mul3A = vector.broadcast %get3A_11 : vector<10000x1xf32> to vector<10000x64xf32>
    %mul3A_12 = arith.mulf %add3A, %mul3A : vector<10000x64xf32>
    %get3A_13 = arith.constant 0 : index
    %get3A_14 = arith.constant 0 : index
    %get3A_15 = vector.load %arg2[%get3A_13, %get3A_14] : memref<10000x64xf32, #tpu.memory_space<vmem>>, vector<10000x64xf32>
    %add3A_16 = arith.addf %mul3A_12, %get3A_15 : vector<10000x64xf32>
    %get3A_17 = arith.constant 0 : index
    %get3A_18 = arith.constant 0 : index
    %get3A_19 = vector.load %arg3[%get3A_17, %get3A_18] : memref<1x64xf32, #tpu.memory_space<vmem>>, vector<1x64xf32>
    %get3A_20 = arith.constant 0 : index
    %get3A_21 = arith.constant 0 : index
    %get3A_22 = vector.load %arg4[%get3A_20, %get3A_21] : memref<1x64xf32, #tpu.memory_space<vmem>>, vector<1x64xf32>
    %reduce_sum3A = arith.constant dense<0.000000e+00> : vector<64xf32>
    %reduce_sum3A_23 = vector.multi_reduction <add>, %add3A_16, %reduce_sum3A [0] : vector<10000x64xf32> to vector<64xf32>
    %broadcast_in_dim3A = vector.shape_cast %reduce_sum3A_23 : vector<64xf32> to vector<1x64xf32>
    %div3A = arith.constant 1.000000e+04 : f32
    %div3A_24 = vector.broadcast %div3A : f32 to vector<1x64xf32>
    %div3A_25 = arith.divf %broadcast_in_dim3A, %div3A_24 : vector<1x64xf32>
    %sub3A = vector.broadcast %div3A_25 : vector<1x64xf32> to vector<10000x64xf32>
    %sub3A_26 = arith.subf %add3A_16, %sub3A : vector<10000x64xf32>
    %integer_pow3A = arith.mulf %sub3A_26, %sub3A_26 : vector<10000x64xf32>
    %reduce_sum3A_27 = arith.constant dense<0.000000e+00> : vector<64xf32>
    %reduce_sum3A_28 = vector.multi_reduction <add>, %integer_pow3A, %reduce_sum3A_27 [0] : vector<10000x64xf32> to vector<64xf32>
    %broadcast_in_dim3A_29 = vector.shape_cast %reduce_sum3A_28 : vector<64xf32> to vector<1x64xf32>
    %div3A_30 = arith.constant 1.000000e+04 : f32
    %div3A_31 = vector.broadcast %div3A_30 : f32 to vector<1x64xf32>
    %div3A_32 = arith.divf %broadcast_in_dim3A_29, %div3A_31 : vector<1x64xf32>
    %sub3A_33 = vector.broadcast %div3A_25 : vector<1x64xf32> to vector<10000x64xf32>
    %sub3A_34 = arith.subf %add3A_16, %sub3A_33 : vector<10000x64xf32>
    %mul3A_35 = vector.broadcast %get3A_19 : vector<1x64xf32> to vector<10000x64xf32>
    %mul3A_36 = arith.mulf %mul3A_35, %sub3A_34 : vector<10000x64xf32>
    %add3A_37 = arith.constant 9.99999974E-6 : f32
    %add3A_38 = vector.broadcast %add3A_37 : f32 to vector<1x64xf32>
    %add3A_39 = arith.addf %div3A_32, %add3A_38 : vector<1x64xf32>
    %sqrt3A = math.sqrt %add3A_39 : vector<1x64xf32>
    %div3A_40 = vector.broadcast %sqrt3A : vector<1x64xf32> to vector<10000x64xf32>
    %div3A_41 = arith.divf %mul3A_36, %div3A_40 : vector<10000x64xf32>
    %add3A_42 = vector.broadcast %get3A_22 : vector<1x64xf32> to vector<10000x64xf32>
    %add3A_43 = arith.addf %div3A_41, %add3A_42 : vector<10000x64xf32>
    %max3A = arith.constant 0.000000e+00 : f32
    %max3A_44 = vector.broadcast %max3A : f32 to vector<10000x64xf32>
    %max3A_45 = arith.maximumf %add3A_43, %max3A_44 : vector<10000x64xf32>
    %concatenate3A = tpu.concatenate %max3A_45, %max3A_45 in 1 : vector<10000x64xf32>, vector<10000x64xf32> -> vector<10000x128xf32>
    %swap3A = arith.constant 0 : index
    %swap3A_46 = arith.constant 0 : index
    %swap3A_47 = vector.load %arg5[%swap3A, %swap3A_46] : memref<10000x128xf32, #tpu.memory_space<vmem>>, vector<10000x128xf32>
    tpu.vector_store %arg5[%swap3A, %swap3A_46], %concatenate3A {strides = array<i32>} : memref<10000x128xf32, #tpu.memory_space<vmem>>, vector<10000x128xf32>,
    return
  }
}

module attributes {stable_mosaic.version = 14 : i64} {
  func.func @_proj_body(%arg0: memref<10000x128xf32, #tpu.memory_space<vmem>>, %arg1: memref<128x64xf32, #tpu.memory_space<vmem>>, %arg2: memref<128x64xf32, #tpu.memory_space<vmem>>, %arg3: memref<1x64xf32, #tpu.memory_space<vmem>>, %arg4: memref<10000x128xf32, #tpu.memory_space<vmem>>, %arg5: memref<10000x64xf32, #tpu.memory_space<vmem>>) attributes {dimension_semantics = [], scalar_prefetch = 0 : i64, scratch_operands = 0 : i64, tpu.core_type = #tpu.core_type<tc>} {
    %get3A = arith.constant 0 : index
    %get3A_0 = arith.constant 0 : index
    %get3A_1 = vector.load %arg0[%get3A, %get3A_0] : memref<10000x128xf32, #tpu.memory_space<vmem>>, vector<10000x128xf32>
    %get3A_2 = arith.constant 0 : index
    %get3A_3 = arith.constant 0 : index
    %get3A_4 = vector.load %arg1[%get3A_2, %get3A_3] : memref<128x64xf32, #tpu.memory_space<vmem>>, vector<128x64xf32>
    %dot_general3A = arith.constant dense<0.000000e+00> : vector<10000x64xf32>
    %dot_general3A_5 = tpu.matmul %get3A_1, %get3A_4, %dot_general3A {dimension_numbers = #tpu.dot_dimension_numbers<[1], [0], [0], [1], [0, 0, 1, 1], [], []>, transpose_lhs_hint = false} : vector<10000x128xf32>, vector<128x64xf32>, vector<10000x64xf32> -> vector<10000x64xf32>
    %broadcast_in_dim3A = arith.constant 1.000000e+00 : f32
    %broadcast_in_dim3A_6 = vector.broadcast %broadcast_in_dim3A : f32 to vector<10000x64xf32>
    %concatenate3A = tpu.concatenate %dot_general3A_5, %broadcast_in_dim3A_6 in 1 : vector<10000x64xf32>, vector<10000x64xf32> -> vector<10000x128xf32>
    %swap3A = arith.constant 0 : index
    %swap3A_7 = arith.constant 0 : index
    %swap3A_8 = vector.load %arg4[%swap3A, %swap3A_7] : memref<10000x128xf32, #tpu.memory_space<vmem>>, vector<10000x128xf32>
    tpu.vector_store %arg4[%swap3A, %swap3A_7], %concatenate3A {strides = array<i32>} : memref<10000x128xf32, #tpu.memory_space<vmem>>, vector<10000x128xf32>,
    %get3A_9 = arith.constant 0 : index
    %get3A_10 = arith.constant 0 : index
    %get3A_11 = vector.load %arg2[%get3A_9, %get3A_10] : memref<128x64xf32, #tpu.memory_space<vmem>>, vector<128x64xf32>
    %dot_general3A_12 = arith.constant dense<0.000000e+00> : vector<10000x64xf32>
    %dot_general3A_13 = tpu.matmul %get3A_1, %get3A_11, %dot_general3A_12 {dimension_numbers = #tpu.dot_dimension_numbers<[1], [0], [0], [1], [0, 0, 1, 1], [], []>, transpose_lhs_hint = false} : vector<10000x128xf32>, vector<128x64xf32>, vector<10000x64xf32> -> vector<10000x64xf32>
    %get3A_14 = arith.constant 0 : index
    %get3A_15 = arith.constant 0 : index
    %get3A_16 = vector.load %arg3[%get3A_14, %get3A_15] : memref<1x64xf32, #tpu.memory_space<vmem>>, vector<1x64xf32>
    %add3A = vector.broadcast %get3A_16 : vector<1x64xf32> to vector<10000x64xf32>
    %add3A_17 = arith.addf %dot_general3A_13, %add3A : vector<10000x64xf32>
    %swap3A_18 = arith.constant 0 : index
    %swap3A_19 = arith.constant 0 : index
    %swap3A_20 = vector.load %arg5[%swap3A_18, %swap3A_19] : memref<10000x64xf32, #tpu.memory_space<vmem>>, vector<10000x64xf32>
    tpu.vector_store %arg5[%swap3A_18, %swap3A_19], %add3A_17 {strides = array<i32>} : memref<10000x64xf32, #tpu.memory_space<vmem>>, vector<10000x64xf32>,
    return
  }
}

module attributes {stable_mosaic.version = 14 : i64} {
  func.func @_edge_mlp_body(%arg0: i32, %arg1: memref<3200x128xf32, #tpu.memory_space<vmem>>, %arg2: memref<16x3200xf32, #tpu.memory_space<vmem>>, %arg3: memref<8x3200xf32, #tpu.memory_space<vmem>>, %arg4: memref<128x128xf32, #tpu.memory_space<vmem>>, %arg5: memref<16x128xf32, #tpu.memory_space<vmem>>, %arg6: memref<8x128xf32, #tpu.memory_space<vmem>>, %arg7: memref<1x128xf32, #tpu.memory_space<vmem>>, %arg8: memref<128x64xf32, #tpu.memory_space<vmem>>, %arg9: memref<1x64xf32, #tpu.memory_space<vmem>>, %arg10: memref<64x3xf32, #tpu.memory_space<vmem>>, %arg11: memref<3x1xf32, #tpu.memory_space<vmem>>, %arg12: memref<3x3200xf32, #tpu.memory_space<vmem>>) attributes {dimension_semantics = [#tpu.dimension_semantics<arbitrary>], iteration_bounds = array<i64: 50>, scalar_prefetch = 0 : i64, scratch_operands = 0 : i64, tpu.core_type = #tpu.core_type<tc>, window_params = [{transform_indices = @transform_0, window_bounds = array<i64: 3200, 128>}, {transform_indices = @transform_1, window_bounds = array<i64: 16, 3200>}, {transform_indices = @transform_2, window_bounds = array<i64: 8, 3200>}, {pipeline_mode = #tpu.pipeline_mode<synchronous>, transform_indices = @transform_3, window_bounds = array<i64: 128, 128>}, {pipeline_mode = #tpu.pipeline_mode<synchronous>, transform_indices = @transform_4, window_bounds = array<i64: 16, 128>}, {pipeline_mode = #tpu.pipeline_mode<synchronous>, transform_indices = @transform_5, window_bounds = array<i64: 8, 128>}, {pipeline_mode = #tpu.pipeline_mode<synchronous>, transform_indices = @transform_6, window_bounds = array<i64: 1, 128>}, {pipeline_mode = #tpu.pipeline_mode<synchronous>, transform_indices = @transform_7, window_bounds = array<i64: 128, 64>}, {pipeline_mode = #tpu.pipeline_mode<synchronous>, transform_indices = @transform_8, window_bounds = array<i64: 1, 64>}, {pipeline_mode = #tpu.pipeline_mode<synchronous>, transform_indices = @transform_9, window_bounds = array<i64: 64, 3>}, {pipeline_mode = #tpu.pipeline_mode<synchronous>, transform_indices = @transform_10, window_bounds = array<i64: 3, 1>}, {transform_indices = @transform_11, window_bounds = array<i64: 3, 3200>}]} {
    %get3A = arith.constant 0 : index
    %get3A_0 = arith.constant 0 : index
    %get3A_1 = vector.load %arg1[%get3A, %get3A_0] : memref<3200x128xf32, #tpu.memory_space<vmem>>, vector<3200x128xf32>
    %convert_element_type3A = arith.truncf %get3A_1 : vector<3200x128xf32> to vector<3200x128xbf16>
    %get3A_2 = arith.constant 0 : index
    %get3A_3 = arith.constant 0 : index
    %get3A_4 = vector.load %arg4[%get3A_2, %get3A_3] : memref<128x128xf32, #tpu.memory_space<vmem>>, vector<128x128xf32>
    %convert_element_type3A_5 = arith.truncf %get3A_4 : vector<128x128xf32> to vector<128x128xbf16>
    %dot_general3A = arith.constant dense<0.000000e+00> : vector<3200x128xf32>
    %dot_general3A_6 = tpu.matmul %convert_element_type3A, %convert_element_type3A_5, %dot_general3A {dimension_numbers = #tpu.dot_dimension_numbers<[1], [0], [0], [1], [0, 0, 1, 1], [], []>, transpose_lhs_hint = false} : vector<3200x128xbf16>, vector<128x128xbf16>, vector<3200x128xf32> -> vector<3200x128xf32>
    %get3A_7 = arith.constant 0 : index
    %get3A_8 = arith.constant 0 : index
    %get3A_9 = vector.load %arg2[%get3A_7, %get3A_8] : memref<16x3200xf32, #tpu.memory_space<vmem>>, vector<16x3200xf32>
    %get3A_10 = arith.constant 0 : index
    %get3A_11 = arith.constant 0 : index
    %get3A_12 = vector.load %arg5[%get3A_10, %get3A_11] : memref<16x128xf32, #tpu.memory_space<vmem>>, vector<16x128xf32>
    %dot_general3A_13 = arith.constant dense<0.000000e+00> : vector<3200x128xf32>
    %dot_general3A_14 = tpu.matmul %get3A_9, %get3A_12, %dot_general3A_13 {dimension_numbers = #tpu.dot_dimension_numbers<[0], [0], [1], [1], [0, 1, 1, 1], [], []>, transpose_lhs_hint = false} : vector<16x3200xf32>, vector<16x128xf32>, vector<3200x128xf32> -> vector<3200x128xf32>
    %add3A = arith.addf %dot_general3A_6, %dot_general3A_14 : vector<3200x128xf32>
    %get3A_15 = arith.constant 0 : index
    %get3A_16 = arith.constant 0 : index
    %get3A_17 = vector.load %arg3[%get3A_15, %get3A_16] : memref<8x3200xf32, #tpu.memory_space<vmem>>, vector<8x3200xf32>
    %get3A_18 = arith.constant 0 : index
    %get3A_19 = arith.constant 0 : index
    %get3A_20 = vector.load %arg6[%get3A_18, %get3A_19] : memref<8x128xf32, #tpu.memory_space<vmem>>, vector<8x128xf32>
    %dot_general3A_21 = arith.constant dense<0.000000e+00> : vector<3200x128xf32>
    %dot_general3A_22 = tpu.matmul %get3A_17, %get3A_20, %dot_general3A_21 {dimension_numbers = #tpu.dot_dimension_numbers<[0], [0], [1], [1], [0, 1, 1, 1], [], []>, transpose_lhs_hint = false} : vector<8x3200xf32>, vector<8x128xf32>, vector<3200x128xf32> -> vector<3200x128xf32>
    %add3A_23 = arith.addf %add3A, %dot_general3A_22 : vector<3200x128xf32>
    %get3A_24 = arith.constant 0 : index
    %get3A_25 = arith.constant 0 : index
    %get3A_26 = vector.load %arg7[%get3A_24, %get3A_25] : memref<1x128xf32, #tpu.memory_space<vmem>>, vector<1x128xf32>
    %add3A_27 = vector.broadcast %get3A_26 : vector<1x128xf32> to vector<3200x128xf32>
    %add3A_28 = arith.addf %add3A_23, %add3A_27 : vector<3200x128xf32>
    %max3A = arith.constant 0.000000e+00 : f32
    %max3A_29 = vector.broadcast %max3A : f32 to vector<3200x128xf32>
    %max3A_30 = arith.maximumf %add3A_28, %max3A_29 : vector<3200x128xf32>
    %convert_element_type3A_31 = arith.truncf %max3A_30 : vector<3200x128xf32> to vector<3200x128xbf16>
    %get3A_32 = arith.constant 0 : index
    %get3A_33 = arith.constant 0 : index
    %get3A_34 = vector.load %arg8[%get3A_32, %get3A_33] : memref<128x64xf32, #tpu.memory_space<vmem>>, vector<128x64xf32>
    %convert_element_type3A_35 = arith.truncf %get3A_34 : vector<128x64xf32> to vector<128x64xbf16>
    %dot_general3A_36 = arith.constant dense<0.000000e+00> : vector<3200x64xf32>
    %dot_general3A_37 = tpu.matmul %convert_element_type3A_31, %convert_element_type3A_35, %dot_general3A_36 {dimension_numbers = #tpu.dot_dimension_numbers<[1], [0], [0], [1], [0, 0, 1, 1], [], []>, transpose_lhs_hint = false} : vector<3200x128xbf16>, vector<128x64xbf16>, vector<3200x64xf32> -> vector<3200x64xf32>
    %get3A_38 = arith.constant 0 : index
    %get3A_39 = arith.constant 0 : index
    %get3A_40 = vector.load %arg9[%get3A_38, %get3A_39] : memref<1x64xf32, #tpu.memory_space<vmem>>, vector<1x64xf32>
    %add3A_41 = vector.broadcast %get3A_40 : vector<1x64xf32> to vector<3200x64xf32>
    %add3A_42 = arith.addf %dot_general3A_37, %add3A_41 : vector<3200x64xf32>
    %max3A_43 = arith.constant 0.000000e+00 : f32
    %max3A_44 = vector.broadcast %max3A_43 : f32 to vector<3200x64xf32>
    %max3A_45 = arith.maximumf %add3A_42, %max3A_44 : vector<3200x64xf32>
    %get3A_46 = arith.constant 0 : index
    %get3A_47 = arith.constant 0 : index
    %get3A_48 = vector.load %arg10[%get3A_46, %get3A_47] : memref<64x3xf32, #tpu.memory_space<vmem>>, vector<64x3xf32>
    %dot_general3A_49 = arith.constant dense<0.000000e+00> : vector<3x3200xf32>
    %dot_general3A_50 = tpu.matmul %get3A_48, %max3A_45, %dot_general3A_49 {dimension_numbers = #tpu.dot_dimension_numbers<[0], [1], [1], [0], [0, 1, 1, 0], [], []>, transpose_lhs_hint = false} : vector<64x3xf32>, vector<3200x64xf32>, vector<3x3200xf32> -> vector<3x3200xf32>
    %get3A_51 = arith.constant 0 : index
    %get3A_52 = arith.constant 0 : index
    %get3A_53 = vector.load %arg11[%get3A_51, %get3A_52] : memref<3x1xf32, #tpu.memory_space<vmem>>, vector<3x1xf32>
    %add3A_54 = vector.broadcast %get3A_53 : vector<3x1xf32> to vector<3x3200xf32>
    %add3A_55 = arith.addf %dot_general3A_50, %add3A_54 : vector<3x3200xf32>
    %swap3A = arith.constant 0 : index
    %swap3A_56 = arith.constant 0 : index
    %swap3A_57 = vector.load %arg12[%swap3A, %swap3A_56] : memref<3x3200xf32, #tpu.memory_space<vmem>>, vector<3x3200xf32>
    tpu.vector_store %arg12[%swap3A, %swap3A_56], %add3A_55 {strides = array<i32>} : memref<3x3200xf32, #tpu.memory_space<vmem>>, vector<3x3200xf32>,
    return
  }
  func.func @transform_0(%arg0: i32) -> (i32, i32) {
    %c0_i32 = arith.constant 0 : i32
    %c0_i32_0 = arith.constant 0 : i32
    return %arg0, %c0_i32 : i32, i32
  }
  func.func @transform_1(%arg0: i32) -> (i32, i32) {
    %add3A = arith.constant 50 : i32
    %add3A_0 = arith.addi %arg0, %add3A : i32
    %c0_i32 = arith.constant 0 : i32
    %c0_i32_1 = arith.constant 0 : i32
    return %c0_i32, %add3A_0 : i32, i32
  }
  func.func @transform_2(%arg0: i32) -> (i32, i32) {
    %add3A = arith.constant 50 : i32
    %add3A_0 = arith.addi %arg0, %add3A : i32
    %c0_i32 = arith.constant 0 : i32
    %c0_i32_1 = arith.constant 0 : i32
    return %c0_i32, %add3A_0 : i32, i32
  }
  func.func @transform_3(%arg0: i32) -> (i32, i32) {
    %c0_i32 = arith.constant 0 : i32
    %c0_i32_0 = arith.constant 0 : i32
    %c0_i32_1 = arith.constant 0 : i32
    return %c0_i32, %c0_i32_0 : i32, i32
  }
  func.func @transform_4(%arg0: i32) -> (i32, i32) {
    %c0_i32 = arith.constant 0 : i32
    %c0_i32_0 = arith.constant 0 : i32
    %c0_i32_1 = arith.constant 0 : i32
    return %c0_i32, %c0_i32_0 : i32, i32
  }
  func.func @transform_5(%arg0: i32) -> (i32, i32) {
    %c0_i32 = arith.constant 0 : i32
    %c0_i32_0 = arith.constant 0 : i32
    %c0_i32_1 = arith.constant 0 : i32
    return %c0_i32, %c0_i32_0 : i32, i32
  }
  func.func @transform_6(%arg0: i32) -> (i32, i32) {
    %c0_i32 = arith.constant 0 : i32
    %c0_i32_0 = arith.constant 0 : i32
    %c0_i32_1 = arith.constant 0 : i32
    return %c0_i32, %c0_i32_0 : i32, i32
  }
  func.func @transform_7(%arg0: i32) -> (i32, i32) {
    %c0_i32 = arith.constant 0 : i32
    %c0_i32_0 = arith.constant 0 : i32
    %c0_i32_1 = arith.constant 0 : i32
    return %c0_i32, %c0_i32_0 : i32, i32
  }
  func.func @transform_8(%arg0: i32) -> (i32, i32) {
    %c0_i32 = arith.constant 0 : i32
    %c0_i32_0 = arith.constant 0 : i32
    %c0_i32_1 = arith.constant 0 : i32
    return %c0_i32, %c0_i32_0 : i32, i32
  }
  func.func @transform_9(%arg0: i32) -> (i32, i32) {
    %c0_i32 = arith.constant 0 : i32
    %c0_i32_0 = arith.constant 0 : i32
    %c0_i32_1 = arith.constant 0 : i32
    return %c0_i32, %c0_i32_0 : i32, i32
  }
  func.func @transform_10(%arg0: i32) -> (i32, i32) {
    %c0_i32 = arith.constant 0 : i32
    %c0_i32_0 = arith.constant 0 : i32
    %c0_i32_1 = arith.constant 0 : i32
    return %c0_i32, %c0_i32_0 : i32, i32
  }
  func.func @transform_11(%arg0: i32) -> (i32, i32) {
    %c0_i32 = arith.constant 0 : i32
    %c0_i32_0 = arith.constant 0 : i32
    return %c0_i32, %arg0 : i32, i32
  }
}

module attributes {stable_mosaic.version = 14 : i64} {
  func.func @_edge_mlp_body(%arg0: i32, %arg1: memref<3200x128xf32, #tpu.memory_space<vmem>>, %arg2: memref<16x3200xf32, #tpu.memory_space<vmem>>, %arg3: memref<8x3200xf32, #tpu.memory_space<vmem>>, %arg4: memref<128x128xf32, #tpu.memory_space<vmem>>, %arg5: memref<16x128xf32, #tpu.memory_space<vmem>>, %arg6: memref<8x128xf32, #tpu.memory_space<vmem>>, %arg7: memref<1x128xf32, #tpu.memory_space<vmem>>, %arg8: memref<128x64xf32, #tpu.memory_space<vmem>>, %arg9: memref<1x64xf32, #tpu.memory_space<vmem>>, %arg10: memref<64x3xf32, #tpu.memory_space<vmem>>, %arg11: memref<3x1xf32, #tpu.memory_space<vmem>>, %arg12: memref<3x3200xf32, #tpu.memory_space<vmem>>) attributes {dimension_semantics = [#tpu.dimension_semantics<arbitrary>], iteration_bounds = array<i64: 50>, scalar_prefetch = 0 : i64, scratch_operands = 0 : i64, tpu.core_type = #tpu.core_type<tc>, window_params = [{transform_indices = @transform_0, window_bounds = array<i64: 3200, 128>}, {transform_indices = @transform_1, window_bounds = array<i64: 16, 3200>}, {transform_indices = @transform_2, window_bounds = array<i64: 8, 3200>}, {pipeline_mode = #tpu.pipeline_mode<synchronous>, transform_indices = @transform_3, window_bounds = array<i64: 128, 128>}, {pipeline_mode = #tpu.pipeline_mode<synchronous>, transform_indices = @transform_4, window_bounds = array<i64: 16, 128>}, {pipeline_mode = #tpu.pipeline_mode<synchronous>, transform_indices = @transform_5, window_bounds = array<i64: 8, 128>}, {pipeline_mode = #tpu.pipeline_mode<synchronous>, transform_indices = @transform_6, window_bounds = array<i64: 1, 128>}, {pipeline_mode = #tpu.pipeline_mode<synchronous>, transform_indices = @transform_7, window_bounds = array<i64: 128, 64>}, {pipeline_mode = #tpu.pipeline_mode<synchronous>, transform_indices = @transform_8, window_bounds = array<i64: 1, 64>}, {pipeline_mode = #tpu.pipeline_mode<synchronous>, transform_indices = @transform_9, window_bounds = array<i64: 64, 3>}, {pipeline_mode = #tpu.pipeline_mode<synchronous>, transform_indices = @transform_10, window_bounds = array<i64: 3, 1>}, {transform_indices = @transform_11, window_bounds = array<i64: 3, 3200>}]} {
    %get3A = arith.constant 0 : index
    %get3A_0 = arith.constant 0 : index
    %get3A_1 = vector.load %arg1[%get3A, %get3A_0] : memref<3200x128xf32, #tpu.memory_space<vmem>>, vector<3200x128xf32>
    %convert_element_type3A = arith.truncf %get3A_1 : vector<3200x128xf32> to vector<3200x128xbf16>
    %get3A_2 = arith.constant 0 : index
    %get3A_3 = arith.constant 0 : index
    %get3A_4 = vector.load %arg4[%get3A_2, %get3A_3] : memref<128x128xf32, #tpu.memory_space<vmem>>, vector<128x128xf32>
    %convert_element_type3A_5 = arith.truncf %get3A_4 : vector<128x128xf32> to vector<128x128xbf16>
    %dot_general3A = arith.constant dense<0.000000e+00> : vector<3200x128xf32>
    %dot_general3A_6 = tpu.matmul %convert_element_type3A, %convert_element_type3A_5, %dot_general3A {dimension_numbers = #tpu.dot_dimension_numbers<[1], [0], [0], [1], [0, 0, 1, 1], [], []>, transpose_lhs_hint = false} : vector<3200x128xbf16>, vector<128x128xbf16>, vector<3200x128xf32> -> vector<3200x128xf32>
    %get3A_7 = arith.constant 0 : index
    %get3A_8 = arith.constant 0 : index
    %get3A_9 = vector.load %arg2[%get3A_7, %get3A_8] : memref<16x3200xf32, #tpu.memory_space<vmem>>, vector<16x3200xf32>
    %get3A_10 = arith.constant 0 : index
    %get3A_11 = arith.constant 0 : index
    %get3A_12 = vector.load %arg5[%get3A_10, %get3A_11] : memref<16x128xf32, #tpu.memory_space<vmem>>, vector<16x128xf32>
    %dot_general3A_13 = arith.constant dense<0.000000e+00> : vector<3200x128xf32>
    %dot_general3A_14 = tpu.matmul %get3A_9, %get3A_12, %dot_general3A_13 {dimension_numbers = #tpu.dot_dimension_numbers<[0], [0], [1], [1], [0, 1, 1, 1], [], []>, transpose_lhs_hint = false} : vector<16x3200xf32>, vector<16x128xf32>, vector<3200x128xf32> -> vector<3200x128xf32>
    %add3A = arith.addf %dot_general3A_6, %dot_general3A_14 : vector<3200x128xf32>
    %get3A_15 = arith.constant 0 : index
    %get3A_16 = arith.constant 0 : index
    %get3A_17 = vector.load %arg3[%get3A_15, %get3A_16] : memref<8x3200xf32, #tpu.memory_space<vmem>>, vector<8x3200xf32>
    %get3A_18 = arith.constant 0 : index
    %get3A_19 = arith.constant 0 : index
    %get3A_20 = vector.load %arg6[%get3A_18, %get3A_19] : memref<8x128xf32, #tpu.memory_space<vmem>>, vector<8x128xf32>
    %dot_general3A_21 = arith.constant dense<0.000000e+00> : vector<3200x128xf32>
    %dot_general3A_22 = tpu.matmul %get3A_17, %get3A_20, %dot_general3A_21 {dimension_numbers = #tpu.dot_dimension_numbers<[0], [0], [1], [1], [0, 1, 1, 1], [], []>, transpose_lhs_hint = false} : vector<8x3200xf32>, vector<8x128xf32>, vector<3200x128xf32> -> vector<3200x128xf32>
    %add3A_23 = arith.addf %add3A, %dot_general3A_22 : vector<3200x128xf32>
    %get3A_24 = arith.constant 0 : index
    %get3A_25 = arith.constant 0 : index
    %get3A_26 = vector.load %arg7[%get3A_24, %get3A_25] : memref<1x128xf32, #tpu.memory_space<vmem>>, vector<1x128xf32>
    %add3A_27 = vector.broadcast %get3A_26 : vector<1x128xf32> to vector<3200x128xf32>
    %add3A_28 = arith.addf %add3A_23, %add3A_27 : vector<3200x128xf32>
    %max3A = arith.constant 0.000000e+00 : f32
    %max3A_29 = vector.broadcast %max3A : f32 to vector<3200x128xf32>
    %max3A_30 = arith.maximumf %add3A_28, %max3A_29 : vector<3200x128xf32>
    %convert_element_type3A_31 = arith.truncf %max3A_30 : vector<3200x128xf32> to vector<3200x128xbf16>
    %get3A_32 = arith.constant 0 : index
    %get3A_33 = arith.constant 0 : index
    %get3A_34 = vector.load %arg8[%get3A_32, %get3A_33] : memref<128x64xf32, #tpu.memory_space<vmem>>, vector<128x64xf32>
    %convert_element_type3A_35 = arith.truncf %get3A_34 : vector<128x64xf32> to vector<128x64xbf16>
    %dot_general3A_36 = arith.constant dense<0.000000e+00> : vector<3200x64xf32>
    %dot_general3A_37 = tpu.matmul %convert_element_type3A_31, %convert_element_type3A_35, %dot_general3A_36 {dimension_numbers = #tpu.dot_dimension_numbers<[1], [0], [0], [1], [0, 0, 1, 1], [], []>, transpose_lhs_hint = false} : vector<3200x128xbf16>, vector<128x64xbf16>, vector<3200x64xf32> -> vector<3200x64xf32>
    %get3A_38 = arith.constant 0 : index
    %get3A_39 = arith.constant 0 : index
    %get3A_40 = vector.load %arg9[%get3A_38, %get3A_39] : memref<1x64xf32, #tpu.memory_space<vmem>>, vector<1x64xf32>
    %add3A_41 = vector.broadcast %get3A_40 : vector<1x64xf32> to vector<3200x64xf32>
    %add3A_42 = arith.addf %dot_general3A_37, %add3A_41 : vector<3200x64xf32>
    %max3A_43 = arith.constant 0.000000e+00 : f32
    %max3A_44 = vector.broadcast %max3A_43 : f32 to vector<3200x64xf32>
    %max3A_45 = arith.maximumf %add3A_42, %max3A_44 : vector<3200x64xf32>
    %get3A_46 = arith.constant 0 : index
    %get3A_47 = arith.constant 0 : index
    %get3A_48 = vector.load %arg10[%get3A_46, %get3A_47] : memref<64x3xf32, #tpu.memory_space<vmem>>, vector<64x3xf32>
    %dot_general3A_49 = arith.constant dense<0.000000e+00> : vector<3x3200xf32>
    %dot_general3A_50 = tpu.matmul %get3A_48, %max3A_45, %dot_general3A_49 {dimension_numbers = #tpu.dot_dimension_numbers<[0], [1], [1], [0], [0, 1, 1, 0], [], []>, transpose_lhs_hint = false} : vector<64x3xf32>, vector<3200x64xf32>, vector<3x3200xf32> -> vector<3x3200xf32>
    %get3A_51 = arith.constant 0 : index
    %get3A_52 = arith.constant 0 : index
    %get3A_53 = vector.load %arg11[%get3A_51, %get3A_52] : memref<3x1xf32, #tpu.memory_space<vmem>>, vector<3x1xf32>
    %add3A_54 = vector.broadcast %get3A_53 : vector<3x1xf32> to vector<3x3200xf32>
    %add3A_55 = arith.addf %dot_general3A_50, %add3A_54 : vector<3x3200xf32>
    %swap3A = arith.constant 0 : index
    %swap3A_56 = arith.constant 0 : index
    %swap3A_57 = vector.load %arg12[%swap3A, %swap3A_56] : memref<3x3200xf32, #tpu.memory_space<vmem>>, vector<3x3200xf32>
    tpu.vector_store %arg12[%swap3A, %swap3A_56], %add3A_55 {strides = array<i32>} : memref<3x3200xf32, #tpu.memory_space<vmem>>, vector<3x3200xf32>,
    return
  }
  func.func @transform_0(%arg0: i32) -> (i32, i32) {
    %c0_i32 = arith.constant 0 : i32
    %c0_i32_0 = arith.constant 0 : i32
    return %arg0, %c0_i32 : i32, i32
  }
  func.func @transform_1(%arg0: i32) -> (i32, i32) {
    %add3A = arith.constant 0 : i32
    %add3A_0 = arith.addi %arg0, %add3A : i32
    %c0_i32 = arith.constant 0 : i32
    %c0_i32_1 = arith.constant 0 : i32
    return %c0_i32, %add3A_0 : i32, i32
  }
  func.func @transform_2(%arg0: i32) -> (i32, i32) {
    %add3A = arith.constant 0 : i32
    %add3A_0 = arith.addi %arg0, %add3A : i32
    %c0_i32 = arith.constant 0 : i32
    %c0_i32_1 = arith.constant 0 : i32
    return %c0_i32, %add3A_0 : i32, i32
  }
  func.func @transform_3(%arg0: i32) -> (i32, i32) {
    %c0_i32 = arith.constant 0 : i32
    %c0_i32_0 = arith.constant 0 : i32
    %c0_i32_1 = arith.constant 0 : i32
    return %c0_i32, %c0_i32_0 : i32, i32
  }
  func.func @transform_4(%arg0: i32) -> (i32, i32) {
    %c0_i32 = arith.constant 0 : i32
    %c0_i32_0 = arith.constant 0 : i32
    %c0_i32_1 = arith.constant 0 : i32
    return %c0_i32, %c0_i32_0 : i32, i32
  }
  func.func @transform_5(%arg0: i32) -> (i32, i32) {
    %c0_i32 = arith.constant 0 : i32
    %c0_i32_0 = arith.constant 0 : i32
    %c0_i32_1 = arith.constant 0 : i32
    return %c0_i32, %c0_i32_0 : i32, i32
  }
  func.func @transform_6(%arg0: i32) -> (i32, i32) {
    %c0_i32 = arith.constant 0 : i32
    %c0_i32_0 = arith.constant 0 : i32
    %c0_i32_1 = arith.constant 0 : i32
    return %c0_i32, %c0_i32_0 : i32, i32
  }
  func.func @transform_7(%arg0: i32) -> (i32, i32) {
    %c0_i32 = arith.constant 0 : i32
    %c0_i32_0 = arith.constant 0 : i32
    %c0_i32_1 = arith.constant 0 : i32
    return %c0_i32, %c0_i32_0 : i32, i32
  }
  func.func @transform_8(%arg0: i32) -> (i32, i32) {
    %c0_i32 = arith.constant 0 : i32
    %c0_i32_0 = arith.constant 0 : i32
    %c0_i32_1 = arith.constant 0 : i32
    return %c0_i32, %c0_i32_0 : i32, i32
  }
  func.func @transform_9(%arg0: i32) -> (i32, i32) {
    %c0_i32 = arith.constant 0 : i32
    %c0_i32_0 = arith.constant 0 : i32
    %c0_i32_1 = arith.constant 0 : i32
    return %c0_i32, %c0_i32_0 : i32, i32
  }
  func.func @transform_10(%arg0: i32) -> (i32, i32) {
    %c0_i32 = arith.constant 0 : i32
    %c0_i32_0 = arith.constant 0 : i32
    %c0_i32_1 = arith.constant 0 : i32
    return %c0_i32, %c0_i32_0 : i32, i32
  }
  func.func @transform_11(%arg0: i32) -> (i32, i32) {
    %c0_i32 = arith.constant 0 : i32
    %c0_i32_0 = arith.constant 0 : i32
    return %c0_i32, %arg0 : i32, i32
  }
}

</mosaic_0001>

<sc_bundles>
// kernel: kernel.11.cloned.1.call-start
scs
__scs_entry_jumppad:
0x0: {  	(pc) =	sbr.rel $0x88, $3  }
0x1: {  	(tag) =	ssettag $0x0;
	lr =	simm.s32 $0x1  }
0x2: {  	[smem:$0x3F8D] =	sst lr;
	_ =	strace $0xD0000000  }
0x3: {  	_ = 	snop  }
0x4: {  	_ = 	snop  }
0x5: {  	_ = 	snop  }
0x6: {  	_ = 	snop  }
0x7: {  	_ = 	snop  }
__scs_overlays_trampoline_lowered:
0x8: {  	[smem:$0x3F9C] =	sst s0  }
0x9: {  	[smem:$0x3F9D] =	sst s1  }
0xa: {  	[smem:$0x3F9E] =	sst s2  }
0xb: {  	[smem:$0x3F9F] =	sst s3  }
0xc: {  	[smem:$0x3FA0] =	sst s4  }
0xd: {  	[smem:$0x3FA1] =	sst s5  }
0xe: {  	[smem:$0x3FA2] =	sst s6  }
0xf: {  	[smem:$0x3FA3] =	sst s7  }
0x10: {  	[smem:$0x3FA4] =	sst s8  }
0x11: {  	[smem:$0x3FA5] =	sst s9;
	s0 =	simm.s32 @!p0 $0x0  }
0x12: {  	s1 =	sld [smem:$0x3F8B];
	s0 =	simm.s32 @p0 $0x1  }
0x13: {  	[smem:$0x3FA6] =	sst s0;
	s0 =	simm.s32 @!p1 $0x0  }
0x14: {  	s2 =	sld [smem:$0x3F8A];
	s0 =	simm.s32 @p1 $0x1  }
0x15: {  	[smem:$0x3FA7] =	sst s0;
	s0 =	simm.s32 @!p2 $0x0  }
0x16: {  	s3 =	sld [smem:$0x3FDB];
	s0 =	simm.s32 @p2 $0x1  }
0x17: {  	s4 =	simm.s32 $0x1BF5;
	[smem:$0x3FA9] =	sst s0  }
0x18: {  	s0 =	sld [smem:$0x3F8C];
	_ =	swait.ge [sflag:s4], $0x0  }
0x19: {  	s7 =	sld [smem:$0x3F8D]  }
0x1a: {  	s8 =	sadd.s32 $0xFFFFE003, lr  }
0x1b: {  	s9 =	sadd.s32 $0xFFFFFEF7, lr;
	s5 =	simm.s32 $0xFFFFFFFF;
	p2 =	slt.u32 s8, $0xFFFFF086  }
0x1c: {  	p1 =	slt.u32 s9, $0xF7A;
	s5 =	simm.s32 @!p2 $0x0  }
0x1d: {  	s5 =	simm.s32 @p1 $0x1;
	p0 =	seq.s32 s7, s2  }
0x1e: {  	s7 =	smul.u32 @!p0 $0xF7A, s2;
	p2 =	seq.s32 @!p0 s5, $0x0  }
0x1f: {  	s9 =	smul.u32 $0xF7A, s1;
	s8 =	simm.s32 @!p0 $0x1BF5;
	p2 =	por !p2, p0  }
0x20: {  	[sflag:s8] =	ssyncset.s32 @!p0 $0xFFFFF086;
	s6 =	sadd.s32 @!p0 s3, s7;
	s7 =	simm.s32 @!p0 $0x108  }
0x21: {  	s3 =	sadd.s32 s3, s9;
	s6 =	sadd.s32 @!p0 $0x88, s6;
	s7 =	simm.s32 @p2 $0x1082  }
0x22: {  	[simem:s7], [sflag:s8] =	dma.local @!p0 [hbm:s6], $0xF7A  }
0x23: {  	s9 =	sor.u32 $0xD0000000, s2;
	s6 =	simm.s32 $0x108;
	_ =	swait.ge @!p0 [sflag:s8], $0x0  }
0x24: {  	s3 =	sadd.s32 $0x88, s3;
	s6 =	simm.s32 @!p1 $0x1082;
	[sflag:s4] =	ssyncset.s32 $0xFFFFF086  }
0x25: {  	[simem:s6], [sflag:s4] =	dma.local [hbm:s3], $0xF7A  }
0x26: {  	[smem:$0x3F8D] =	sst s1;
	(tag) =	ssettag s2;
	_ =	strace s9  }
0x27: {  	s1 =	sld [smem:$0x3F9D]  }
0x28: {  	s2 =	sld [smem:$0x3F9E]  }
0x29: {  	s4 =	sld [smem:$0x3FA0]  }
0x2a: {  	p0 =	seq.s32 s5, $0x0;
	s5 =	sld [smem:$0x3FA1]  }
0x2b: {  	s6 =	sld [smem:$0x3FA2]  }
0x2c: {  	s7 =	sld [smem:$0x3FA3]  }
0x2d: {  	s3 =	simm.s32 $0x108;
	s8 =	sld [smem:$0x3FA4]  }
0x2e: {  	s3 =	simm.s32 @!p0 $0x1082;
	s9 =	sld [smem:$0x3FA5]  }
0x2f: {  	lr =	sadd.s32 s0, s3;
	s0 =	sld [smem:$0x3F9C]  }
0x30: {  	s3 =	sld [smem:$0x3F9F]  }
0x31: {  	[smem:$0x3FA8] =	sst s10  }
0x32: {  	s10 =	sld [smem:$0x3FA6];
	_ =	sdelay $0x3  }
0x33: {  	p0 =	seq.s32 s10, $0x1;
	s10 =	sld [smem:$0x3FA8];
	_ =	sdelay $0x3  }
0x34: {  	[smem:$0x3FA8] =	sst s10  }
0x35: {  	s10 =	sld [smem:$0x3FA7];
	_ =	sdelay $0x3  }
0x36: {  	p1 =	seq.s32 s10, $0x1;
	s10 =	sld [smem:$0x3FA8];
	_ =	sdelay $0x3  }
0x37: {  	[smem:$0x3FA8] =	sst s10  }
0x38: {  	s10 =	sld [smem:$0x3FA9]  }
0x39: {  	_ = 	snop;
	(pc) =	sbr.ind lr, $3  }
0x3a: {  	_ = 	snop  }
0x3b: {  	_ = 	snop  }
0x3c: {  	p2 =	seq.s32 s10, $0x1;
	s10 =	sld [smem:$0x3FA8]  }
0x3d: {  	_ =	shalt  }
0x3e: {  	_ =	shalt  }
0x3f: {  	_ =	shalt  }
0x40: {  	_ =	shalt  }
0x41: {  	_ =	shalt  }
0x42: {  	_ =	shalt  }
0x43: {  	_ =	shalt  }
0x44: {  	_ =	shalt  }
0x45: {  	_ =	shalt  }
0x46: {  	_ =	shalt  }
0x47: {  	_ =	shalt  }
0x48: {  	_ =	shalt  }
0x49: {  	_ =	shalt  }
0x4a: {  	_ =	shalt  }
0x4b: {  	_ =	shalt  }
0x4c: {  	_ =	shalt  }
0x4d: {  	_ =	shalt  }
0x4e: {  	_ =	shalt  }
0x4f: {  	_ =	shalt  }
0x50: {  	_ =	shalt  }
0x51: {  	_ =	shalt  }
0x52: {  	_ =	shalt  }
0x53: {  	_ =	shalt  }
0x54: {  	_ =	shalt  }
0x55: {  	_ =	shalt  }
0x56: {  	_ =	shalt  }
0x57: {  	_ =	shalt  }
0x58: {  	_ =	shalt  }
0x59: {  	_ =	shalt  }
0x5a: {  	_ =	shalt  }
0x5b: {  	_ =	shalt  }
0x5c: {  	_ =	shalt  }
0x5d: {  	_ =	shalt  }
0x5e: {  	_ =	shalt  }
0x5f: {  	_ =	shalt  }
0x60: {  	_ =	shalt  }
0x61: {  	_ =	shalt  }
0x62: {  	_ =	shalt  }
0x63: {  	_ =	shalt  }
0x64: {  	_ =	shalt  }
0x65: {  	_ =	shalt  }
0x66: {  	_ =	shalt  }
0x67: {  	_ =	shalt  }
0x68: {  	_ =	shalt  }
0x69: {  	_ =	shalt  }
0x6a: {  	_ =	shalt  }
0x6b: {  	_ =	shalt  }
0x6c: {  	_ =	shalt  }
0x6d: {  	_ =	shalt  }
0x6e: {  	_ =	shalt  }
0x6f: {  	_ =	shalt  }
0x70: {  	_ =	shalt  }
0x71: {  	_ =	shalt  }
0x72: {  	_ =	shalt  }
0x73: {  	_ =	shalt  }
0x74: {  	_ =	shalt  }
0x75: {  	_ =	shalt  }
0x76: {  	_ =	shalt  }
0x77: {  	_ =	shalt  }
0x78: {  	_ =	shalt  }
0x79: {  	_ =	shalt  }
0x7a: {  	_ =	shalt  }
0x7b: {  	_ =	shalt  }
0x7c: {  	_ =	shalt  }
0x7d: {  	_ =	shalt  }
0x7e: {  	_ =	shalt  }
0x7f: {  	_ =	shalt  }
0x80: {  	_ =	shalt  }
0x81: {  	_ =	shalt  }
0x82: {  	_ =	shalt  }
0x83: {  	_ =	shalt  }
0x84: {  	_ =	shalt  }
0x85: {  	_ =	shalt  }
0x86: {  	_ =	shalt  }
0x87: {  	_ =	shalt  }
.Lfunc_end0:
.L_simem_size_0:
called_computation_lowered:
.L_overlay_start_0:
0x88: {  	s2 =	sld [smem:$0x3FD9]  }
0x89: {  	s3 =	sld [smem:$0x3FFE];
	_ =	sdelay $0x1  }
0x8a: {  	s1 =	srdreg.scid  }
0x8b: {  	s0 =	sand.u32 $0x1, s1  }
0x8c: {  	s17 =	sshll.u32 s0, $0xA;
	s2 =	sadd.s32 s3, s2  }
0x8d: {  	s2 =	sadd.s32 s2, s17  }
0x8e: {  	[smem:$0x3FB4] =	sst s2  }
0x8f: {  	_ = 	snop  }
0x90: {  	s2 =	sld [smem:$0x3FD0];
	(tm) =	ssettm $0x1  }
0x91: {  	s18 =	sld [smem:$0x3FFB];
	_ =	sdelay $0x3  }
0x92: {  	_ =	strace s18  }
0x93: {  	s3 =	sld [smem:$0x3FFC];
	_ =	sdelay $0x3  }
0x94: {  	_ =	strace s3  }
0x95: {  	s3 =	sld [smem:$0x3FFD];
	_ =	sdelay $0x3  }
0x96: {  	_ =	strace s3  }
0x97: {  	_ =	strace $0x8FFFFFFF  }
0x98: {  	s19 =	sld [smem:$0x3FDB];
	_ =	sdelay $0x1  }
0x99: {  	s4 =	simm.s32 $_scs_section_size  }
0x9a: {  	s5 =	simm.s32 $_size__tile_overlayer_lowered;
	s6 =	simm.s32 $_tile_overlayer_lowered  }
0x9b: {  	s22 =	simm.s32 $0x1BFF;
	s21 =	sshll.u32 s6, $0x1;
	s3 =	sadd.s32 s4, s19  }
0x9c: {  	s7 =	simm.s32 $0x0;
	s20 =	sshll.u32 s5, $0x1;
	s5 =	sadd.s32 s21, s3  }
0x9d: {  	[timem:s7], [sflag:s22] =	dma.local [hbm:s5], s20  }
0x9e: {  	_ =	swait.ge [sflag:s22], s20  }
0x9f: {  	s4 =	ssub.s32 $0x0, s20;
	[sflag:s22] =	ssyncset.done $0x0  }
0xa0: {  	[sflag:s22] =	ssyncadd.s32 s4;
	_ =	sdelay $0x1  }
0xa1: {  	s23 =	simm.s32 $0x1B8B  }
0xa2: {  	_ =	swait.ge [sflag:s23], $0x1  }
0xa3: {  	[sflag:s23] =	ssyncset.done $0x0  }
0xa4: {  	s25 =	simm.s32 $0x1B8E;
	s24 =	sld [smem:$0x3FFE];
	[sflag:s23] =	ssyncadd.s32 $0xFFFFFFFF  }
0xa5: {  	s26 =	simm.s32 $execute0_lowered;
	[smem:$0x3FD2] =	sst s25  }
0xa6: {  	s5 =	sshll.u32 s26, $0x1;
	_ =	strace $0x80000046;
	[dreg:$0x1] =	wrdreg $0xFFFFFFFF  }
0xa7: {  	s28 =	simm.s32 $_size_execute0_lowered;
	s3 =	sadd.s32 s3, s5;
	[dreg:$0x0] =	wrdreg $0x0  }
0xa8: {  	s5 =	sshll.u32 s28, $0x1;
	[dreg:$0x2] =	wrdreg s3  }
0xa9: {  	[dreg:$0x3] =	wrdreg s5  }
0xaa: {  	[dreg:$0x4] =	wrdreg $0xC0  }
0xab: {  	_ =	task [dreg:s7], $0x5FFFF  }
0xac: {  	[dreg:$0x1] =	wrdreg $0xFFFFFFFF  }
0xad: {  	[dreg:$0x0] =	wrdreg $0x60  }
0xae: {  	[dreg:$0x2] =	wrdreg s2  }
0xaf: {  	[dreg:$0x3] =	wrdreg s24  }
0xb0: {  	[dreg:$0x4] =	wrdreg $0xA5000  }
0xb1: {  	[dreg:$0x5] =	wrdreg $0x9  }
0xb2: {  	_ =	task.clear_ibuf [dreg:s7], $0x6FFFF;
	_ =	strace $0x90000046  }
0xb3: {  	s29 =	simm.s32 $0x9;
	_ =	strace $0x80000048  }
0xb4: {  	_ =	swait.ge [sflag:s29], $0x1  }
0xb5: {  	[sflag:s29] =	ssyncadd.s32 $0xFFFFFFFF  }
0xb6: {  	_ =	strace $0x90000048  }
0xb7: {  	_ =	sfence  }
0xb8: {  	s30 =	sld [smem:$0x0];
	_ =	sdelay $0x2  }
0xb9: {  	s31 =	sshll.u32 s1, $0xD;
	s1 =	sshrl.u32 s1, $0x2  }
0xba: {  	s3 =	sand.u32 $0x4000, s31;
	s1 =	sadd.s32 s1, s30  }
0xbb: {  	s0 =	sor.u32 s3, s0;
	s1 =	sshll.u32 s1, $0x11  }
0xbc: {  	s0 =	sor.u32 s1, s0  }
0xbd: {  	s0 =	sadd.s32 $0x8F2B, s0  }
0xbe: {  	[sflag:s0] =	ssyncadd.remote.s32 $0x1  }
0xbf: {  	_ =	sfence.sel $0xFFFF  }
0xc0: {  	[dreg:$0x0] =	wrdreg $0xFFFFFFFF;
	(pc) =	sbr.abs _section_cstart, $3  }
0xc1: {  	[dreg:$0x1] =	wrdreg $0xFFFFFFFF  }
0xc2: {  	_ =	task.clear_ibuf [dreg:s7], $0x2FFFF;
	_ =	strace $0x9FFFFFFF  }
0xc3: {  	(tm) =	ssettm $0x7FFFFFFF  }
tec
execute0_lowered:
.L_overlay_start_1:
0x0: {  	(tag) =	ssettag $0x1  }
0x1: {  	s1 =	rddreg [dreg:$0x0]  }
0x2: {  	s0 =	rddreg [dreg:$0x1]  }
0x3: {  	s2 =	rddreg [dreg:$0x2];
	s3 =	simm.s32 $0x0  }
0x4: {  	s4 =	srdreg.scid;
	s19 =	stileid.u32;
	s28 =	simm.s32 $0x5  }
0x5: {  	s29 =	simm.s32 $0x100;
	s30 =	simm.s32 $0xA0;
	s31 =	simm.s32 $0x200  }
0x6: {  	[smem:$0x7FF] =	sst s3;
	s5 =	sadd.s32 $0xDA00, s0;
	s6 =	sadd.s32 $0x3C00, s0  }
0x7: {  	s7 =	sadd.s32 $0x17800, s0;
	s4 =	sand.u32 $0x1, s4;
	s9 =	smul.u32 $0x50000, s19  }
0x8: {  	s12 =	smul.u32 $0x14000, s19;
	s0 =	sadd.s32 $0x18200, s0;
	_ =	strace $0x80000047  }
0x9: {  	[dreg:$0x4] =	wrdreg s7;
	s23 =	ssub.s32 $0x2, s4;
	s17 =	smul.u32 $0x140000, s4  }
0xa: {  	s8 =	sshll.u32 s4, $0x4;
	s4 =	smul.u32 $0x27100, s4;
	s10 =	sshrl.u32 s23, $0x1  }
0xb: {  	s8 =	sor.u32 s19, s8;
	s24 =	sshrl.u32 s9, $0x2;
	s13 =	sadd.s32 $0x5000, s12  }
0xc: {  	s14 =	sadd.s32 $0xA000, s12;
	s15 =	sadd.s32 $0xF000, s12;
	s7 =	ssub.s32 s23, s10  }
0xd: {  	s11 =	smul.u32 $0x2710, s8;
	s8 =	sadd.s32 s24, s2;
	s9 =	sadd.s32 s13, s2  }
0xe: {  	s10 =	sadd.s32 s14, s2;
	s12 =	sadd.s32 s12, s17;
	s13 =	sadd.s32 s17, s13  }
0xf: {  	s14 =	sadd.s32 s17, s14;
	s17 =	sadd.s32 s17, s15;
	s12 =	sshrl.u32 s12, $0x3  }
0x10: {  	s13 =	sshrl.u32 s13, $0x3;
	s22 =	smax.u32 s7, $0x1;
	s7 =	simm.s32 $0x5500  }
0x11: {  	s16 =	sshrl.u32 s11, $0x3;
	s12 =	sadd.s32 s0, s12;
	[dreg:$0xd] =	wrdreg s22  }
0x12: {  	s11 =	sadd.s32 s15, s2;
	s18 =	sadd.s32 s5, s16;
	[dreg:$0x9] =	wrdreg s12  }
0x13: {  	s25 =	sadd.s32 $0x4D8, s16;
	s20 =	sadd.s32 s6, s16;
	[dreg:$0x5] =	wrdreg s18  }
0x14: {  	s12 =	sadd.s32 s0, s13;
	s23 =	sadd.s32 $0x4C4, s16;
	[dreg:$0x6] =	wrdreg s20  }
0x15: {  	s13 =	simm.s32 $0x2;
	s26 =	sadd.s32 s5, s25;
	[dreg:$0xa] =	wrdreg s12  }
0x16: {  	s18 =	sadd.s32 s6, s25;
	s25 =	sadd.s32 s5, s23;
	[dreg:$0x7] =	wrdreg s26  }
0x17: {  	[dreg:$0x8] =	wrdreg s18;
	s18 =	smul.u32 $0x2710, s19;
	s19 =	sshrl.u32 s14, $0x3  }
0x18: {  	s20 =	sshrl.u32 s17, $0x3;
	[dreg:$0xe] =	wrdreg s25;
	s12 =	sadd.s32 s0, s19  }
0x19: {  	s17 =	simm.s32 $0x50;
	s0 =	sadd.s32 s0, s20;
	[dreg:$0xb] =	wrdreg s12  }
0x1a: {  	s14 =	simm.s32 $0x4;
	[dreg:$0xc] =	wrdreg s0;
	s21 =	sadd.s32 s18, s4  }
0x1b: {  	s4 =	sadd.s32 s6, s23;
	s0 =	simm.s32 $0x300;
	s12 =	simm.s32 $0x3  }
0x1c: {  	s18 =	simm.s32 $0x0;
	s24 =	sadd.s32 $0xA0, s21;
	[dreg:$0xf] =	wrdreg s4  }
0x1d: {  	s23 =	sadd.s32 $0x140, s21;
	s4 =	simm.s32 $0x1;
	s26 =	sshrl.u32 s24, $0x3  }
0x1e: {  	s24 =	sadd.s32 s26, s6;
	s25 =	sadd.s32 s26, s5;
	s26 =	simm.s32 $0x500  }
.LBB2_1:
0x1f: {  	s15 =	rddreg [dreg:$0x4]  }
0x20: {  	[tilespmem:s26], [sflag:$0x5] =	stream.linear.gather [hbm4b:s15+s3], $0x5000, $0x38;
	[tilespmem:$0x1E500] =	vst v63  }
0x21: {  	_ =	swait.ge [sflag:s28], $0x5000  }
0x22: {  	[sflag:s28] =	ssyncset.done $0x0  }
0x23: {  	[sflag:s28] =	ssyncadd.s32 $0xFFFFB000  }
0x24: {  	[spmem:s8] =	stream.linear.scatter [tilespmem:s26], [sflag:$0x5], $0x5000, $0x38;
	[tilespmem:$0x1E500] =	vst v63  }
0x25: {  	_ =	swait.ge [sflag:s28], $0x5000  }
0x26: {  	[sflag:s28] =	ssyncset.done $0x0  }
0x27: {  	[sflag:s28] =	ssyncadd.s32 $0xFFFFB000  }
0x28: {  	[spmem:s9] =	stream.linear.scatter [tilespmem:s26], [sflag:$0x5], $0x5000, $0x38;
	[tilespmem:$0x1E500] =	vst v63  }
0x29: {  	_ =	swait.ge [sflag:s28], $0x5000  }
0x2a: {  	[sflag:s28] =	ssyncset.done $0x0  }
0x2b: {  	[sflag:s28] =	ssyncadd.s32 $0xFFFFB000  }
0x2c: {  	[spmem:s10] =	stream.linear.scatter [tilespmem:s26], [sflag:$0x5], $0x5000, $0x38;
	[tilespmem:$0x1E500] =	vst v63  }
0x2d: {  	_ =	swait.ge [sflag:s28], $0x5000  }
0x2e: {  	[sflag:s28] =	ssyncset.done $0x0  }
0x2f: {  	[sflag:s28] =	ssyncadd.s32 $0xFFFFB000  }
0x30: {  	[spmem:s11] =	stream.linear.scatter [tilespmem:s26], [sflag:$0x5], $0x5000, $0x38;
	[tilespmem:$0x1E500] =	vst v63  }
0x31: {  	_ =	swait.ge [sflag:s28], $0x5000  }
0x32: {  	[sflag:s28] =	ssyncset.done $0x0  }
0x33: {  	[sflag:s28] =	ssyncadd.s32 $0xFFFFB000  }
0x34: {  	[bflag:$0x0] =	sbarrier.arrive $0xFFFF  }
0x35: {  	s19 =	rddreg [dreg:$0x5]  }
0x36: {  	[tilespmem:s3], [sflag:$0x5] =	stream.linear.gather [hbm4b:s19+s3], $0xA0, $0x38;
	[tilespmem:$0x1E500] =	vst v63  }
0x37: {  	_ =	swait.ge [sflag:s28], $0xA0  }
0x38: {  	[sflag:s28] =	ssyncset.done $0x0  }
0x39: {  	s20 =	rddreg [dreg:$0x6];
	[sflag:s28] =	ssyncadd.s32 $0xFFFFFF60  }
0x3a: {  	[tilespmem:s29], [sflag:$0x5] =	stream.linear.gather [hbm4b:s20+s3], $0xA0, $0x38;
	[tilespmem:$0x1E500] =	vst v63  }
0x3b: {  	_ =	swait.ge [sflag:s28], $0xA0  }
0x3c: {  	[sflag:s28] =	ssyncset.done $0x0  }
0x3d: {  	[sflag:s28] =	ssyncadd.s32 $0xFFFFFF60  }
0x3e: {  	[tilespmem:s26], [sflag:$0x1] =	stream.indirect.gather [hbm4b:s1+s30], $0x80, s3, s30, $0xb8;
	[tilespmem:$0x1E500] =	vst v63  }
0x3f: {  	s19 =	sadd.s32 $0x0, s25  }
0x40: {  	[tilespmem:s31], [sflag:$0x5] =	stream.linear.gather [hbm4b:s19+s3], $0xA0, $0x38;
	[tilespmem:$0x1E500] =	vst v63  }
0x41: {  	_ =	swait.ge [sflag:s28], $0xA0  }
0x42: {  	[sflag:s28] =	ssyncset.done $0x0  }
0x43: {  	s21 =	sadd.s32 $0x0, s24;
	[sflag:s28] =	ssyncadd.s32 $0xFFFFFF60  }
0x44: {  	[tilespmem:s0], [sflag:$0x5] =	stream.linear.gather [hbm4b:s21+s3], $0xA0, $0x38;
	[tilespmem:$0x1E500] =	vst v63  }
0x45: {  	_ =	swait.ge [sflag:s28], $0xA0  }
0x46: {  	[sflag:s28] =	ssyncset.done $0x0  }
0x47: {  	[sflag:s28] =	ssyncadd.s32 $0xFFFFFF60  }
0x48: {  	_ =	swait.ge [sflag:s4], $0x5000  }
0x49: {  	[sflag:s4] =	ssyncset.done $0x0  }
0x4a: {  	[sflag:s4] =	ssyncadd.s32 $0xFFFFB000  }
0x4b: {  	[spmem:s2] =	stream.indirect.scatter.add.f32 [tilespmem:s26], [sflag:$0x3], $0x80, s29, s30, $0xb8;
	[tilespmem:$0x1E500] =	vst v63  }
0x4c: {  	_ = 	snop  }
0x4d: {  	[tilespmem:s7], [sflag:$0x2] =	stream.indirect.gather [hbm4b:s1+s30], $0x80, s31, s30, $0xb8;
	[tilespmem:$0x1E500] =	vst v63  }
0x4e: {  	_ =	swait.ge [sflag:s12], $0x5000  }
0x4f: {  	s22 =	sshrl.u32 s23, $0x3;
	[sflag:s12] =	ssyncset.done $0x0  }
0x50: {  	s20 =	sadd.s32 s5, s22;
	[sflag:s12] =	ssyncadd.s32 $0xFFFFB000  }
0x51: {  	[tilespmem:s3], [sflag:$0x5] =	stream.linear.gather [hbm4b:s20+s3], $0xA0, $0x38;
	[tilespmem:$0x1E500] =	vst v63  }
0x52: {  	_ =	swait.ge [sflag:s28], $0xA0  }
0x53: {  	[sflag:s28] =	ssyncset.done $0x0  }
0x54: {  	s19 =	sadd.s32 s6, s22;
	[sflag:s28] =	ssyncadd.s32 $0xFFFFFF60  }
0x55: {  	[tilespmem:s29], [sflag:$0x5] =	stream.linear.gather [hbm4b:s19+s3], $0xA0, $0x38;
	[tilespmem:$0x1E500] =	vst v63  }
0x56: {  	_ =	swait.ge [sflag:s28], $0xA0  }
0x57: {  	[sflag:s28] =	ssyncset.done $0x0  }
0x58: {  	[sflag:s28] =	ssyncadd.s32 $0xFFFFFF60  }
0x59: {  	[tilespmem:s26], [sflag:$0x1] =	stream.indirect.gather [hbm4b:s1+s30], $0x80, s3, s30, $0xb8;
	[tilespmem:$0x1E500] =	vst v63  }
0x5a: {  	_ =	swait.ge [sflag:s13], $0x5000  }
0x5b: {  	[sflag:s13] =	ssyncset.done $0x0  }
0x5c: {  	[sflag:s13] =	ssyncadd.s32 $0xFFFFB000  }
0x5d: {  	[spmem:s2] =	stream.indirect.scatter.add.f32 [tilespmem:s7], [sflag:$0x4], $0x80, s0, s30, $0xb8;
	[tilespmem:$0x1E500] =	vst v63  }
0x5e: {  	s21 =	simm.s32 $0x50;
	_ =	swait.ge [sflag:s14], $0x5000  }
0x5f: {  	s20 =	simm.s32 $0x28;
	s19 =	sadd.s32 $0x140, s23;
	[sflag:s14] =	ssyncset.done $0x0  }
.LBB2_2:
0x60: {  	s15 =	sadd.s32 s20, s25  }
0x61: {  	[sflag:s14] =	ssyncadd.s32 $0xFFFFB000;
	s16 =	smov.u32 s21;
	s22 =	sadd.s32 $0x28, s21  }
0x62: {  	[tilespmem:s31], [sflag:$0x5] =	stream.linear.gather [hbm4b:s15+s3], $0xA0, $0x38;
	[tilespmem:$0x1E500] =	vst v63  }
0x63: {  	p0 =	sne.s32 s21, $0x488;
	_ =	swait.ge [sflag:s28], $0xA0  }
0x64: {  	[sflag:s28] =	ssyncset.done $0x0  }
0x65: {  	s15 =	sadd.s32 s20, s24;
	s20 =	smov.u32 s16;
	[sflag:s28] =	ssyncadd.s32 $0xFFFFFF60  }
0x66: {  	[tilespmem:s0], [sflag:$0x5] =	stream.linear.gather [hbm4b:s15+s3], $0xA0, $0x38;
	[tilespmem:$0x1E500] =	vst v63  }
0x67: {  	_ =	swait.ge [sflag:s28], $0xA0  }
0x68: {  	[sflag:s28] =	ssyncset.done $0x0  }
0x69: {  	[sflag:s28] =	ssyncadd.s32 $0xFFFFFF60  }
0x6a: {  	_ =	swait.ge [sflag:s4], $0x5000  }
0x6b: {  	[sflag:s4] =	ssyncset.done $0x0  }
0x6c: {  	[sflag:s4] =	ssyncadd.s32 $0xFFFFB000  }
0x6d: {  	[spmem:s2] =	stream.indirect.scatter.add.f32 [tilespmem:s26], [sflag:$0x3], $0x80, s29, s30, $0xb8;
	[tilespmem:$0x1E500] =	vst v63  }
0x6e: {  	_ = 	snop  }
0x6f: {  	[tilespmem:s7], [sflag:$0x2] =	stream.indirect.gather [hbm4b:s1+s30], $0x80, s31, s30, $0xb8;
	[tilespmem:$0x1E500] =	vst v63  }
0x70: {  	_ =	swait.ge [sflag:s12], $0x5000  }
0x71: {  	s15 =	sshrl.u32 s19, $0x3;
	[sflag:s12] =	ssyncset.done $0x0  }
0x72: {  	s16 =	sadd.s32 s5, s15;
	[sflag:s12] =	ssyncadd.s32 $0xFFFFB000  }
0x73: {  	[tilespmem:s3], [sflag:$0x5] =	stream.linear.gather [hbm4b:s16+s3], $0xA0, $0x38;
	[tilespmem:$0x1E500] =	vst v63  }
0x74: {  	_ =	swait.ge [sflag:s28], $0xA0  }
0x75: {  	[sflag:s28] =	ssyncset.done $0x0  }
0x76: {  	s15 =	sadd.s32 s6, s15;
	[sflag:s28] =	ssyncadd.s32 $0xFFFFFF60  }
0x77: {  	[tilespmem:s29], [sflag:$0x5] =	stream.linear.gather [hbm4b:s15+s3], $0xA0, $0x38;
	[tilespmem:$0x1E500] =	vst v63  }
0x78: {  	_ =	swait.ge [sflag:s28], $0xA0  }
0x79: {  	[sflag:s28] =	ssyncset.done $0x0  }
0x7a: {  	[sflag:s28] =	ssyncadd.s32 $0xFFFFFF60  }
0x7b: {  	[tilespmem:s26], [sflag:$0x1] =	stream.indirect.gather [hbm4b:s1+s30], $0x80, s3, s30, $0xb8;
	[tilespmem:$0x1E500] =	vst v63  }
0x7c: {  	_ =	swait.ge [sflag:s13], $0x5000  }
.Ltmp0:
0x7d: {  	[sflag:s13] =	ssyncset.done $0x0;
	(pc) =	sbr.rel @p0 .LBB2_2-.Ltmp0, $4  }
0x7e: {  	[sflag:s13] =	ssyncadd.s32 $0xFFFFB000  }
0x7f: {  	[spmem:s2] =	stream.indirect.scatter.add.f32 [tilespmem:s7], [sflag:$0x4], $0x80, s0, s30, $0xb8;
	[tilespmem:$0x1E500] =	vst v63  }
0x80: {  	_ =	swait.ge [sflag:s14], $0x5000  }
0x81: {  	s21 =	smov.u32 s22;
	s19 =	sadd.s32 $0x140, s19;
	[sflag:s14] =	ssyncset.done $0x0  }
0x82: {  	s15 =	sadd.s32 s20, s25;
	[sflag:s14] =	ssyncadd.s32 $0xFFFFB000  }
0x83: {  	[tilespmem:s31], [sflag:$0x5] =	stream.linear.gather [hbm4b:s15+s3], $0xA0, $0x38;
	[tilespmem:$0x1E500] =	vst v63  }
0x84: {  	_ =	swait.ge [sflag:s28], $0xA0  }
0x85: {  	[sflag:s28] =	ssyncset.done $0x0  }
0x86: {  	s20 =	sadd.s32 s20, s24;
	[sflag:s28] =	ssyncadd.s32 $0xFFFFFF60  }
0x87: {  	[tilespmem:s0], [sflag:$0x5] =	stream.linear.gather [hbm4b:s20+s3], $0xA0, $0x38;
	[tilespmem:$0x1E500] =	vst v63  }
0x88: {  	_ =	swait.ge [sflag:s28], $0xA0  }
0x89: {  	[sflag:s28] =	ssyncset.done $0x0  }
0x8a: {  	[sflag:s28] =	ssyncadd.s32 $0xFFFFFF60  }
0x8b: {  	_ =	swait.ge [sflag:s4], $0x5000  }
0x8c: {  	[sflag:s4] =	ssyncset.done $0x0  }
0x8d: {  	[sflag:s4] =	ssyncadd.s32 $0xFFFFB000  }
0x8e: {  	[spmem:s2] =	stream.indirect.scatter.add.f32 [tilespmem:s26], [sflag:$0x3], $0x80, s29, s30, $0xb8;
	[tilespmem:$0x1E500] =	vst v63  }
0x8f: {  	_ = 	snop  }
0x90: {  	[tilespmem:s7], [sflag:$0x2] =	stream.indirect.gather [hbm4b:s1+s30], $0x80, s31, s30, $0xb8;
	[tilespmem:$0x1E500] =	vst v63  }
0x91: {  	_ =	swait.ge [sflag:s12], $0x5000  }
0x92: {  	s21 =	sshrl.u32 s19, $0x3;
	[sflag:s12] =	ssyncset.done $0x0  }
0x93: {  	s16 =	sadd.s32 s5, s21;
	[sflag:s12] =	ssyncadd.s32 $0xFFFFB000  }
0x94: {  	[tilespmem:s3], [sflag:$0x5] =	stream.linear.gather [hbm4b:s16+s3], $0xA0, $0x38;
	[tilespmem:$0x1E500] =	vst v63  }
0x95: {  	_ =	swait.ge [sflag:s28], $0xA0  }
0x96: {  	[sflag:s28] =	ssyncset.done $0x0  }
0x97: {  	s15 =	sadd.s32 s6, s21;
	[sflag:s28] =	ssyncadd.s32 $0xFFFFFF60  }
0x98: {  	[tilespmem:s29], [sflag:$0x5] =	stream.linear.gather [hbm4b:s15+s3], $0xA0, $0x38;
	[tilespmem:$0x1E500] =	vst v63  }
0x99: {  	_ =	swait.ge [sflag:s28], $0xA0  }
0x9a: {  	[sflag:s28] =	ssyncset.done $0x0  }
0x9b: {  	[sflag:s28] =	ssyncadd.s32 $0xFFFFFF60  }
0x9c: {  	[tilespmem:s26], [sflag:$0x1] =	stream.indirect.gather [hbm4b:s1+s30], $0x80, s3, s30, $0xb8;
	[tilespmem:$0x1E500] =	vst v63  }
0x9d: {  	_ =	swait.ge [sflag:s13], $0x5000  }
0x9e: {  	[sflag:s13] =	ssyncset.done $0x0  }
0x9f: {  	[sflag:s13] =	ssyncadd.s32 $0xFFFFB000  }
0xa0: {  	[spmem:s2] =	stream.indirect.scatter.add.f32 [tilespmem:s7], [sflag:$0x4], $0x80, s0, s30, $0xb8;
	[tilespmem:$0x1E500] =	vst v63  }
0xa1: {  	_ =	swait.ge [sflag:s14], $0x5000  }
0xa2: {  	[sflag:s14] =	ssyncset.done $0x0  }
0xa3: {  	s22 =	rddreg [dreg:$0xe];
	[sflag:s14] =	ssyncadd.s32 $0xFFFFB000  }
0xa4: {  	[tilespmem:s31], [sflag:$0x5] =	stream.linear.gather [hbm4b:s22+s3], $0xA0, $0x38;
	[tilespmem:$0x1E500] =	vst v63  }
0xa5: {  	_ =	swait.ge [sflag:s28], $0xA0  }
0xa6: {  	[sflag:s28] =	ssyncset.done $0x0  }
0xa7: {  	s16 =	rddreg [dreg:$0xf];
	[sflag:s28] =	ssyncadd.s32 $0xFFFFFF60  }
0xa8: {  	[tilespmem:s0], [sflag:$0x5] =	stream.linear.gather [hbm4b:s16+s3], $0xA0, $0x38;
	[tilespmem:$0x1E500] =	vst v63  }
0xa9: {  	_ =	swait.ge [sflag:s28], $0xA0  }
0xaa: {  	[sflag:s28] =	ssyncset.done $0x0  }
0xab: {  	[sflag:s28] =	ssyncadd.s32 $0xFFFFFF60  }
0xac: {  	_ =	swait.ge [sflag:s4], $0x5000  }
0xad: {  	[sflag:s4] =	ssyncset.done $0x0  }
0xae: {  	[sflag:s4] =	ssyncadd.s32 $0xFFFFB000  }
0xaf: {  	[spmem:s2] =	stream.indirect.scatter.add.f32 [tilespmem:s26], [sflag:$0x3], $0x80, s29, s30, $0xb8;
	[tilespmem:$0x1E500] =	vst v63  }
0xb0: {  	_ = 	snop  }
0xb1: {  	[tilespmem:s7], [sflag:$0x2] =	stream.indirect.gather [hbm4b:s1+s30], $0x80, s31, s30, $0xb8;
	[tilespmem:$0x1E500] =	vst v63  }
0xb2: {  	_ =	swait.ge [sflag:s12], $0x5000  }
0xb3: {  	[sflag:s12] =	ssyncset.done $0x0  }
0xb4: {  	[sflag:s12] =	ssyncadd.s32 $0xFFFFB000  }
0xb5: {  	_ =	swait.ge [sflag:s13], $0x5000  }
0xb6: {  	[sflag:s13] =	ssyncset.done $0x0  }
0xb7: {  	[sflag:s13] =	ssyncadd.s32 $0xFFFFB000  }
0xb8: {  	[spmem:s2] =	stream.indirect.scatter.add.f32 [tilespmem:s7], [sflag:$0x4], $0x80, s0, s30, $0xb8;
	[tilespmem:$0x1E500] =	vst v63  }
0xb9: {  	_ =	swait.ge [sflag:s14], $0x5000  }
0xba: {  	[sflag:s14] =	ssyncset.done $0x0  }
0xbb: {  	s20 =	simm.s32 $0x400;
	s19 =	rddreg [dreg:$0x7];
	[sflag:s14] =	ssyncadd.s32 $0xFFFFB000  }
0xbc: {  	[tilespmem:s20], [sflag:$0x5] =	stream.linear.gather [hbm4b:s19+s3], $0x50, $0x38;
	[tilespmem:$0x1E500] =	vst v63  }
0xbd: {  	_ =	swait.ge [sflag:s28], $0x50  }
0xbe: {  	[sflag:s28] =	ssyncset.done $0x0  }
0xbf: {  	s22 =	simm.s32 $0x480;
	s21 =	rddreg [dreg:$0x8];
	[sflag:s28] =	ssyncadd.s32 $0xFFFFFFB0  }
0xc0: {  	[tilespmem:s22], [sflag:$0x5] =	stream.linear.gather [hbm4b:s21+s3], $0x50, $0x38;
	[tilespmem:$0x1E500] =	vst v63  }
0xc1: {  	_ =	swait.ge [sflag:s28], $0x50  }
0xc2: {  	[sflag:s28] =	ssyncset.done $0x0  }
0xc3: {  	[sflag:s28] =	ssyncadd.s32 $0xFFFFFFB0  }
0xc4: {  	[tilespmem:s26], [sflag:$0x1] =	stream.indirect.gather [hbm4b:s1+s17], $0x80, s20, s17, $0xb8;
	[tilespmem:$0x1E500] =	vst v63  }
0xc5: {  	_ =	swait.ge [sflag:s4], $0x2800  }
0xc6: {  	[sflag:s4] =	ssyncset.done $0x0  }
0xc7: {  	[sflag:s4] =	ssyncadd.s32 $0xFFFFD800  }
0xc8: {  	[spmem:s2] =	stream.indirect.scatter.add.f32 [tilespmem:s26], [sflag:$0x5], $0x80, s22, s17, $0xb8;
	[tilespmem:$0x1E500] =	vst v63  }
0xc9: {  	_ =	swait.ge [sflag:s28], $0x2800  }
0xca: {  	[sflag:s28] =	ssyncset.done $0x0  }
0xcb: {  	s20 =	stileid.u32;
	[sflag:s28] =	ssyncadd.s32 $0xFFFFD800  }
0xcc: {  	s15 =	sshll.u32 s20, $0x6;
	[bflag:$0x0] =	sbarrier.arrive $0xFFFF  }
0xcd: {  	s21 =	sshrl.u32 s8, $0x3;
	s15 =	sor.u32 $0x1C05, s15;
	s22 =	rddreg [dreg:$0x9]  }
0xce: {  	[hbm:s22], [sflag:s15] =	dma.local [spmem:s21], $0xA00  }
0xcf: {  	_ =	swait.ge [sflag:s28], $0xA00  }
0xd0: {  	[sflag:s28] =	ssyncset.done $0x0  }
0xd1: {  	s19 =	sshrl.u32 s9, $0x3;
	s20 =	rddreg [dreg:$0xa];
	[sflag:s28] =	ssyncadd.s32 $0xFFFFF600  }
0xd2: {  	[hbm:s20], [sflag:s15] =	dma.local [spmem:s19], $0xA00  }
0xd3: {  	_ =	swait.ge [sflag:s28], $0xA00  }
0xd4: {  	[sflag:s28] =	ssyncset.done $0x0  }
0xd5: {  	s21 =	sshrl.u32 s10, $0x3;
	s22 =	rddreg [dreg:$0xb];
	[sflag:s28] =	ssyncadd.s32 $0xFFFFF600  }
0xd6: {  	[hbm:s22], [sflag:s15] =	dma.local [spmem:s21], $0xA00  }
0xd7: {  	_ =	swait.ge [sflag:s28], $0xA00  }
0xd8: {  	[sflag:s28] =	ssyncset.done $0x0  }
0xd9: {  	s20 =	sshrl.u32 s11, $0x3;
	s21 =	rddreg [dreg:$0xc];
	[sflag:s28] =	ssyncadd.s32 $0xFFFFF600  }
0xda: {  	[hbm:s21], [sflag:s15] =	dma.local [spmem:s20], $0xA00  }
0xdb: {  	_ =	swait.ge [sflag:s28], $0xA00  }
0xdc: {  	s18 =	sadd.s32 $0x1, s18;
	s22 =	rddreg [dreg:$0xd]  }
0xdd: {  	p0 =	sne.s32 s18, s22  }
.Ltmp1:
0xde: {  	_ = 	snop;
	(pc) =	sbr.rel @p0 .LBB2_1-.Ltmp1, $3  }
0xdf: {  	_ =	sdelay $0x1  }
0xe0: {  	[sflag:s28] =	ssyncset.done $0x0  }
0xe1: {  	[sflag:s28] =	ssyncadd.s32 $0xFFFFF600  }
0xe2: {  	_ =	sfence.sel $0x180000  }
0xe3: {  	[bflag:$0x0] =	sbarrier.arrive $0xFFFF  }
0xe4: {  	_ =	strace $0x90000047  }
0xe5: {  	s0 =	stileid.u32;
	[bflag:$0x2] =	sbarrier.arrive $0xFFFF  }
0xe6: {  	p0 =	sne.s32 s0, $0x0;
	s0 =	rddreg [dreg:$0x3]  }
0xe7: {  	s0 =	sadd.s32 @!p0 $0x100000, s0  }
0xe8: {  	[sflag:s0] =	ssyncadd.tile.s32 @!p0 $0x1;
	_ =	shalt  }
.Lfunc_end2:
_tile_overlayer_lowered:
.L_overlay_start_2:
0xe9: {  	(tag) =	ssettag $0x2  }
0xea: {  	s0 =	rddreg [dreg:$0x0];
	s2 =	stileid.u32  }
0xeb: {  	s1 =	rddreg [dreg:$0x1];
	p0 =	sne.s32 s2, $0x0  }
0xec: {  	s3 =	rddreg [dreg:$0x2];
	[bflag:$0x3] =	sbarrier.arrive $0xFFFF;
	s2 =	simm.s32 @!p0 $0x1C05  }
0xed: {  	[timem:s3], [sflag:s2] =	dma.local @!p0 [hbm:s0], s1  }
0xee: {  	s0 =	simm.s32 @!p0 $0x5  }
0xef: {  	_ =	swait.ge @!p0 [sflag:s0], s1  }
0xf0: {  	s1 =	ssub.s32 @!p0 $0x0, s1;
	[sflag:s0] =	ssyncset.done @!p0 $0x0  }
0xf1: {  	[sflag:s0] =	ssyncadd.s32 @!p0 s1  }
0xf2: {  	[bflag:$0x3] =	sbarrier.arrive $0xFFFF  }
0xf3: {  	_ =	shalt  }

// kernel: kernel.14.cloned.1.call-start
scs
__scs_entry_jumppad:
0x0: {  	(pc) =	sbr.rel $0x88, $3  }
0x1: {  	(tag) =	ssettag $0x0;
	lr =	simm.s32 $0x1  }
0x2: {  	[smem:$0x3F8D] =	sst lr;
	_ =	strace $0xD0000000  }
0x3: {  	_ = 	snop  }
0x4: {  	_ = 	snop  }
0x5: {  	_ = 	snop  }
0x6: {  	_ = 	snop  }
0x7: {  	_ = 	snop  }
__scs_overlays_trampoline_lowered:
0x8: {  	[smem:$0x3F9C] =	sst s0  }
0x9: {  	[smem:$0x3F9D] =	sst s1  }
0xa: {  	[smem:$0x3F9E] =	sst s2  }
0xb: {  	[smem:$0x3F9F] =	sst s3  }
0xc: {  	[smem:$0x3FA0] =	sst s4  }
0xd: {  	[smem:$0x3FA1] =	sst s5  }
0xe: {  	[smem:$0x3FA2] =	sst s6  }
0xf: {  	[smem:$0x3FA3] =	sst s7  }
0x10: {  	[smem:$0x3FA4] =	sst s8  }
0x11: {  	[smem:$0x3FA5] =	sst s9;
	s0 =	simm.s32 @!p0 $0x0  }
0x12: {  	s1 =	sld [smem:$0x3F8B];
	s0 =	simm.s32 @p0 $0x1  }
0x13: {  	[smem:$0x3FA6] =	sst s0;
	s0 =	simm.s32 @!p1 $0x0  }
0x14: {  	s2 =	sld [smem:$0x3F8A];
	s0 =	simm.s32 @p1 $0x1  }
0x15: {  	[smem:$0x3FA7] =	sst s0;
	s0 =	simm.s32 @!p2 $0x0  }
0x16: {  	s3 =	sld [smem:$0x3FDB];
	s0 =	simm.s32 @p2 $0x1  }
0x17: {  	s4 =	simm.s32 $0x1BF5;
	[smem:$0x3FA9] =	sst s0  }
0x18: {  	s0 =	sld [smem:$0x3F8C];
	_ =	swait.ge [sflag:s4], $0x0  }
0x19: {  	s7 =	sld [smem:$0x3F8D]  }
0x1a: {  	s8 =	sadd.s32 $0xFFFFE003, lr  }
0x1b: {  	s9 =	sadd.s32 $0xFFFFFEF7, lr;
	s5 =	simm.s32 $0xFFFFFFFF;
	p2 =	slt.u32 s8, $0xFFFFF086  }
0x1c: {  	p1 =	slt.u32 s9, $0xF7A;
	s5 =	simm.s32 @!p2 $0x0  }
0x1d: {  	s5 =	simm.s32 @p1 $0x1;
	p0 =	seq.s32 s7, s2  }
0x1e: {  	s7 =	smul.u32 @!p0 $0xF7A, s2;
	p2 =	seq.s32 @!p0 s5, $0x0  }
0x1f: {  	s9 =	smul.u32 $0xF7A, s1;
	s8 =	simm.s32 @!p0 $0x1BF5;
	p2 =	por !p2, p0  }
0x20: {  	[sflag:s8] =	ssyncset.s32 @!p0 $0xFFFFF086;
	s6 =	sadd.s32 @!p0 s3, s7;
	s7 =	simm.s32 @!p0 $0x108  }
0x21: {  	s3 =	sadd.s32 s3, s9;
	s6 =	sadd.s32 @!p0 $0x88, s6;
	s7 =	simm.s32 @p2 $0x1082  }
0x22: {  	[simem:s7], [sflag:s8] =	dma.local @!p0 [hbm:s6], $0xF7A  }
0x23: {  	s9 =	sor.u32 $0xD0000000, s2;
	s6 =	simm.s32 $0x108;
	_ =	swait.ge @!p0 [sflag:s8], $0x0  }
0x24: {  	s3 =	sadd.s32 $0x88, s3;
	s6 =	simm.s32 @!p1 $0x1082;
	[sflag:s4] =	ssyncset.s32 $0xFFFFF086  }
0x25: {  	[simem:s6], [sflag:s4] =	dma.local [hbm:s3], $0xF7A  }
0x26: {  	[smem:$0x3F8D] =	sst s1;
	(tag) =	ssettag s2;
	_ =	strace s9  }
0x27: {  	s1 =	sld [smem:$0x3F9D]  }
0x28: {  	s2 =	sld [smem:$0x3F9E]  }
0x29: {  	s4 =	sld [smem:$0x3FA0]  }
0x2a: {  	p0 =	seq.s32 s5, $0x0;
	s5 =	sld [smem:$0x3FA1]  }
0x2b: {  	s6 =	sld [smem:$0x3FA2]  }
0x2c: {  	s7 =	sld [smem:$0x3FA3]  }
0x2d: {  	s3 =	simm.s32 $0x108;
	s8 =	sld [smem:$0x3FA4]  }
0x2e: {  	s3 =	simm.s32 @!p0 $0x1082;
	s9 =	sld [smem:$0x3FA5]  }
0x2f: {  	lr =	sadd.s32 s0, s3;
	s0 =	sld [smem:$0x3F9C]  }
0x30: {  	s3 =	sld [smem:$0x3F9F]  }
0x31: {  	[smem:$0x3FA8] =	sst s10  }
0x32: {  	s10 =	sld [smem:$0x3FA6];
	_ =	sdelay $0x3  }
0x33: {  	p0 =	seq.s32 s10, $0x1;
	s10 =	sld [smem:$0x3FA8];
	_ =	sdelay $0x3  }
0x34: {  	[smem:$0x3FA8] =	sst s10  }
0x35: {  	s10 =	sld [smem:$0x3FA7];
	_ =	sdelay $0x3  }
0x36: {  	p1 =	seq.s32 s10, $0x1;
	s10 =	sld [smem:$0x3FA8];
	_ =	sdelay $0x3  }
0x37: {  	[smem:$0x3FA8] =	sst s10  }
0x38: {  	s10 =	sld [smem:$0x3FA9]  }
0x39: {  	_ = 	snop;
	(pc) =	sbr.ind lr, $3  }
0x3a: {  	_ = 	snop  }
0x3b: {  	_ = 	snop  }
0x3c: {  	p2 =	seq.s32 s10, $0x1;
	s10 =	sld [smem:$0x3FA8]  }
0x3d: {  	_ =	shalt  }
0x3e: {  	_ =	shalt  }
0x3f: {  	_ =	shalt  }
0x40: {  	_ =	shalt  }
0x41: {  	_ =	shalt  }
0x42: {  	_ =	shalt  }
0x43: {  	_ =	shalt  }
0x44: {  	_ =	shalt  }
0x45: {  	_ =	shalt  }
0x46: {  	_ =	shalt  }
0x47: {  	_ =	shalt  }
0x48: {  	_ =	shalt  }
0x49: {  	_ =	shalt  }
0x4a: {  	_ =	shalt  }
0x4b: {  	_ =	shalt  }
0x4c: {  	_ =	shalt  }
0x4d: {  	_ =	shalt  }
0x4e: {  	_ =	shalt  }
0x4f: {  	_ =	shalt  }
0x50: {  	_ =	shalt  }
0x51: {  	_ =	shalt  }
0x52: {  	_ =	shalt  }
0x53: {  	_ =	shalt  }
0x54: {  	_ =	shalt  }
0x55: {  	_ =	shalt  }
0x56: {  	_ =	shalt  }
0x57: {  	_ =	shalt  }
0x58: {  	_ =	shalt  }
0x59: {  	_ =	shalt  }
0x5a: {  	_ =	shalt  }
0x5b: {  	_ =	shalt  }
0x5c: {  	_ =	shalt  }
0x5d: {  	_ =	shalt  }
0x5e: {  	_ =	shalt  }
0x5f: {  	_ =	shalt  }
0x60: {  	_ =	shalt  }
0x61: {  	_ =	shalt  }
0x62: {  	_ =	shalt  }
0x63: {  	_ =	shalt  }
0x64: {  	_ =	shalt  }
0x65: {  	_ =	shalt  }
0x66: {  	_ =	shalt  }
0x67: {  	_ =	shalt  }
0x68: {  	_ =	shalt  }
0x69: {  	_ =	shalt  }
0x6a: {  	_ =	shalt  }
0x6b: {  	_ =	shalt  }
0x6c: {  	_ =	shalt  }
0x6d: {  	_ =	shalt  }
0x6e: {  	_ =	shalt  }
0x6f: {  	_ =	shalt  }
0x70: {  	_ =	shalt  }
0x71: {  	_ =	shalt  }
0x72: {  	_ =	shalt  }
0x73: {  	_ =	shalt  }
0x74: {  	_ =	shalt  }
0x75: {  	_ =	shalt  }
0x76: {  	_ =	shalt  }
0x77: {  	_ =	shalt  }
0x78: {  	_ =	shalt  }
0x79: {  	_ =	shalt  }
0x7a: {  	_ =	shalt  }
0x7b: {  	_ =	shalt  }
0x7c: {  	_ =	shalt  }
0x7d: {  	_ =	shalt  }
0x7e: {  	_ =	shalt  }
0x7f: {  	_ =	shalt  }
0x80: {  	_ =	shalt  }
0x81: {  	_ =	shalt  }
0x82: {  	_ =	shalt  }
0x83: {  	_ =	shalt  }
0x84: {  	_ =	shalt  }
0x85: {  	_ =	shalt  }
0x86: {  	_ =	shalt  }
0x87: {  	_ =	shalt  }
.Lfunc_end0:
.L_simem_size_0:
called_computation.1_lowered:
.L_overlay_start_0:
0x88: {  	s2 =	sld [smem:$0x3FD9]  }
0x89: {  	s3 =	sld [smem:$0x3FFE];
	_ =	sdelay $0x1  }
0x8a: {  	s1 =	srdreg.scid  }
0x8b: {  	s0 =	sand.u32 $0x1, s1  }
0x8c: {  	s17 =	sshll.u32 s0, $0xA;
	s2 =	sadd.s32 s3, s2  }
0x8d: {  	s2 =	sadd.s32 s2, s17  }
0x8e: {  	[smem:$0x3FB4] =	sst s2  }
0x8f: {  	_ = 	snop  }
0x90: {  	s2 =	sld [smem:$0x3FD0];
	(tm) =	ssettm $0x1  }
0x91: {  	s18 =	sld [smem:$0x3FFB];
	_ =	sdelay $0x3  }
0x92: {  	_ =	strace s18  }
0x93: {  	s3 =	sld [smem:$0x3FFC];
	_ =	sdelay $0x3  }
0x94: {  	_ =	strace s3  }
0x95: {  	s3 =	sld [smem:$0x3FFD];
	_ =	sdelay $0x3  }
0x96: {  	_ =	strace s3  }
0x97: {  	_ =	strace $0x8FFFFFFF  }
0x98: {  	s19 =	sld [smem:$0x3FDB];
	_ =	sdelay $0x1  }
0x99: {  	s4 =	simm.s32 $_scs_section_size  }
0x9a: {  	s5 =	simm.s32 $_size__tile_overlayer_lowered;
	s6 =	simm.s32 $_tile_overlayer_lowered  }
0x9b: {  	s22 =	simm.s32 $0x1BFF;
	s21 =	sshll.u32 s6, $0x1;
	s3 =	sadd.s32 s4, s19  }
0x9c: {  	s7 =	simm.s32 $0x0;
	s20 =	sshll.u32 s5, $0x1;
	s5 =	sadd.s32 s21, s3  }
0x9d: {  	[timem:s7], [sflag:s22] =	dma.local [hbm:s5], s20  }
0x9e: {  	_ =	swait.ge [sflag:s22], s20  }
0x9f: {  	s4 =	ssub.s32 $0x0, s20;
	[sflag:s22] =	ssyncset.done $0x0  }
0xa0: {  	[sflag:s22] =	ssyncadd.s32 s4;
	_ =	sdelay $0x1  }
0xa1: {  	s23 =	simm.s32 $0x1B8B  }
0xa2: {  	_ =	swait.ge [sflag:s23], $0x1  }
0xa3: {  	[sflag:s23] =	ssyncset.done $0x0  }
0xa4: {  	s25 =	simm.s32 $0x1B8E;
	s24 =	sld [smem:$0x3FFE];
	[sflag:s23] =	ssyncadd.s32 $0xFFFFFFFF  }
0xa5: {  	s26 =	simm.s32 $execute0_lowered;
	[smem:$0x3FD2] =	sst s25  }
0xa6: {  	s5 =	sshll.u32 s26, $0x1;
	_ =	strace $0x80000049;
	[dreg:$0x1] =	wrdreg $0xFFFFFFFF  }
0xa7: {  	s28 =	simm.s32 $_size_execute0_lowered;
	s3 =	sadd.s32 s3, s5;
	[dreg:$0x0] =	wrdreg $0x0  }
0xa8: {  	s5 =	sshll.u32 s28, $0x1;
	[dreg:$0x2] =	wrdreg s3  }
0xa9: {  	[dreg:$0x3] =	wrdreg s5  }
0xaa: {  	[dreg:$0x4] =	wrdreg $0xC0  }
0xab: {  	_ =	task [dreg:s7], $0x5FFFF  }
0xac: {  	[dreg:$0x1] =	wrdreg $0xFFFFFFFF  }
0xad: {  	[dreg:$0x0] =	wrdreg $0x60  }
0xae: {  	[dreg:$0x2] =	wrdreg s2  }
0xaf: {  	[dreg:$0x3] =	wrdreg s24  }
0xb0: {  	[dreg:$0x4] =	wrdreg $0xA5000  }
0xb1: {  	[dreg:$0x5] =	wrdreg $0x9  }
0xb2: {  	_ =	task.clear_ibuf [dreg:s7], $0x6FFFF;
	_ =	strace $0x90000049  }
0xb3: {  	s29 =	simm.s32 $0x9;
	_ =	strace $0x8000004B  }
0xb4: {  	_ =	swait.ge [sflag:s29], $0x1  }
0xb5: {  	[sflag:s29] =	ssyncadd.s32 $0xFFFFFFFF  }
0xb6: {  	_ =	strace $0x9000004B  }
0xb7: {  	_ =	sfence  }
0xb8: {  	s30 =	sld [smem:$0x0];
	_ =	sdelay $0x2  }
0xb9: {  	s31 =	sshll.u32 s1, $0xD;
	s1 =	sshrl.u32 s1, $0x2  }
0xba: {  	s3 =	sand.u32 $0x4000, s31;
	s1 =	sadd.s32 s1, s30  }
0xbb: {  	s0 =	sor.u32 s3, s0;
	s1 =	sshll.u32 s1, $0x11  }
0xbc: {  	s0 =	sor.u32 s1, s0  }
0xbd: {  	s0 =	sadd.s32 $0x8F2B, s0  }
0xbe: {  	[sflag:s0] =	ssyncadd.remote.s32 $0x1  }
0xbf: {  	_ =	sfence.sel $0xFFFF  }
0xc0: {  	[dreg:$0x0] =	wrdreg $0xFFFFFFFF;
	(pc) =	sbr.abs _section_cstart, $3  }
0xc1: {  	[dreg:$0x1] =	wrdreg $0xFFFFFFFF  }
0xc2: {  	_ =	task.clear_ibuf [dreg:s7], $0x2FFFF;
	_ =	strace $0x9FFFFFFF  }
0xc3: {  	(tm) =	ssettm $0x7FFFFFFF  }
tec
execute0_lowered:
.L_overlay_start_1:
0x0: {  	(tag) =	ssettag $0x1  }
0x1: {  	s1 =	rddreg [dreg:$0x0]  }
0x2: {  	s0 =	rddreg [dreg:$0x1]  }
0x3: {  	s2 =	rddreg [dreg:$0x2];
	s3 =	simm.s32 $0x0  }
0x4: {  	s4 =	srdreg.scid;
	s19 =	stileid.u32;
	s28 =	simm.s32 $0x5  }
0x5: {  	s29 =	simm.s32 $0x100;
	s30 =	simm.s32 $0xA0;
	s31 =	simm.s32 $0x200  }
0x6: {  	[smem:$0x7FF] =	sst s3;
	s5 =	sadd.s32 $0xDA00, s0;
	s6 =	sadd.s32 $0x3C00, s0  }
0x7: {  	s7 =	sadd.s32 $0x17800, s0;
	s4 =	sand.u32 $0x1, s4;
	s9 =	smul.u32 $0x50000, s19  }
0x8: {  	s12 =	smul.u32 $0x14000, s19;
	s0 =	sadd.s32 $0x18200, s0;
	_ =	strace $0x8000004A  }
0x9: {  	[dreg:$0x4] =	wrdreg s7;
	s23 =	ssub.s32 $0x2, s4;
	s17 =	smul.u32 $0x140000, s4  }
0xa: {  	s8 =	sshll.u32 s4, $0x4;
	s4 =	smul.u32 $0x27100, s4;
	s10 =	sshrl.u32 s23, $0x1  }
0xb: {  	s8 =	sor.u32 s19, s8;
	s24 =	sshrl.u32 s9, $0x2;
	s13 =	sadd.s32 $0x5000, s12  }
0xc: {  	s14 =	sadd.s32 $0xA000, s12;
	s15 =	sadd.s32 $0xF000, s12;
	s7 =	ssub.s32 s23, s10  }
0xd: {  	s11 =	smul.u32 $0x2710, s8;
	s8 =	sadd.s32 s24, s2;
	s9 =	sadd.s32 s13, s2  }
0xe: {  	s10 =	sadd.s32 s14, s2;
	s12 =	sadd.s32 s12, s17;
	s13 =	sadd.s32 s17, s13  }
0xf: {  	s14 =	sadd.s32 s17, s14;
	s17 =	sadd.s32 s17, s15;
	s12 =	sshrl.u32 s12, $0x3  }
0x10: {  	s13 =	sshrl.u32 s13, $0x3;
	s22 =	smax.u32 s7, $0x1;
	s7 =	simm.s32 $0x5500  }
0x11: {  	s16 =	sshrl.u32 s11, $0x3;
	s12 =	sadd.s32 s0, s12;
	[dreg:$0xd] =	wrdreg s22  }
0x12: {  	s11 =	sadd.s32 s15, s2;
	s18 =	sadd.s32 s5, s16;
	[dreg:$0x9] =	wrdreg s12  }
0x13: {  	s25 =	sadd.s32 $0x4D8, s16;
	s20 =	sadd.s32 s6, s16;
	[dreg:$0x5] =	wrdreg s18  }
0x14: {  	s12 =	sadd.s32 s0, s13;
	s23 =	sadd.s32 $0x4C4, s16;
	[dreg:$0x6] =	wrdreg s20  }
0x15: {  	s13 =	simm.s32 $0x2;
	s26 =	sadd.s32 s5, s25;
	[dreg:$0xa] =	wrdreg s12  }
0x16: {  	s18 =	sadd.s32 s6, s25;
	s25 =	sadd.s32 s5, s23;
	[dreg:$0x7] =	wrdreg s26  }
0x17: {  	[dreg:$0x8] =	wrdreg s18;
	s18 =	smul.u32 $0x2710, s19;
	s19 =	sshrl.u32 s14, $0x3  }
0x18: {  	s20 =	sshrl.u32 s17, $0x3;
	[dreg:$0xe] =	wrdreg s25;
	s12 =	sadd.s32 s0, s19  }
0x19: {  	s17 =	simm.s32 $0x50;
	s0 =	sadd.s32 s0, s20;
	[dreg:$0xb] =	wrdreg s12  }
0x1a: {  	s14 =	simm.s32 $0x4;
	[dreg:$0xc] =	wrdreg s0;
	s21 =	sadd.s32 s18, s4  }
0x1b: {  	s4 =	sadd.s32 s6, s23;
	s0 =	simm.s32 $0x300;
	s12 =	simm.s32 $0x3  }
0x1c: {  	s18 =	simm.s32 $0x0;
	s24 =	sadd.s32 $0xA0, s21;
	[dreg:$0xf] =	wrdreg s4  }
0x1d: {  	s23 =	sadd.s32 $0x140, s21;
	s4 =	simm.s32 $0x1;
	s26 =	sshrl.u32 s24, $0x3  }
0x1e: {  	s24 =	sadd.s32 s26, s6;
	s25 =	sadd.s32 s26, s5;
	s26 =	simm.s32 $0x500  }
.LBB2_1:
0x1f: {  	s15 =	rddreg [dreg:$0x4]  }
0x20: {  	[tilespmem:s26], [sflag:$0x5] =	stream.linear.gather [hbm4b:s15+s3], $0x5000, $0x38;
	[tilespmem:$0x1E500] =	vst v63  }
0x21: {  	_ =	swait.ge [sflag:s28], $0x5000  }
0x22: {  	[sflag:s28] =	ssyncset.done $0x0  }
0x23: {  	[sflag:s28] =	ssyncadd.s32 $0xFFFFB000  }
0x24: {  	[spmem:s8] =	stream.linear.scatter [tilespmem:s26], [sflag:$0x5], $0x5000, $0x38;
	[tilespmem:$0x1E500] =	vst v63  }
0x25: {  	_ =	swait.ge [sflag:s28], $0x5000  }
0x26: {  	[sflag:s28] =	ssyncset.done $0x0  }
0x27: {  	[sflag:s28] =	ssyncadd.s32 $0xFFFFB000  }
0x28: {  	[spmem:s9] =	stream.linear.scatter [tilespmem:s26], [sflag:$0x5], $0x5000, $0x38;
	[tilespmem:$0x1E500] =	vst v63  }
0x29: {  	_ =	swait.ge [sflag:s28], $0x5000  }
0x2a: {  	[sflag:s28] =	ssyncset.done $0x0  }
0x2b: {  	[sflag:s28] =	ssyncadd.s32 $0xFFFFB000  }
0x2c: {  	[spmem:s10] =	stream.linear.scatter [tilespmem:s26], [sflag:$0x5], $0x5000, $0x38;
	[tilespmem:$0x1E500] =	vst v63  }
0x2d: {  	_ =	swait.ge [sflag:s28], $0x5000  }
0x2e: {  	[sflag:s28] =	ssyncset.done $0x0  }
0x2f: {  	[sflag:s28] =	ssyncadd.s32 $0xFFFFB000  }
0x30: {  	[spmem:s11] =	stream.linear.scatter [tilespmem:s26], [sflag:$0x5], $0x5000, $0x38;
	[tilespmem:$0x1E500] =	vst v63  }
0x31: {  	_ =	swait.ge [sflag:s28], $0x5000  }
0x32: {  	[sflag:s28] =	ssyncset.done $0x0  }
0x33: {  	[sflag:s28] =	ssyncadd.s32 $0xFFFFB000  }
0x34: {  	[bflag:$0x0] =	sbarrier.arrive $0xFFFF  }
0x35: {  	s19 =	rddreg [dreg:$0x5]  }
0x36: {  	[tilespmem:s3], [sflag:$0x5] =	stream.linear.gather [hbm4b:s19+s3], $0xA0, $0x38;
	[tilespmem:$0x1E500] =	vst v63  }
0x37: {  	_ =	swait.ge [sflag:s28], $0xA0  }
0x38: {  	[sflag:s28] =	ssyncset.done $0x0  }
0x39: {  	s20 =	rddreg [dreg:$0x6];
	[sflag:s28] =	ssyncadd.s32 $0xFFFFFF60  }
0x3a: {  	[tilespmem:s29], [sflag:$0x5] =	stream.linear.gather [hbm4b:s20+s3], $0xA0, $0x38;
	[tilespmem:$0x1E500] =	vst v63  }
0x3b: {  	_ =	swait.ge [sflag:s28], $0xA0  }
0x3c: {  	[sflag:s28] =	ssyncset.done $0x0  }
0x3d: {  	[sflag:s28] =	ssyncadd.s32 $0xFFFFFF60  }
0x3e: {  	[tilespmem:s26], [sflag:$0x1] =	stream.indirect.gather [hbm4b:s1+s30], $0x80, s3, s30, $0xb8;
	[tilespmem:$0x1E500] =	vst v63  }
0x3f: {  	s19 =	sadd.s32 $0x0, s25  }
0x40: {  	[tilespmem:s31], [sflag:$0x5] =	stream.linear.gather [hbm4b:s19+s3], $0xA0, $0x38;
	[tilespmem:$0x1E500] =	vst v63  }
0x41: {  	_ =	swait.ge [sflag:s28], $0xA0  }
0x42: {  	[sflag:s28] =	ssyncset.done $0x0  }
0x43: {  	s21 =	sadd.s32 $0x0, s24;
	[sflag:s28] =	ssyncadd.s32 $0xFFFFFF60  }
0x44: {  	[tilespmem:s0], [sflag:$0x5] =	stream.linear.gather [hbm4b:s21+s3], $0xA0, $0x38;
	[tilespmem:$0x1E500] =	vst v63  }
0x45: {  	_ =	swait.ge [sflag:s28], $0xA0  }
0x46: {  	[sflag:s28] =	ssyncset.done $0x0  }
0x47: {  	[sflag:s28] =	ssyncadd.s32 $0xFFFFFF60  }
0x48: {  	_ =	swait.ge [sflag:s4], $0x5000  }
0x49: {  	[sflag:s4] =	ssyncset.done $0x0  }
0x4a: {  	[sflag:s4] =	ssyncadd.s32 $0xFFFFB000  }
0x4b: {  	[spmem:s2] =	stream.indirect.scatter.add.f32 [tilespmem:s26], [sflag:$0x3], $0x80, s29, s30, $0xb8;
	[tilespmem:$0x1E500] =	vst v63  }
0x4c: {  	_ = 	snop  }
0x4d: {  	[tilespmem:s7], [sflag:$0x2] =	stream.indirect.gather [hbm4b:s1+s30], $0x80, s31, s30, $0xb8;
	[tilespmem:$0x1E500] =	vst v63  }
0x4e: {  	_ =	swait.ge [sflag:s12], $0x5000  }
0x4f: {  	s22 =	sshrl.u32 s23, $0x3;
	[sflag:s12] =	ssyncset.done $0x0  }
0x50: {  	s20 =	sadd.s32 s5, s22;
	[sflag:s12] =	ssyncadd.s32 $0xFFFFB000  }
0x51: {  	[tilespmem:s3], [sflag:$0x5] =	stream.linear.gather [hbm4b:s20+s3], $0xA0, $0x38;
	[tilespmem:$0x1E500] =	vst v63  }
0x52: {  	_ =	swait.ge [sflag:s28], $0xA0  }
0x53: {  	[sflag:s28] =	ssyncset.done $0x0  }
0x54: {  	s19 =	sadd.s32 s6, s22;
	[sflag:s28] =	ssyncadd.s32 $0xFFFFFF60  }
0x55: {  	[tilespmem:s29], [sflag:$0x5] =	stream.linear.gather [hbm4b:s19+s3], $0xA0, $0x38;
	[tilespmem:$0x1E500] =	vst v63  }
0x56: {  	_ =	swait.ge [sflag:s28], $0xA0  }
0x57: {  	[sflag:s28] =	ssyncset.done $0x0  }
0x58: {  	[sflag:s28] =	ssyncadd.s32 $0xFFFFFF60  }
0x59: {  	[tilespmem:s26], [sflag:$0x1] =	stream.indirect.gather [hbm4b:s1+s30], $0x80, s3, s30, $0xb8;
	[tilespmem:$0x1E500] =	vst v63  }
0x5a: {  	_ =	swait.ge [sflag:s13], $0x5000  }
0x5b: {  	[sflag:s13] =	ssyncset.done $0x0  }
0x5c: {  	[sflag:s13] =	ssyncadd.s32 $0xFFFFB000  }
0x5d: {  	[spmem:s2] =	stream.indirect.scatter.add.f32 [tilespmem:s7], [sflag:$0x4], $0x80, s0, s30, $0xb8;
	[tilespmem:$0x1E500] =	vst v63  }
0x5e: {  	s21 =	simm.s32 $0x50;
	_ =	swait.ge [sflag:s14], $0x5000  }
0x5f: {  	s20 =	simm.s32 $0x28;
	s19 =	sadd.s32 $0x140, s23;
	[sflag:s14] =	ssyncset.done $0x0  }
.LBB2_2:
0x60: {  	s15 =	sadd.s32 s20, s25  }
0x61: {  	[sflag:s14] =	ssyncadd.s32 $0xFFFFB000;
	s16 =	smov.u32 s21;
	s22 =	sadd.s32 $0x28, s21  }
0x62: {  	[tilespmem:s31], [sflag:$0x5] =	stream.linear.gather [hbm4b:s15+s3], $0xA0, $0x38;
	[tilespmem:$0x1E500] =	vst v63  }
0x63: {  	p0 =	sne.s32 s21, $0x488;
	_ =	swait.ge [sflag:s28], $0xA0  }
0x64: {  	[sflag:s28] =	ssyncset.done $0x0  }
0x65: {  	s15 =	sadd.s32 s20, s24;
	s20 =	smov.u32 s16;
	[sflag:s28] =	ssyncadd.s32 $0xFFFFFF60  }
0x66: {  	[tilespmem:s0], [sflag:$0x5] =	stream.linear.gather [hbm4b:s15+s3], $0xA0, $0x38;
	[tilespmem:$0x1E500] =	vst v63  }
0x67: {  	_ =	swait.ge [sflag:s28], $0xA0  }
0x68: {  	[sflag:s28] =	ssyncset.done $0x0  }
0x69: {  	[sflag:s28] =	ssyncadd.s32 $0xFFFFFF60  }
0x6a: {  	_ =	swait.ge [sflag:s4], $0x5000  }
0x6b: {  	[sflag:s4] =	ssyncset.done $0x0  }
0x6c: {  	[sflag:s4] =	ssyncadd.s32 $0xFFFFB000  }
0x6d: {  	[spmem:s2] =	stream.indirect.scatter.add.f32 [tilespmem:s26], [sflag:$0x3], $0x80, s29, s30, $0xb8;
	[tilespmem:$0x1E500] =	vst v63  }
0x6e: {  	_ = 	snop  }
0x6f: {  	[tilespmem:s7], [sflag:$0x2] =	stream.indirect.gather [hbm4b:s1+s30], $0x80, s31, s30, $0xb8;
	[tilespmem:$0x1E500] =	vst v63  }
0x70: {  	_ =	swait.ge [sflag:s12], $0x5000  }
0x71: {  	s15 =	sshrl.u32 s19, $0x3;
	[sflag:s12] =	ssyncset.done $0x0  }
0x72: {  	s16 =	sadd.s32 s5, s15;
	[sflag:s12] =	ssyncadd.s32 $0xFFFFB000  }
0x73: {  	[tilespmem:s3], [sflag:$0x5] =	stream.linear.gather [hbm4b:s16+s3], $0xA0, $0x38;
	[tilespmem:$0x1E500] =	vst v63  }
0x74: {  	_ =	swait.ge [sflag:s28], $0xA0  }
0x75: {  	[sflag:s28] =	ssyncset.done $0x0  }
0x76: {  	s15 =	sadd.s32 s6, s15;
	[sflag:s28] =	ssyncadd.s32 $0xFFFFFF60  }
0x77: {  	[tilespmem:s29], [sflag:$0x5] =	stream.linear.gather [hbm4b:s15+s3], $0xA0, $0x38;
	[tilespmem:$0x1E500] =	vst v63  }
0x78: {  	_ =	swait.ge [sflag:s28], $0xA0  }
0x79: {  	[sflag:s28] =	ssyncset.done $0x0  }
0x7a: {  	[sflag:s28] =	ssyncadd.s32 $0xFFFFFF60  }
0x7b: {  	[tilespmem:s26], [sflag:$0x1] =	stream.indirect.gather [hbm4b:s1+s30], $0x80, s3, s30, $0xb8;
	[tilespmem:$0x1E500] =	vst v63  }
0x7c: {  	_ =	swait.ge [sflag:s13], $0x5000  }
.Ltmp0:
0x7d: {  	[sflag:s13] =	ssyncset.done $0x0;
	(pc) =	sbr.rel @p0 .LBB2_2-.Ltmp0, $4  }
0x7e: {  	[sflag:s13] =	ssyncadd.s32 $0xFFFFB000  }
0x7f: {  	[spmem:s2] =	stream.indirect.scatter.add.f32 [tilespmem:s7], [sflag:$0x4], $0x80, s0, s30, $0xb8;
	[tilespmem:$0x1E500] =	vst v63  }
0x80: {  	_ =	swait.ge [sflag:s14], $0x5000  }
0x81: {  	s21 =	smov.u32 s22;
	s19 =	sadd.s32 $0x140, s19;
	[sflag:s14] =	ssyncset.done $0x0  }
0x82: {  	s15 =	sadd.s32 s20, s25;
	[sflag:s14] =	ssyncadd.s32 $0xFFFFB000  }
0x83: {  	[tilespmem:s31], [sflag:$0x5] =	stream.linear.gather [hbm4b:s15+s3], $0xA0, $0x38;
	[tilespmem:$0x1E500] =	vst v63  }
0x84: {  	_ =	swait.ge [sflag:s28], $0xA0  }
0x85: {  	[sflag:s28] =	ssyncset.done $0x0  }
0x86: {  	s20 =	sadd.s32 s20, s24;
	[sflag:s28] =	ssyncadd.s32 $0xFFFFFF60  }
0x87: {  	[tilespmem:s0], [sflag:$0x5] =	stream.linear.gather [hbm4b:s20+s3], $0xA0, $0x38;
	[tilespmem:$0x1E500] =	vst v63  }
0x88: {  	_ =	swait.ge [sflag:s28], $0xA0  }
0x89: {  	[sflag:s28] =	ssyncset.done $0x0  }
0x8a: {  	[sflag:s28] =	ssyncadd.s32 $0xFFFFFF60  }
0x8b: {  	_ =	swait.ge [sflag:s4], $0x5000  }
0x8c: {  	[sflag:s4] =	ssyncset.done $0x0  }
0x8d: {  	[sflag:s4] =	ssyncadd.s32 $0xFFFFB000  }
0x8e: {  	[spmem:s2] =	stream.indirect.scatter.add.f32 [tilespmem:s26], [sflag:$0x3], $0x80, s29, s30, $0xb8;
	[tilespmem:$0x1E500] =	vst v63  }
0x8f: {  	_ = 	snop  }
0x90: {  	[tilespmem:s7], [sflag:$0x2] =	stream.indirect.gather [hbm4b:s1+s30], $0x80, s31, s30, $0xb8;
	[tilespmem:$0x1E500] =	vst v63  }
0x91: {  	_ =	swait.ge [sflag:s12], $0x5000  }
0x92: {  	s21 =	sshrl.u32 s19, $0x3;
	[sflag:s12] =	ssyncset.done $0x0  }
0x93: {  	s16 =	sadd.s32 s5, s21;
	[sflag:s12] =	ssyncadd.s32 $0xFFFFB000  }
0x94: {  	[tilespmem:s3], [sflag:$0x5] =	stream.linear.gather [hbm4b:s16+s3], $0xA0, $0x38;
	[tilespmem:$0x1E500] =	vst v63  }
0x95: {  	_ =	swait.ge [sflag:s28], $0xA0  }
0x96: {  	[sflag:s28] =	ssyncset.done $0x0  }
0x97: {  	s15 =	sadd.s32 s6, s21;
	[sflag:s28] =	ssyncadd.s32 $0xFFFFFF60  }
0x98: {  	[tilespmem:s29], [sflag:$0x5] =	stream.linear.gather [hbm4b:s15+s3], $0xA0, $0x38;
	[tilespmem:$0x1E500] =	vst v63  }
0x99: {  	_ =	swait.ge [sflag:s28], $0xA0  }
0x9a: {  	[sflag:s28] =	ssyncset.done $0x0  }
0x9b: {  	[sflag:s28] =	ssyncadd.s32 $0xFFFFFF60  }
0x9c: {  	[tilespmem:s26], [sflag:$0x1] =	stream.indirect.gather [hbm4b:s1+s30], $0x80, s3, s30, $0xb8;
	[tilespmem:$0x1E500] =	vst v63  }
0x9d: {  	_ =	swait.ge [sflag:s13], $0x5000  }
0x9e: {  	[sflag:s13] =	ssyncset.done $0x0  }
0x9f: {  	[sflag:s13] =	ssyncadd.s32 $0xFFFFB000  }
0xa0: {  	[spmem:s2] =	stream.indirect.scatter.add.f32 [tilespmem:s7], [sflag:$0x4], $0x80, s0, s30, $0xb8;
	[tilespmem:$0x1E500] =	vst v63  }
0xa1: {  	_ =	swait.ge [sflag:s14], $0x5000  }
0xa2: {  	[sflag:s14] =	ssyncset.done $0x0  }
0xa3: {  	s22 =	rddreg [dreg:$0xe];
	[sflag:s14] =	ssyncadd.s32 $0xFFFFB000  }
0xa4: {  	[tilespmem:s31], [sflag:$0x5] =	stream.linear.gather [hbm4b:s22+s3], $0xA0, $0x38;
	[tilespmem:$0x1E500] =	vst v63  }
0xa5: {  	_ =	swait.ge [sflag:s28], $0xA0  }
0xa6: {  	[sflag:s28] =	ssyncset.done $0x0  }
0xa7: {  	s16 =	rddreg [dreg:$0xf];
	[sflag:s28] =	ssyncadd.s32 $0xFFFFFF60  }
0xa8: {  	[tilespmem:s0], [sflag:$0x5] =	stream.linear.gather [hbm4b:s16+s3], $0xA0, $0x38;
	[tilespmem:$0x1E500] =	vst v63  }
0xa9: {  	_ =	swait.ge [sflag:s28], $0xA0  }
0xaa: {  	[sflag:s28] =	ssyncset.done $0x0  }
0xab: {  	[sflag:s28] =	ssyncadd.s32 $0xFFFFFF60  }
0xac: {  	_ =	swait.ge [sflag:s4], $0x5000  }
0xad: {  	[sflag:s4] =	ssyncset.done $0x0  }
0xae: {  	[sflag:s4] =	ssyncadd.s32 $0xFFFFB000  }
0xaf: {  	[spmem:s2] =	stream.indirect.scatter.add.f32 [tilespmem:s26], [sflag:$0x3], $0x80, s29, s30, $0xb8;
	[tilespmem:$0x1E500] =	vst v63  }
0xb0: {  	_ = 	snop  }
0xb1: {  	[tilespmem:s7], [sflag:$0x2] =	stream.indirect.gather [hbm4b:s1+s30], $0x80, s31, s30, $0xb8;
	[tilespmem:$0x1E500] =	vst v63  }
0xb2: {  	_ =	swait.ge [sflag:s12], $0x5000  }
0xb3: {  	[sflag:s12] =	ssyncset.done $0x0  }
0xb4: {  	[sflag:s12] =	ssyncadd.s32 $0xFFFFB000  }
0xb5: {  	_ =	swait.ge [sflag:s13], $0x5000  }
0xb6: {  	[sflag:s13] =	ssyncset.done $0x0  }
0xb7: {  	[sflag:s13] =	ssyncadd.s32 $0xFFFFB000  }
0xb8: {  	[spmem:s2] =	stream.indirect.scatter.add.f32 [tilespmem:s7], [sflag:$0x4], $0x80, s0, s30, $0xb8;
	[tilespmem:$0x1E500] =	vst v63  }
0xb9: {  	_ =	swait.ge [sflag:s14], $0x5000  }
0xba: {  	[sflag:s14] =	ssyncset.done $0x0  }
0xbb: {  	s20 =	simm.s32 $0x400;
	s19 =	rddreg [dreg:$0x7];
	[sflag:s14] =	ssyncadd.s32 $0xFFFFB000  }
0xbc: {  	[tilespmem:s20], [sflag:$0x5] =	stream.linear.gather [hbm4b:s19+s3], $0x50, $0x38;
	[tilespmem:$0x1E500] =	vst v63  }
0xbd: {  	_ =	swait.ge [sflag:s28], $0x50  }
0xbe: {  	[sflag:s28] =	ssyncset.done $0x0  }
0xbf: {  	s22 =	simm.s32 $0x480;
	s21 =	rddreg [dreg:$0x8];
	[sflag:s28] =	ssyncadd.s32 $0xFFFFFFB0  }
0xc0: {  	[tilespmem:s22], [sflag:$0x5] =	stream.linear.gather [hbm4b:s21+s3], $0x50, $0x38;
	[tilespmem:$0x1E500] =	vst v63  }
0xc1: {  	_ =	swait.ge [sflag:s28], $0x50  }
0xc2: {  	[sflag:s28] =	ssyncset.done $0x0  }
0xc3: {  	[sflag:s28] =	ssyncadd.s32 $0xFFFFFFB0  }
0xc4: {  	[tilespmem:s26], [sflag:$0x1] =	stream.indirect.gather [hbm4b:s1+s17], $0x80, s20, s17, $0xb8;
	[tilespmem:$0x1E500] =	vst v63  }
0xc5: {  	_ =	swait.ge [sflag:s4], $0x2800  }
0xc6: {  	[sflag:s4] =	ssyncset.done $0x0  }
0xc7: {  	[sflag:s4] =	ssyncadd.s32 $0xFFFFD800  }
0xc8: {  	[spmem:s2] =	stream.indirect.scatter.add.f32 [tilespmem:s26], [sflag:$0x5], $0x80, s22, s17, $0xb8;
	[tilespmem:$0x1E500] =	vst v63  }
0xc9: {  	_ =	swait.ge [sflag:s28], $0x2800  }
0xca: {  	[sflag:s28] =	ssyncset.done $0x0  }
0xcb: {  	s20 =	stileid.u32;
	[sflag:s28] =	ssyncadd.s32 $0xFFFFD800  }
0xcc: {  	s15 =	sshll.u32 s20, $0x6;
	[bflag:$0x0] =	sbarrier.arrive $0xFFFF  }
0xcd: {  	s21 =	sshrl.u32 s8, $0x3;
	s15 =	sor.u32 $0x1C05, s15;
	s22 =	rddreg [dreg:$0x9]  }
0xce: {  	[hbm:s22], [sflag:s15] =	dma.local [spmem:s21], $0xA00  }
0xcf: {  	_ =	swait.ge [sflag:s28], $0xA00  }
0xd0: {  	[sflag:s28] =	ssyncset.done $0x0  }
0xd1: {  	s19 =	sshrl.u32 s9, $0x3;
	s20 =	rddreg [dreg:$0xa];
	[sflag:s28] =	ssyncadd.s32 $0xFFFFF600  }
0xd2: {  	[hbm:s20], [sflag:s15] =	dma.local [spmem:s19], $0xA00  }
0xd3: {  	_ =	swait.ge [sflag:s28], $0xA00  }
0xd4: {  	[sflag:s28] =	ssyncset.done $0x0  }
0xd5: {  	s21 =	sshrl.u32 s10, $0x3;
	s22 =	rddreg [dreg:$0xb];
	[sflag:s28] =	ssyncadd.s32 $0xFFFFF600  }
0xd6: {  	[hbm:s22], [sflag:s15] =	dma.local [spmem:s21], $0xA00  }
0xd7: {  	_ =	swait.ge [sflag:s28], $0xA00  }
0xd8: {  	[sflag:s28] =	ssyncset.done $0x0  }
0xd9: {  	s20 =	sshrl.u32 s11, $0x3;
	s21 =	rddreg [dreg:$0xc];
	[sflag:s28] =	ssyncadd.s32 $0xFFFFF600  }
0xda: {  	[hbm:s21], [sflag:s15] =	dma.local [spmem:s20], $0xA00  }
0xdb: {  	_ =	swait.ge [sflag:s28], $0xA00  }
0xdc: {  	s18 =	sadd.s32 $0x1, s18;
	s22 =	rddreg [dreg:$0xd]  }
0xdd: {  	p0 =	sne.s32 s18, s22  }
.Ltmp1:
0xde: {  	_ = 	snop;
	(pc) =	sbr.rel @p0 .LBB2_1-.Ltmp1, $3  }
0xdf: {  	_ =	sdelay $0x1  }
0xe0: {  	[sflag:s28] =	ssyncset.done $0x0  }
0xe1: {  	[sflag:s28] =	ssyncadd.s32 $0xFFFFF600  }
0xe2: {  	_ =	sfence.sel $0x180000  }
0xe3: {  	[bflag:$0x0] =	sbarrier.arrive $0xFFFF  }
0xe4: {  	_ =	strace $0x9000004A  }
0xe5: {  	s0 =	stileid.u32;
	[bflag:$0x2] =	sbarrier.arrive $0xFFFF  }
0xe6: {  	p0 =	sne.s32 s0, $0x0;
	s0 =	rddreg [dreg:$0x3]  }
0xe7: {  	s0 =	sadd.s32 @!p0 $0x100000, s0  }
0xe8: {  	[sflag:s0] =	ssyncadd.tile.s32 @!p0 $0x1;
	_ =	shalt  }
.Lfunc_end2:
_tile_overlayer_lowered:
.L_overlay_start_2:
0xe9: {  	(tag) =	ssettag $0x2  }
0xea: {  	s0 =	rddreg [dreg:$0x0];
	s2 =	stileid.u32  }
0xeb: {  	s1 =	rddreg [dreg:$0x1];
	p0 =	sne.s32 s2, $0x0  }
0xec: {  	s3 =	rddreg [dreg:$0x2];
	[bflag:$0x3] =	sbarrier.arrive $0xFFFF;
	s2 =	simm.s32 @!p0 $0x1C05  }
0xed: {  	[timem:s3], [sflag:s2] =	dma.local @!p0 [hbm:s0], s1  }
0xee: {  	s0 =	simm.s32 @!p0 $0x5  }
0xef: {  	_ =	swait.ge @!p0 [sflag:s0], s1  }
0xf0: {  	s1 =	ssub.s32 @!p0 $0x0, s1;
	[sflag:s0] =	ssyncset.done @!p0 $0x0  }
0xf1: {  	[sflag:s0] =	ssyncadd.s32 @!p0 s1  }
0xf2: {  	[bflag:$0x3] =	sbarrier.arrive $0xFFFF  }
0xf3: {  	_ =	shalt  }

// kernel: kernel.17.cloned.1.call-start
scs
__scs_entry_jumppad:
0x0: {  	(pc) =	sbr.rel $0x88, $3  }
0x1: {  	(tag) =	ssettag $0x0;
	lr =	simm.s32 $0x1  }
0x2: {  	[smem:$0x3F8D] =	sst lr;
	_ =	strace $0xD0000000  }
0x3: {  	_ = 	snop  }
0x4: {  	_ = 	snop  }
0x5: {  	_ = 	snop  }
0x6: {  	_ = 	snop  }
0x7: {  	_ = 	snop  }
__scs_overlays_trampoline_lowered:
0x8: {  	[smem:$0x3F9C] =	sst s0  }
0x9: {  	[smem:$0x3F9D] =	sst s1  }
0xa: {  	[smem:$0x3F9E] =	sst s2  }
0xb: {  	[smem:$0x3F9F] =	sst s3  }
0xc: {  	[smem:$0x3FA0] =	sst s4  }
0xd: {  	[smem:$0x3FA1] =	sst s5  }
0xe: {  	[smem:$0x3FA2] =	sst s6  }
0xf: {  	[smem:$0x3FA3] =	sst s7  }
0x10: {  	[smem:$0x3FA4] =	sst s8  }
0x11: {  	[smem:$0x3FA5] =	sst s9;
	s0 =	simm.s32 @!p0 $0x0  }
0x12: {  	s1 =	sld [smem:$0x3F8B];
	s0 =	simm.s32 @p0 $0x1  }
0x13: {  	[smem:$0x3FA6] =	sst s0;
	s0 =	simm.s32 @!p1 $0x0  }
0x14: {  	s2 =	sld [smem:$0x3F8A];
	s0 =	simm.s32 @p1 $0x1  }
0x15: {  	[smem:$0x3FA7] =	sst s0;
	s0 =	simm.s32 @!p2 $0x0  }
0x16: {  	s3 =	sld [smem:$0x3FDB];
	s0 =	simm.s32 @p2 $0x1  }
0x17: {  	s4 =	simm.s32 $0x1BF5;
	[smem:$0x3FA9] =	sst s0  }
0x18: {  	s0 =	sld [smem:$0x3F8C];
	_ =	swait.ge [sflag:s4], $0x0  }
0x19: {  	s7 =	sld [smem:$0x3F8D]  }
0x1a: {  	s8 =	sadd.s32 $0xFFFFE003, lr  }
0x1b: {  	s9 =	sadd.s32 $0xFFFFFEF7, lr;
	s5 =	simm.s32 $0xFFFFFFFF;
	p2 =	slt.u32 s8, $0xFFFFF086  }
0x1c: {  	p1 =	slt.u32 s9, $0xF7A;
	s5 =	simm.s32 @!p2 $0x0  }
0x1d: {  	s5 =	simm.s32 @p1 $0x1;
	p0 =	seq.s32 s7, s2  }
0x1e: {  	s7 =	smul.u32 @!p0 $0xF7A, s2;
	p2 =	seq.s32 @!p0 s5, $0x0  }
0x1f: {  	s9 =	smul.u32 $0xF7A, s1;
	s8 =	simm.s32 @!p0 $0x1BF5;
	p2 =	por !p2, p0  }
0x20: {  	[sflag:s8] =	ssyncset.s32 @!p0 $0xFFFFF086;
	s6 =	sadd.s32 @!p0 s3, s7;
	s7 =	simm.s32 @!p0 $0x108  }
0x21: {  	s3 =	sadd.s32 s3, s9;
	s6 =	sadd.s32 @!p0 $0x88, s6;
	s7 =	simm.s32 @p2 $0x1082  }
0x22: {  	[simem:s7], [sflag:s8] =	dma.local @!p0 [hbm:s6], $0xF7A  }
0x23: {  	s9 =	sor.u32 $0xD0000000, s2;
	s6 =	simm.s32 $0x108;
	_ =	swait.ge @!p0 [sflag:s8], $0x0  }
0x24: {  	s3 =	sadd.s32 $0x88, s3;
	s6 =	simm.s32 @!p1 $0x1082;
	[sflag:s4] =	ssyncset.s32 $0xFFFFF086  }
0x25: {  	[simem:s6], [sflag:s4] =	dma.local [hbm:s3], $0xF7A  }
0x26: {  	[smem:$0x3F8D] =	sst s1;
	(tag) =	ssettag s2;
	_ =	strace s9  }
0x27: {  	s1 =	sld [smem:$0x3F9D]  }
0x28: {  	s2 =	sld [smem:$0x3F9E]  }
0x29: {  	s4 =	sld [smem:$0x3FA0]  }
0x2a: {  	p0 =	seq.s32 s5, $0x0;
	s5 =	sld [smem:$0x3FA1]  }
0x2b: {  	s6 =	sld [smem:$0x3FA2]  }
0x2c: {  	s7 =	sld [smem:$0x3FA3]  }
0x2d: {  	s3 =	simm.s32 $0x108;
	s8 =	sld [smem:$0x3FA4]  }
0x2e: {  	s3 =	simm.s32 @!p0 $0x1082;
	s9 =	sld [smem:$0x3FA5]  }
0x2f: {  	lr =	sadd.s32 s0, s3;
	s0 =	sld [smem:$0x3F9C]  }
0x30: {  	s3 =	sld [smem:$0x3F9F]  }
0x31: {  	[smem:$0x3FA8] =	sst s10  }
0x32: {  	s10 =	sld [smem:$0x3FA6];
	_ =	sdelay $0x3  }
0x33: {  	p0 =	seq.s32 s10, $0x1;
	s10 =	sld [smem:$0x3FA8];
	_ =	sdelay $0x3  }
0x34: {  	[smem:$0x3FA8] =	sst s10  }
0x35: {  	s10 =	sld [smem:$0x3FA7];
	_ =	sdelay $0x3  }
0x36: {  	p1 =	seq.s32 s10, $0x1;
	s10 =	sld [smem:$0x3FA8];
	_ =	sdelay $0x3  }
0x37: {  	[smem:$0x3FA8] =	sst s10  }
0x38: {  	s10 =	sld [smem:$0x3FA9]  }
0x39: {  	_ = 	snop;
	(pc) =	sbr.ind lr, $3  }
0x3a: {  	_ = 	snop  }
0x3b: {  	_ = 	snop  }
0x3c: {  	p2 =	seq.s32 s10, $0x1;
	s10 =	sld [smem:$0x3FA8]  }
0x3d: {  	_ =	shalt  }
0x3e: {  	_ =	shalt  }
0x3f: {  	_ =	shalt  }
0x40: {  	_ =	shalt  }
0x41: {  	_ =	shalt  }
0x42: {  	_ =	shalt  }
0x43: {  	_ =	shalt  }
0x44: {  	_ =	shalt  }
0x45: {  	_ =	shalt  }
0x46: {  	_ =	shalt  }
0x47: {  	_ =	shalt  }
0x48: {  	_ =	shalt  }
0x49: {  	_ =	shalt  }
0x4a: {  	_ =	shalt  }
0x4b: {  	_ =	shalt  }
0x4c: {  	_ =	shalt  }
0x4d: {  	_ =	shalt  }
0x4e: {  	_ =	shalt  }
0x4f: {  	_ =	shalt  }
0x50: {  	_ =	shalt  }
0x51: {  	_ =	shalt  }
0x52: {  	_ =	shalt  }
0x53: {  	_ =	shalt  }
0x54: {  	_ =	shalt  }
0x55: {  	_ =	shalt  }
0x56: {  	_ =	shalt  }
0x57: {  	_ =	shalt  }
0x58: {  	_ =	shalt  }
0x59: {  	_ =	shalt  }
0x5a: {  	_ =	shalt  }
0x5b: {  	_ =	shalt  }
0x5c: {  	_ =	shalt  }
0x5d: {  	_ =	shalt  }
0x5e: {  	_ =	shalt  }
0x5f: {  	_ =	shalt  }
0x60: {  	_ =	shalt  }
0x61: {  	_ =	shalt  }
0x62: {  	_ =	shalt  }
0x63: {  	_ =	shalt  }
0x64: {  	_ =	shalt  }
0x65: {  	_ =	shalt  }
0x66: {  	_ =	shalt  }
0x67: {  	_ =	shalt  }
0x68: {  	_ =	shalt  }
0x69: {  	_ =	shalt  }
0x6a: {  	_ =	shalt  }
0x6b: {  	_ =	shalt  }
0x6c: {  	_ =	shalt  }
0x6d: {  	_ =	shalt  }
0x6e: {  	_ =	shalt  }
0x6f: {  	_ =	shalt  }
0x70: {  	_ =	shalt  }
0x71: {  	_ =	shalt  }
0x72: {  	_ =	shalt  }
0x73: {  	_ =	shalt  }
0x74: {  	_ =	shalt  }
0x75: {  	_ =	shalt  }
0x76: {  	_ =	shalt  }
0x77: {  	_ =	shalt  }
0x78: {  	_ =	shalt  }
0x79: {  	_ =	shalt  }
0x7a: {  	_ =	shalt  }
0x7b: {  	_ =	shalt  }
0x7c: {  	_ =	shalt  }
0x7d: {  	_ =	shalt  }
0x7e: {  	_ =	shalt  }
0x7f: {  	_ =	shalt  }
0x80: {  	_ =	shalt  }
0x81: {  	_ =	shalt  }
0x82: {  	_ =	shalt  }
0x83: {  	_ =	shalt  }
0x84: {  	_ =	shalt  }
0x85: {  	_ =	shalt  }
0x86: {  	_ =	shalt  }
0x87: {  	_ =	shalt  }
.Lfunc_end0:
.L_simem_size_0:
called_computation.2_lowered:
.L_overlay_start_0:
0x88: {  	s2 =	sld [smem:$0x3FD9]  }
0x89: {  	s3 =	sld [smem:$0x3FFE];
	_ =	sdelay $0x1  }
0x8a: {  	s1 =	srdreg.scid  }
0x8b: {  	s0 =	sand.u32 $0x1, s1  }
0x8c: {  	s17 =	sshll.u32 s0, $0xA;
	s2 =	sadd.s32 s3, s2  }
0x8d: {  	s2 =	sadd.s32 s2, s17  }
0x8e: {  	[smem:$0x3FB4] =	sst s2  }
0x8f: {  	_ = 	snop  }
0x90: {  	s18 =	sld [smem:$0x3FD0];
	(tm) =	ssettm $0x1  }
0x91: {  	s19 =	sld [smem:$0x3FFB];
	_ =	sdelay $0x3  }
0x92: {  	_ =	strace s19  }
0x93: {  	s2 =	sld [smem:$0x3FFC];
	_ =	sdelay $0x3  }
0x94: {  	_ =	strace s2  }
0x95: {  	s2 =	sld [smem:$0x3FFD];
	_ =	sdelay $0x3  }
0x96: {  	_ =	strace s2  }
0x97: {  	_ =	strace $0x8FFFFFFF  }
0x98: {  	s20 =	sld [smem:$0x3FDB];
	_ =	sdelay $0x1  }
0x99: {  	s4 =	simm.s32 $_scs_section_size  }
0x9a: {  	s5 =	simm.s32 $_size__tile_overlayer_lowered;
	s6 =	simm.s32 $_tile_overlayer_lowered  }
0x9b: {  	s7 =	simm.s32 $0x1BFF;
	s21 =	sshll.u32 s6, $0x1;
	s4 =	sadd.s32 s4, s20  }
0x9c: {  	s22 =	simm.s32 $0x0;
	s5 =	sshll.u32 s5, $0x1;
	s6 =	sadd.s32 s21, s4  }
0x9d: {  	[timem:s22], [sflag:s7] =	dma.local [hbm:s6], s5  }
0x9e: {  	_ =	swait.ge [sflag:s7], s5  }
0x9f: {  	s5 =	ssub.s32 $0x0, s5;
	[sflag:s7] =	ssyncset.done $0x0  }
0xa0: {  	[sflag:s7] =	ssyncadd.s32 s5;
	_ =	sdelay $0x1  }
0xa1: {  	s23 =	simm.s32 $0x1B8B  }
0xa2: {  	_ =	swait.ge [sflag:s23], $0x1  }
0xa3: {  	[sflag:s23] =	ssyncset.done $0x0  }
0xa4: {  	[sflag:s23] =	ssyncadd.s32 $0xFFFFFFFF  }
0xa5: {  	s5 =	sld [smem:$0x0]  }
0xa6: {  	s6 =	sand.u32 $0xFFFFFFFE, s1  }
0xa7: {  	p0 =	sne.s32 s1, s6  }
0xa8: {  	s6 =	sshll.u32 @p0 s6, $0xE  }
0xa9: {  	s6 =	sadd.s32 @p0 $0x11B8D, s6;
	s7 =	sshll.u32 @p0 s5, $0x11  }
0xaa: {  	s6 =	sor.u32 @p0 s7, s6  }
0xab: {  	[sflag:s6] =	ssyncadd.remote.s32 @p0 $0x1;
	_ =	sdelay $0x1  }
0xac: {  	s6 =	simm.s32 @p0 $0x1B8D  }
0xad: {  	_ =	swait.eq @p0 [sflag:s6], $0x1  }
0xae: {  	[sflag:s6] =	ssyncadd.s32 @p0 $0xFFFFFFFF  }
0xaf: {  	s7 =	sshll.u32 @!p0 s1, $0xE  }
0xb0: {  	s7 =	sor.u32 @!p0 $0x4000, s7;
	s6 =	simm.s32 @!p0 $0x1B8D  }
0xb1: {  	s5 =	sshll.u32 @!p0 s5, $0x11;
	s7 =	sadd.s32 @!p0 $0x11B8D, s7;
	_ =	swait.eq @!p0 [sflag:s6], $0x1  }
0xb2: {  	s5 =	sor.u32 @!p0 s5, s7;
	[sflag:s6] =	ssyncadd.s32 @!p0 $0xFFFFFFFF  }
0xb3: {  	s25 =	simm.s32 $0x1B8E;
	s24 =	sld [smem:$0x3FFE];
	[sflag:s5] =	ssyncadd.remote.s32 @!p0 $0x1  }
0xb4: {  	s26 =	simm.s32 $execute0_lowered;
	[smem:$0x3FD2] =	sst s25  }
0xb5: {  	s6 =	sshll.u32 s26, $0x1;
	_ =	strace $0x8000004F;
	[dreg:$0x1] =	wrdreg $0xFFFFFFFF  }
0xb6: {  	s28 =	simm.s32 $_size_execute0_lowered;
	s4 =	sadd.s32 s4, s6;
	[dreg:$0x0] =	wrdreg $0x0  }
0xb7: {  	s6 =	sshll.u32 s28, $0x1;
	[dreg:$0x2] =	wrdreg s4  }
0xb8: {  	[dreg:$0x3] =	wrdreg s6  }
0xb9: {  	[dreg:$0x4] =	wrdreg $0xC0  }
0xba: {  	_ =	task [dreg:s22], $0x5FFFF  }
0xbb: {  	[dreg:$0x1] =	wrdreg $0xFFFFFFFF  }
0xbc: {  	[dreg:$0x0] =	wrdreg $0x60  }
0xbd: {  	[dreg:$0x2] =	wrdreg s18  }
0xbe: {  	[dreg:$0x3] =	wrdreg s24  }
0xbf: {  	[dreg:$0x4] =	wrdreg $0x9  }
0xc0: {  	_ =	task.clear_ibuf [dreg:s22], $0x5FFFF;
	_ =	strace $0x9000004F  }
0xc1: {  	s29 =	simm.s32 $0x9;
	_ =	strace $0x80000051  }
0xc2: {  	_ =	swait.ge [sflag:s29], $0x1  }
0xc3: {  	[sflag:s29] =	ssyncadd.s32 $0xFFFFFFFF  }
0xc4: {  	_ =	strace $0x90000051  }
0xc5: {  	_ =	sfence  }
0xc6: {  	s30 =	sld [smem:$0x0];
	_ =	sdelay $0x2  }
0xc7: {  	s31 =	sshll.u32 s1, $0xD;
	s1 =	sshrl.u32 s1, $0x2  }
0xc8: {  	s4 =	sand.u32 $0x4000, s31;
	s1 =	sadd.s32 s1, s30  }
0xc9: {  	s0 =	sor.u32 s4, s0;
	s1 =	sshll.u32 s1, $0x11  }
0xca: {  	s0 =	sor.u32 s1, s0  }
0xcb: {  	s0 =	sadd.s32 $0x8F2B, s0  }
0xcc: {  	[sflag:s0] =	ssyncadd.remote.s32 $0x1  }
0xcd: {  	_ =	sfence.sel $0xFFFF  }
0xce: {  	[dreg:$0x0] =	wrdreg $0xFFFFFFFF;
	(pc) =	sbr.abs _section_cstart, $3  }
0xcf: {  	[dreg:$0x1] =	wrdreg $0xFFFFFFFF  }
0xd0: {  	_ =	task.clear_ibuf [dreg:s22], $0x2FFFF;
	_ =	strace $0x9FFFFFFF  }
0xd1: {  	(tm) =	ssettm $0x7FFFFFFF  }
tec
execute0_lowered:
.L_overlay_start_1:
0x0: {  	(tag) =	ssettag $0x1  }
0x1: {  	s1 =	rddreg [dreg:$0x0]  }
0x2: {  	s0 =	rddreg [dreg:$0x1];
	s2 =	srdreg.scid;
	s3 =	simm.s32 $0x0  }
0x3: {  	s5 =	stileid.u32;
	s14 =	simm.s32 $0x7;
	s15 =	simm.s32 $0x100  }
0x4: {  	s16 =	simm.s32 $0xC8;
	s17 =	simm.s32 $0x400;
	s18 =	simm.s32 $0x6800  }
0x5: {  	s19 =	simm.s32 $0x200;
	s20 =	simm.s32 $0x300;
	s21 =	simm.s32 $0x1  }
0x6: {  	s22 =	simm.s32 $0x2;
	s23 =	simm.s32 $0xCC00;
	s28 =	simm.s32 $0x4  }
0x7: {  	s29 =	simm.s32 $0x6;
	s30 =	simm.s32 $0x0;
	s2 =	sand.u32 $0x1, s2  }
0x8: {  	[smem:$0x7FF] =	sst s3;
	s6 =	sadd.s32 $0x3C00, s0;
	s4 =	sshll.u32 s2, $0x4  }
0x9: {  	_ =	strace $0x80000050;
	s2 =	ssub.s32 $0x2, s2;
	s7 =	sor.u32 s5, s4  }
0xa: {  	s4 =	sadd.s32 $0xDA00, s0;
	s8 =	sshrl.u32 s2, $0x1;
	s5 =	smul.u32 $0x1388, s7  }
0xb: {  	s9 =	smul.u32 $0x9C400, s7;
	s7 =	sadd.s32 $0x288800, s0;
	s24 =	ssub.s32 s2, s8  }
0xc: {  	s13 =	smax.u32 s24, $0x1;
	s24 =	simm.s32 $0x13000;
	s25 =	sshrl.u32 s5, $0x3  }
0xd: {  	s31 =	sshrl.u32 s9, $0x3;
	s10 =	sadd.s32 $0xC8, s5;
	s2 =	sadd.s32 s6, s25  }
0xe: {  	s26 =	sadd.s32 s4, s25;
	[dreg:$0x4] =	wrdreg s2;
	s2 =	sadd.s32 s7, s31  }
0xf: {  	s11 =	sadd.s32 $0x190, s5;
	[dreg:$0x3] =	wrdreg s26;
	s2 =	sadd.s32 $0x12C00, s2  }
0x10: {  	s25 =	simm.s32 $0x5;
	s26 =	simm.s32 $0x3;
	[dreg:$0x5] =	wrdreg s2  }
.LBB2_1:
0x11: {  	s0 =	rddreg [dreg:$0x3]  }
0x12: {  	[tilespmem:s3], [sflag:$0x7] =	stream.linear.gather [hbm4b:s0+s3], $0xC8, $0x38;
	[tilespmem:$0x19400] =	vst v63  }
0x13: {  	_ =	swait.ge [sflag:s14], $0xC8  }
0x14: {  	[sflag:s14] =	ssyncset.done $0x0  }
0x15: {  	s12 =	rddreg [dreg:$0x4];
	[sflag:s14] =	ssyncadd.s32 $0xFFFFFF38  }
0x16: {  	[tilespmem:s15], [sflag:$0x7] =	stream.linear.gather [hbm4b:s12+s3], $0xC8, $0x38;
	[tilespmem:$0x19400] =	vst v63  }
0x17: {  	_ =	swait.ge [sflag:s14], $0xC8  }
0x18: {  	[sflag:s14] =	ssyncset.done $0x0  }
0x19: {  	[sflag:s14] =	ssyncadd.s32 $0xFFFFFF38  }
0x1a: {  	[tilespmem:s17], [sflag:$0x1] =	stream.indirect.gather [hbm4b:s1+s16], $0x80, s3, s16, $0xb8;
	[tilespmem:$0x19400] =	vst v63  }
0x1b: {  	s31 =	simm.s32 $0x0  }
0x1c: {  	[tilespmem:s18], [sflag:$0x2] =	stream.indirect.gather [hbm4b:s1+s16], $0x80, s15, s16, $0xb8;
	[tilespmem:$0x19400] =	vst v63  }
.LBB2_2:
0x1d: {  	s2 =	smul.u32 $0x190, s31;
	_ =	sdelay $0x1  }
0x1e: {  	s0 =	sadd.s32 s2, s10  }
0x1f: {  	s8 =	sshrl.u32 s0, $0x3  }
0x20: {  	s12 =	simm.s32 $0x0;
	s9 =	sadd.s32 s4, s8  }
0x21: {  	[tilespmem:s19], [sflag:$0x7] =	stream.linear.gather [hbm4b:s9+s12], $0xC8, $0x38;
	[tilespmem:$0x19400] =	vst v63  }
0x22: {  	_ =	swait.ge [sflag:s14], $0xC8  }
0x23: {  	[sflag:s14] =	ssyncset.done $0x0  }
0x24: {  	s8 =	sadd.s32 s6, s8;
	[sflag:s14] =	ssyncadd.s32 $0xFFFFFF38  }
0x25: {  	[tilespmem:s20], [sflag:$0x7] =	stream.linear.gather [hbm4b:s8+s12], $0xC8, $0x38;
	[tilespmem:$0x19400] =	vst v63  }
0x26: {  	_ =	swait.ge [sflag:s14], $0xC8  }
0x27: {  	[sflag:s14] =	ssyncset.done $0x0  }
0x28: {  	[sflag:s14] =	ssyncadd.s32 $0xFFFFFF38  }
0x29: {  	_ =	swait.ge [sflag:s21], $0x6400  }
0x2a: {  	[sflag:s21] =	ssyncset.done $0x0  }
0x2b: {  	[sflag:s21] =	ssyncadd.s32 $0xFFFF9C00  }
0x2c: {  	_ =	swait.ge [sflag:s22], $0x6400  }
0x2d: {  	[sflag:s22] =	ssyncset.done $0x0  }
0x2e: {  	s8 =	simm.s32 $0x0;
	[sflag:s22] =	ssyncadd.s32 $0xFFFF9C00  }
0x2f: {  	v1 =	vld [tilespmem:s8+$0x6870]  }
0x30: {  	v2 =	vld [tilespmem:s8+$0x6840]  }
0x31: {  	v0 =	vld [tilespmem:s8+$0x6850]  }
0x32: {  	s9 =	simm.s32 $0x200;
	v3 =	vld [tilespmem:s8+$0x6860]  }
.LBB2_3:
0x33: {  	p0 =	sne.s32 s9, $0x18E00  }
.Ltmp0:
0x34: {  	s12 =	sshra.s32 s9, $0x2;
	s9 =	sadd.s32 $0x200, s9;
	[tilespmem:s8+$0x470] =	vst v1;
	(pc) =	sbr.rel @p0 .LBB2_3-.Ltmp0, $4  }
0x35: {  	v1 =	vld [tilespmem:s12+$0x6870];
	[tilespmem:s8+$0x440] =	vst v2  }
0x36: {  	v2 =	vld [tilespmem:s12+$0x6840];
	[tilespmem:s8+$0x450] =	vst v0  }
0x37: {  	v0 =	vld [tilespmem:s12+$0x6850];
	[tilespmem:s8+$0x460] =	vst v3;
	s8 =	smov.u32 s12  }
0x38: {  	v3 =	vld [tilespmem:s8+$0x6860]  }
0x39: {  	_ = 	snop  }
0x3a: {  	[tilespmem:s8+$0x470] =	vst v1  }
0x3b: {  	s9 =	sadd.s32 s5, s2;
	[tilespmem:s8+$0x440] =	vst v2  }
0x3c: {  	s9 =	sshll.u32 s9, $0x4;
	[tilespmem:s8+$0x450] =	vst v0  }
0x3d: {  	s12 =	sadd.s32 s7, s9;
	s9 =	simm.s32 $0x0;
	[tilespmem:s8+$0x460] =	vst v3  }
0x3e: {  	[hbm4b:s12+s9] =	stream.linear.scatter [tilespmem:s17], [sflag:$0x5], $0x6400, $0x38;
	[tilespmem:$0x19400] =	vst v63  }
0x3f: {  	_ = 	snop  }
0x40: {  	[tilespmem:s23], [sflag:$0x3] =	stream.indirect.gather [hbm4b:s1+s16], $0x80, s19, s16, $0xb8;
	[tilespmem:$0x19400] =	vst v63  }
0x41: {  	_ = 	snop  }
0x42: {  	[tilespmem:s24], [sflag:$0x4] =	stream.indirect.gather [hbm4b:s1+s16], $0x80, s20, s16, $0xb8;
	[tilespmem:$0x19400] =	vst v63  }
0x43: {  	s8 =	sadd.s32 s2, s11;
	_ =	swait.ge [sflag:s25], $0x6400  }
0x44: {  	s2 =	sshrl.u32 s8, $0x3;
	[sflag:s25] =	ssyncset.done $0x0  }
0x45: {  	s12 =	sadd.s32 s4, s2;
	[sflag:s25] =	ssyncadd.s32 $0xFFFF9C00  }
0x46: {  	[tilespmem:s9], [sflag:$0x7] =	stream.linear.gather [hbm4b:s12+s9], $0xC8, $0x38;
	[tilespmem:$0x19400] =	vst v63  }
0x47: {  	_ =	swait.ge [sflag:s14], $0xC8  }
0x48: {  	[sflag:s14] =	ssyncset.done $0x0  }
0x49: {  	s2 =	sadd.s32 s6, s2;
	[sflag:s14] =	ssyncadd.s32 $0xFFFFFF38  }
0x4a: {  	[tilespmem:s15], [sflag:$0x7] =	stream.linear.gather [hbm4b:s2+s9], $0xC8, $0x38;
	[tilespmem:$0x19400] =	vst v63  }
0x4b: {  	_ =	swait.ge [sflag:s14], $0xC8  }
0x4c: {  	[sflag:s14] =	ssyncset.done $0x0  }
0x4d: {  	[sflag:s14] =	ssyncadd.s32 $0xFFFFFF38  }
0x4e: {  	[tilespmem:s17], [sflag:$0x1] =	stream.indirect.gather [hbm4b:s1+s16], $0x80, s9, s16, $0xb8;
	[tilespmem:$0x19400] =	vst v63  }
0x4f: {  	_ = 	snop  }
0x50: {  	[tilespmem:s18], [sflag:$0x2] =	stream.indirect.gather [hbm4b:s1+s16], $0x80, s15, s16, $0xb8;
	[tilespmem:$0x19400] =	vst v63  }
0x51: {  	_ =	swait.ge [sflag:s26], $0x6400  }
0x52: {  	[sflag:s26] =	ssyncset.done $0x0  }
0x53: {  	[sflag:s26] =	ssyncadd.s32 $0xFFFF9C00  }
0x54: {  	_ =	swait.ge [sflag:s28], $0x6400  }
0x55: {  	[sflag:s28] =	ssyncset.done $0x0  }
0x56: {  	s2 =	simm.s32 $0x0;
	[sflag:s28] =	ssyncadd.s32 $0xFFFF9C00  }
0x57: {  	v0 =	vld [tilespmem:s2+$0x13070]  }
0x58: {  	v1 =	vld [tilespmem:s2+$0x13040]  }
0x59: {  	v2 =	vld [tilespmem:s2+$0x13050]  }
0x5a: {  	s8 =	simm.s32 $0x200;
	v3 =	vld [tilespmem:s2+$0x13060]  }
.LBB2_5:
0x5b: {  	p0 =	sne.s32 s8, $0x18E00  }
.Ltmp1:
0x5c: {  	s9 =	sshra.s32 s8, $0x2;
	s8 =	sadd.s32 $0x200, s8;
	[tilespmem:s2+$0xCC70] =	vst v0;
	(pc) =	sbr.rel @p0 .LBB2_5-.Ltmp1, $4  }
0x5d: {  	v0 =	vld [tilespmem:s9+$0x13070];
	[tilespmem:s2+$0xCC40] =	vst v1  }
0x5e: {  	v1 =	vld [tilespmem:s9+$0x13040];
	[tilespmem:s2+$0xCC50] =	vst v2  }
0x5f: {  	v2 =	vld [tilespmem:s9+$0x13050];
	[tilespmem:s2+$0xCC60] =	vst v3;
	s2 =	smov.u32 s9  }
0x60: {  	v3 =	vld [tilespmem:s2+$0x13060]  }
0x61: {  	_ = 	snop  }
0x62: {  	[tilespmem:s2+$0xCC70] =	vst v0  }
0x63: {  	s31 =	sadd.s32 $0x1, s31;
	[tilespmem:s2+$0xCC40] =	vst v1  }
0x64: {  	s0 =	sshll.u32 s0, $0x4;
	p0 =	sne.s32 s31, $0xC;
	[tilespmem:s2+$0xCC50] =	vst v2  }
.Ltmp2:
0x65: {  	s0 =	sadd.s32 s7, s0;
	[tilespmem:s2+$0xCC60] =	vst v3;
	(pc) =	sbr.rel @p0 .LBB2_2-.Ltmp2, $4  }
0x66: {  	[hbm4b:s0+s3] =	stream.linear.scatter [tilespmem:s23], [sflag:$0x6], $0x6400, $0x38;
	[tilespmem:$0x19400] =	vst v63  }
0x67: {  	_ =	swait.ge [sflag:s29], $0x6400  }
0x68: {  	[sflag:s29] =	ssyncset.done $0x0  }
0x69: {  	[sflag:s29] =	ssyncadd.s32 $0xFFFF9C00  }
0x6a: {  	_ =	swait.ge [sflag:s21], $0x6400  }
0x6b: {  	[sflag:s21] =	ssyncset.done $0x0  }
0x6c: {  	[sflag:s21] =	ssyncadd.s32 $0xFFFF9C00  }
0x6d: {  	_ =	swait.ge [sflag:s22], $0x6400  }
0x6e: {  	[sflag:s22] =	ssyncset.done $0x0  }
0x6f: {  	s0 =	simm.s32 $0x0;
	[sflag:s22] =	ssyncadd.s32 $0xFFFF9C00  }
0x70: {  	v0 =	vld [tilespmem:s0+$0x6870]  }
0x71: {  	v1 =	vld [tilespmem:s0+$0x6840]  }
0x72: {  	v2 =	vld [tilespmem:s0+$0x6850]  }
0x73: {  	s2 =	simm.s32 $0x200;
	v3 =	vld [tilespmem:s0+$0x6860]  }
.LBB2_8:
0x74: {  	p0 =	sne.s32 s2, $0x18E00  }
.Ltmp3:
0x75: {  	s8 =	sshra.s32 s2, $0x2;
	s2 =	sadd.s32 $0x200, s2;
	[tilespmem:s0+$0x470] =	vst v0;
	(pc) =	sbr.rel @p0 .LBB2_8-.Ltmp3, $4  }
0x76: {  	v0 =	vld [tilespmem:s8+$0x6870];
	[tilespmem:s0+$0x440] =	vst v1  }
0x77: {  	v1 =	vld [tilespmem:s8+$0x6840];
	[tilespmem:s0+$0x450] =	vst v2  }
0x78: {  	v2 =	vld [tilespmem:s8+$0x6850];
	[tilespmem:s0+$0x460] =	vst v3;
	s0 =	smov.u32 s8  }
0x79: {  	v3 =	vld [tilespmem:s0+$0x6860]  }
0x7a: {  	_ = 	snop  }
0x7b: {  	[tilespmem:s0+$0x470] =	vst v0  }
0x7c: {  	s30 =	sadd.s32 $0x1, s30;
	[tilespmem:s0+$0x440] =	vst v1  }
0x7d: {  	p0 =	sne.s32 s30, s13;
	[tilespmem:s0+$0x450] =	vst v2  }
.Ltmp4:
0x7e: {  	s31 =	rddreg [dreg:$0x5];
	[tilespmem:s0+$0x460] =	vst v3;
	(pc) =	sbr.rel @p0 .LBB2_1-.Ltmp4, $4  }
0x7f: {  	[hbm4b:s31+s3] =	stream.linear.scatter [tilespmem:s17], [sflag:$0x5], $0x6400, $0x38;
	[tilespmem:$0x19400] =	vst v63  }
0x80: {  	_ =	swait.ge [sflag:s25], $0x6400  }
0x81: {  	[sflag:s25] =	ssyncset.done $0x0  }
0x82: {  	[sflag:s25] =	ssyncadd.s32 $0xFFFF9C00  }
0x83: {  	_ =	sfence.sel $0x180000  }
0x84: {  	[bflag:$0x0] =	sbarrier.arrive $0xFFFF  }
0x85: {  	_ =	strace $0x90000050  }
0x86: {  	s0 =	stileid.u32;
	[bflag:$0x2] =	sbarrier.arrive $0xFFFF  }
0x87: {  	p0 =	sne.s32 s0, $0x0;
	s0 =	rddreg [dreg:$0x2]  }
0x88: {  	s0 =	sadd.s32 @!p0 $0x100000, s0  }
0x89: {  	[sflag:s0] =	ssyncadd.tile.s32 @!p0 $0x1;
	_ =	shalt  }
.Lfunc_end2:
_tile_overlayer_lowered:
.L_overlay_start_2:
0x8a: {  	(tag) =	ssettag $0x2  }
0x8b: {  	s0 =	rddreg [dreg:$0x0];
	s2 =	stileid.u32  }
0x8c: {  	s1 =	rddreg [dreg:$0x1];
	p0 =	sne.s32 s2, $0x0  }
0x8d: {  	s3 =	rddreg [dreg:$0x2];
	[bflag:$0x3] =	sbarrier.arrive $0xFFFF;
	s2 =	simm.s32 @!p0 $0x1C07  }
0x8e: {  	[timem:s3], [sflag:s2] =	dma.local @!p0 [hbm:s0], s1  }
0x8f: {  	s0 =	simm.s32 @!p0 $0x7  }
0x90: {  	_ =	swait.ge @!p0 [sflag:s0], s1  }
0x91: {  	s1 =	ssub.s32 @!p0 $0x0, s1;
	[sflag:s0] =	ssyncset.done @!p0 $0x0  }
0x92: {  	[sflag:s0] =	ssyncadd.s32 @!p0 s1  }
0x93: {  	[bflag:$0x3] =	sbarrier.arrive $0xFFFF  }
0x94: {  	_ =	shalt  }

// kernel: kernel.20.cloned.1.call-start
scs
__scs_entry_jumppad:
0x0: {  	(pc) =	sbr.rel $0x88, $3  }
0x1: {  	(tag) =	ssettag $0x0;
	lr =	simm.s32 $0x1  }
0x2: {  	[smem:$0x3F8D] =	sst lr;
	_ =	strace $0xD0000000  }
0x3: {  	_ = 	snop  }
0x4: {  	_ = 	snop  }
0x5: {  	_ = 	snop  }
0x6: {  	_ = 	snop  }
0x7: {  	_ = 	snop  }
__scs_overlays_trampoline_lowered:
0x8: {  	[smem:$0x3F9C] =	sst s0  }
0x9: {  	[smem:$0x3F9D] =	sst s1  }
0xa: {  	[smem:$0x3F9E] =	sst s2  }
0xb: {  	[smem:$0x3F9F] =	sst s3  }
0xc: {  	[smem:$0x3FA0] =	sst s4  }
0xd: {  	[smem:$0x3FA1] =	sst s5  }
0xe: {  	[smem:$0x3FA2] =	sst s6  }
0xf: {  	[smem:$0x3FA3] =	sst s7  }
0x10: {  	[smem:$0x3FA4] =	sst s8  }
0x11: {  	[smem:$0x3FA5] =	sst s9;
	s0 =	simm.s32 @!p0 $0x0  }
0x12: {  	s1 =	sld [smem:$0x3F8B];
	s0 =	simm.s32 @p0 $0x1  }
0x13: {  	[smem:$0x3FA6] =	sst s0;
	s0 =	simm.s32 @!p1 $0x0  }
0x14: {  	s2 =	sld [smem:$0x3F8A];
	s0 =	simm.s32 @p1 $0x1  }
0x15: {  	[smem:$0x3FA7] =	sst s0;
	s0 =	simm.s32 @!p2 $0x0  }
0x16: {  	s3 =	sld [smem:$0x3FDB];
	s0 =	simm.s32 @p2 $0x1  }
0x17: {  	s4 =	simm.s32 $0x1BF5;
	[smem:$0x3FA9] =	sst s0  }
0x18: {  	s0 =	sld [smem:$0x3F8C];
	_ =	swait.ge [sflag:s4], $0x0  }
0x19: {  	s7 =	sld [smem:$0x3F8D]  }
0x1a: {  	s8 =	sadd.s32 $0xFFFFE003, lr  }
0x1b: {  	s9 =	sadd.s32 $0xFFFFFEF7, lr;
	s5 =	simm.s32 $0xFFFFFFFF;
	p2 =	slt.u32 s8, $0xFFFFF086  }
0x1c: {  	p1 =	slt.u32 s9, $0xF7A;
	s5 =	simm.s32 @!p2 $0x0  }
0x1d: {  	s5 =	simm.s32 @p1 $0x1;
	p0 =	seq.s32 s7, s2  }
0x1e: {  	s7 =	smul.u32 @!p0 $0xF7A, s2;
	p2 =	seq.s32 @!p0 s5, $0x0  }
0x1f: {  	s9 =	smul.u32 $0xF7A, s1;
	s8 =	simm.s32 @!p0 $0x1BF5;
	p2 =	por !p2, p0  }
0x20: {  	[sflag:s8] =	ssyncset.s32 @!p0 $0xFFFFF086;
	s6 =	sadd.s32 @!p0 s3, s7;
	s7 =	simm.s32 @!p0 $0x108  }
0x21: {  	s3 =	sadd.s32 s3, s9;
	s6 =	sadd.s32 @!p0 $0x88, s6;
	s7 =	simm.s32 @p2 $0x1082  }
0x22: {  	[simem:s7], [sflag:s8] =	dma.local @!p0 [hbm:s6], $0xF7A  }
0x23: {  	s9 =	sor.u32 $0xD0000000, s2;
	s6 =	simm.s32 $0x108;
	_ =	swait.ge @!p0 [sflag:s8], $0x0  }
0x24: {  	s3 =	sadd.s32 $0x88, s3;
	s6 =	simm.s32 @!p1 $0x1082;
	[sflag:s4] =	ssyncset.s32 $0xFFFFF086  }
0x25: {  	[simem:s6], [sflag:s4] =	dma.local [hbm:s3], $0xF7A  }
0x26: {  	[smem:$0x3F8D] =	sst s1;
	(tag) =	ssettag s2;
	_ =	strace s9  }
0x27: {  	s1 =	sld [smem:$0x3F9D]  }
0x28: {  	s2 =	sld [smem:$0x3F9E]  }
0x29: {  	s4 =	sld [smem:$0x3FA0]  }
0x2a: {  	p0 =	seq.s32 s5, $0x0;
	s5 =	sld [smem:$0x3FA1]  }
0x2b: {  	s6 =	sld [smem:$0x3FA2]  }
0x2c: {  	s7 =	sld [smem:$0x3FA3]  }
0x2d: {  	s3 =	simm.s32 $0x108;
	s8 =	sld [smem:$0x3FA4]  }
0x2e: {  	s3 =	simm.s32 @!p0 $0x1082;
	s9 =	sld [smem:$0x3FA5]  }
0x2f: {  	lr =	sadd.s32 s0, s3;
	s0 =	sld [smem:$0x3F9C]  }
0x30: {  	s3 =	sld [smem:$0x3F9F]  }
0x31: {  	[smem:$0x3FA8] =	sst s10  }
0x32: {  	s10 =	sld [smem:$0x3FA6];
	_ =	sdelay $0x3  }
0x33: {  	p0 =	seq.s32 s10, $0x1;
	s10 =	sld [smem:$0x3FA8];
	_ =	sdelay $0x3  }
0x34: {  	[smem:$0x3FA8] =	sst s10  }
0x35: {  	s10 =	sld [smem:$0x3FA7];
	_ =	sdelay $0x3  }
0x36: {  	p1 =	seq.s32 s10, $0x1;
	s10 =	sld [smem:$0x3FA8];
	_ =	sdelay $0x3  }
0x37: {  	[smem:$0x3FA8] =	sst s10  }
0x38: {  	s10 =	sld [smem:$0x3FA9]  }
0x39: {  	_ = 	snop;
	(pc) =	sbr.ind lr, $3  }
0x3a: {  	_ = 	snop  }
0x3b: {  	_ = 	snop  }
0x3c: {  	p2 =	seq.s32 s10, $0x1;
	s10 =	sld [smem:$0x3FA8]  }
0x3d: {  	_ =	shalt  }
0x3e: {  	_ =	shalt  }
0x3f: {  	_ =	shalt  }
0x40: {  	_ =	shalt  }
0x41: {  	_ =	shalt  }
0x42: {  	_ =	shalt  }
0x43: {  	_ =	shalt  }
0x44: {  	_ =	shalt  }
0x45: {  	_ =	shalt  }
0x46: {  	_ =	shalt  }
0x47: {  	_ =	shalt  }
0x48: {  	_ =	shalt  }
0x49: {  	_ =	shalt  }
0x4a: {  	_ =	shalt  }
0x4b: {  	_ =	shalt  }
0x4c: {  	_ =	shalt  }
0x4d: {  	_ =	shalt  }
0x4e: {  	_ =	shalt  }
0x4f: {  	_ =	shalt  }
0x50: {  	_ =	shalt  }
0x51: {  	_ =	shalt  }
0x52: {  	_ =	shalt  }
0x53: {  	_ =	shalt  }
0x54: {  	_ =	shalt  }
0x55: {  	_ =	shalt  }
0x56: {  	_ =	shalt  }
0x57: {  	_ =	shalt  }
0x58: {  	_ =	shalt  }
0x59: {  	_ =	shalt  }
0x5a: {  	_ =	shalt  }
0x5b: {  	_ =	shalt  }
0x5c: {  	_ =	shalt  }
0x5d: {  	_ =	shalt  }
0x5e: {  	_ =	shalt  }
0x5f: {  	_ =	shalt  }
0x60: {  	_ =	shalt  }
0x61: {  	_ =	shalt  }
0x62: {  	_ =	shalt  }
0x63: {  	_ =	shalt  }
0x64: {  	_ =	shalt  }
0x65: {  	_ =	shalt  }
0x66: {  	_ =	shalt  }
0x67: {  	_ =	shalt  }
0x68: {  	_ =	shalt  }
0x69: {  	_ =	shalt  }
0x6a: {  	_ =	shalt  }
0x6b: {  	_ =	shalt  }
0x6c: {  	_ =	shalt  }
0x6d: {  	_ =	shalt  }
0x6e: {  	_ =	shalt  }
0x6f: {  	_ =	shalt  }
0x70: {  	_ =	shalt  }
0x71: {  	_ =	shalt  }
0x72: {  	_ =	shalt  }
0x73: {  	_ =	shalt  }
0x74: {  	_ =	shalt  }
0x75: {  	_ =	shalt  }
0x76: {  	_ =	shalt  }
0x77: {  	_ =	shalt  }
0x78: {  	_ =	shalt  }
0x79: {  	_ =	shalt  }
0x7a: {  	_ =	shalt  }
0x7b: {  	_ =	shalt  }
0x7c: {  	_ =	shalt  }
0x7d: {  	_ =	shalt  }
0x7e: {  	_ =	shalt  }
0x7f: {  	_ =	shalt  }
0x80: {  	_ =	shalt  }
0x81: {  	_ =	shalt  }
0x82: {  	_ =	shalt  }
0x83: {  	_ =	shalt  }
0x84: {  	_ =	shalt  }
0x85: {  	_ =	shalt  }
0x86: {  	_ =	shalt  }
0x87: {  	_ =	shalt  }
.Lfunc_end0:
.L_simem_size_0:
called_computation.3_lowered:
.L_overlay_start_0:
0x88: {  	s2 =	sld [smem:$0x3FD9]  }
0x89: {  	s3 =	sld [smem:$0x3FFE];
	_ =	sdelay $0x1  }
0x8a: {  	s1 =	srdreg.scid  }
0x8b: {  	s0 =	sand.u32 $0x1, s1  }
0x8c: {  	s17 =	sshll.u32 s0, $0xA;
	s2 =	sadd.s32 s3, s2  }
0x8d: {  	s2 =	sadd.s32 s2, s17  }
0x8e: {  	[smem:$0x3FB4] =	sst s2  }
0x8f: {  	_ = 	snop  }
0x90: {  	s2 =	sld [smem:$0x3FD0];
	(tm) =	ssettm $0x1  }
0x91: {  	s18 =	sld [smem:$0x3FFB];
	_ =	sdelay $0x3  }
0x92: {  	_ =	strace s18  }
0x93: {  	s3 =	sld [smem:$0x3FFC];
	_ =	sdelay $0x3  }
0x94: {  	_ =	strace s3  }
0x95: {  	s3 =	sld [smem:$0x3FFD];
	_ =	sdelay $0x3  }
0x96: {  	_ =	strace s3  }
0x97: {  	_ =	strace $0x8FFFFFFF  }
0x98: {  	s19 =	sld [smem:$0x3FDB];
	_ =	sdelay $0x1  }
0x99: {  	s4 =	simm.s32 $_scs_section_size  }
0x9a: {  	s5 =	simm.s32 $_size__tile_overlayer_lowered;
	s6 =	simm.s32 $_tile_overlayer_lowered  }
0x9b: {  	s22 =	simm.s32 $0x1BFF;
	s21 =	sshll.u32 s6, $0x1;
	s3 =	sadd.s32 s4, s19  }
0x9c: {  	s7 =	simm.s32 $0x0;
	s20 =	sshll.u32 s5, $0x1;
	s5 =	sadd.s32 s21, s3  }
0x9d: {  	[timem:s7], [sflag:s22] =	dma.local [hbm:s5], s20  }
0x9e: {  	_ =	swait.ge [sflag:s22], s20  }
0x9f: {  	s4 =	ssub.s32 $0x0, s20;
	[sflag:s22] =	ssyncset.done $0x0  }
0xa0: {  	[sflag:s22] =	ssyncadd.s32 s4;
	_ =	sdelay $0x1  }
0xa1: {  	s23 =	simm.s32 $0x1B8B  }
0xa2: {  	_ =	swait.ge [sflag:s23], $0x1  }
0xa3: {  	[sflag:s23] =	ssyncset.done $0x0  }
0xa4: {  	s25 =	simm.s32 $0x1B8E;
	s24 =	sld [smem:$0x3FFE];
	[sflag:s23] =	ssyncadd.s32 $0xFFFFFFFF  }
0xa5: {  	s26 =	simm.s32 $execute0_lowered;
	[smem:$0x3FD2] =	sst s25  }
0xa6: {  	s5 =	sshll.u32 s26, $0x1;
	_ =	strace $0x8000004C;
	[dreg:$0x1] =	wrdreg $0xFFFFFFFF  }
0xa7: {  	s28 =	simm.s32 $_size_execute0_lowered;
	s3 =	sadd.s32 s3, s5;
	[dreg:$0x0] =	wrdreg $0x0  }
0xa8: {  	s5 =	sshll.u32 s28, $0x1;
	[dreg:$0x2] =	wrdreg s3  }
0xa9: {  	[dreg:$0x3] =	wrdreg s5  }
0xaa: {  	[dreg:$0x4] =	wrdreg $0xC0  }
0xab: {  	_ =	task [dreg:s7], $0x5FFFF  }
0xac: {  	[dreg:$0x1] =	wrdreg $0xFFFFFFFF  }
0xad: {  	[dreg:$0x0] =	wrdreg $0x60  }
0xae: {  	[dreg:$0x2] =	wrdreg s2  }
0xaf: {  	[dreg:$0x3] =	wrdreg s24  }
0xb0: {  	[dreg:$0x4] =	wrdreg $0xA  }
0xb1: {  	_ =	task.clear_ibuf [dreg:s7], $0x5FFFF;
	_ =	strace $0x9000004C  }
0xb2: {  	s29 =	simm.s32 $0xA;
	_ =	strace $0x8000004E  }
0xb3: {  	_ =	swait.ge [sflag:s29], $0x1  }
0xb4: {  	[sflag:s29] =	ssyncadd.s32 $0xFFFFFFFF  }
0xb5: {  	_ =	strace $0x9000004E  }
0xb6: {  	_ =	sfence  }
0xb7: {  	s30 =	sld [smem:$0x0];
	_ =	sdelay $0x2  }
0xb8: {  	s31 =	sshll.u32 s1, $0xD;
	s1 =	sshrl.u32 s1, $0x2  }
0xb9: {  	s3 =	sand.u32 $0x4000, s31;
	s1 =	sadd.s32 s1, s30  }
0xba: {  	s0 =	sor.u32 s3, s0;
	s1 =	sshll.u32 s1, $0x11  }
0xbb: {  	s0 =	sor.u32 s1, s0  }
0xbc: {  	s0 =	sadd.s32 $0x8F2B, s0  }
0xbd: {  	[sflag:s0] =	ssyncadd.remote.s32 $0x1  }
0xbe: {  	_ =	sfence.sel $0xFFFF  }
0xbf: {  	[dreg:$0x0] =	wrdreg $0xFFFFFFFF;
	(pc) =	sbr.abs _section_cstart, $3  }
0xc0: {  	[dreg:$0x1] =	wrdreg $0xFFFFFFFF  }
0xc1: {  	_ =	task.clear_ibuf [dreg:s7], $0x2FFFF;
	_ =	strace $0x9FFFFFFF  }
0xc2: {  	(tm) =	ssettm $0x7FFFFFFF  }
0xc3: {  	_ =	shalt  }
tec
execute0_lowered:
.L_overlay_start_1:
0x0: {  	(tag) =	ssettag $0x1  }
0x1: {  	s0 =	srdreg.scid;
	s2 =	rddreg [dreg:$0x0]  }
0x2: {  	s1 =	rddreg [dreg:$0x1];
	s5 =	stileid.u32  }
0x3: {  	s3 =	simm.s32 $0x0;
	s14 =	simm.s32 $0x7;
	s15 =	simm.s32 $0x100  }
0x4: {  	s16 =	simm.s32 $0xC8;
	s17 =	simm.s32 $0x400;
	s18 =	simm.s32 $0x6800  }
0x5: {  	s19 =	simm.s32 $0x200;
	s20 =	simm.s32 $0x300;
	s21 =	simm.s32 $0x1  }
0x6: {  	s22 =	simm.s32 $0x2;
	s23 =	simm.s32 $0xCC00;
	s0 =	sand.u32 $0x1, s0  }
0x7: {  	s28 =	simm.s32 $0x4;
	s29 =	simm.s32 $0x6;
	s4 =	sshll.u32 s0, $0x4  }
0x8: {  	s30 =	simm.s32 $0x0;
	[smem:$0x7FF] =	sst s3;
	s8 =	sor.u32 s5, s4  }
0x9: {  	s6 =	sadd.s32 $0x3C00, s1;
	s0 =	ssub.s32 $0x2, s0;
	s4 =	smul.u32 $0x1388, s8  }
0xa: {  	_ =	strace $0x8000004D;
	s5 =	sadd.s32 $0xDA00, s1;
	s24 =	sshrl.u32 s0, $0x1  }
0xb: {  	s9 =	smul.u32 $0x9C400, s8;
	s8 =	sadd.s32 $0x17800, s1;
	s7 =	sadd.s32 $0x27100, s4  }
0xc: {  	s0 =	ssub.s32 s0, s24;
	s24 =	simm.s32 $0x13000;
	s10 =	sshrl.u32 s7, $0x3  }
0xd: {  	s13 =	smax.u32 s0, $0x1;
	s26 =	sshrl.u32 s9, $0x3;
	s25 =	sadd.s32 s5, s10  }
0xe: {  	s1 =	sadd.s32 s8, s26;
	s31 =	sadd.s32 s6, s10;
	[dreg:$0x3] =	wrdreg s25  }
0xf: {  	s11 =	sadd.s32 $0x27290, s4;
	s1 =	sadd.s32 $0x12C00, s1;
	[dreg:$0x4] =	wrdreg s31  }
0x10: {  	s26 =	simm.s32 $0x3;
	[dreg:$0x5] =	wrdreg s1;
	s25 =	simm.s32 $0x5  }
.LBB2_1:
0x11: {  	s0 =	rddreg [dreg:$0x3]  }
0x12: {  	[tilespmem:s3], [sflag:$0x7] =	stream.linear.gather [hbm4b:s0+s3], $0xC8, $0x38;
	[tilespmem:$0x19400] =	vst v63  }
0x13: {  	_ =	swait.ge [sflag:s14], $0xC8  }
0x14: {  	[sflag:s14] =	ssyncset.done $0x0  }
0x15: {  	s12 =	rddreg [dreg:$0x4];
	[sflag:s14] =	ssyncadd.s32 $0xFFFFFF38  }
0x16: {  	[tilespmem:s15], [sflag:$0x7] =	stream.linear.gather [hbm4b:s12+s3], $0xC8, $0x38;
	[tilespmem:$0x19400] =	vst v63  }
0x17: {  	_ =	swait.ge [sflag:s14], $0xC8  }
0x18: {  	[sflag:s14] =	ssyncset.done $0x0  }
0x19: {  	[sflag:s14] =	ssyncadd.s32 $0xFFFFFF38  }
0x1a: {  	[tilespmem:s17], [sflag:$0x1] =	stream.indirect.gather [hbm4b:s2+s16], $0x80, s3, s16, $0xb8;
	[tilespmem:$0x19400] =	vst v63  }
0x1b: {  	s31 =	simm.s32 $0x0  }
0x1c: {  	[tilespmem:s18], [sflag:$0x2] =	stream.indirect.gather [hbm4b:s2+s16], $0x80, s15, s16, $0xb8;
	[tilespmem:$0x19400] =	vst v63  }
.LBB2_2:
0x1d: {  	s1 =	smul.u32 $0x190, s31;
	_ =	sdelay $0x1  }
0x1e: {  	s0 =	sadd.s32 $0xC8, s1  }
0x1f: {  	s9 =	sadd.s32 s7, s0  }
0x20: {  	s9 =	sshrl.u32 s9, $0x3  }
0x21: {  	s12 =	simm.s32 $0x0;
	s10 =	sadd.s32 s5, s9  }
0x22: {  	[tilespmem:s19], [sflag:$0x7] =	stream.linear.gather [hbm4b:s10+s12], $0xC8, $0x38;
	[tilespmem:$0x19400] =	vst v63  }
0x23: {  	_ =	swait.ge [sflag:s14], $0xC8  }
0x24: {  	[sflag:s14] =	ssyncset.done $0x0  }
0x25: {  	s9 =	sadd.s32 s6, s9;
	[sflag:s14] =	ssyncadd.s32 $0xFFFFFF38  }
0x26: {  	[tilespmem:s20], [sflag:$0x7] =	stream.linear.gather [hbm4b:s9+s12], $0xC8, $0x38;
	[tilespmem:$0x19400] =	vst v63  }
0x27: {  	_ =	swait.ge [sflag:s14], $0xC8  }
0x28: {  	[sflag:s14] =	ssyncset.done $0x0  }
0x29: {  	[sflag:s14] =	ssyncadd.s32 $0xFFFFFF38  }
0x2a: {  	_ =	swait.ge [sflag:s21], $0x6400  }
0x2b: {  	[sflag:s21] =	ssyncset.done $0x0  }
0x2c: {  	[sflag:s21] =	ssyncadd.s32 $0xFFFF9C00  }
0x2d: {  	_ =	swait.ge [sflag:s22], $0x6400  }
0x2e: {  	[sflag:s22] =	ssyncset.done $0x0  }
0x2f: {  	s9 =	simm.s32 $0x0;
	[sflag:s22] =	ssyncadd.s32 $0xFFFF9C00  }
0x30: {  	v1 =	vld [tilespmem:s9+$0x6870]  }
0x31: {  	v2 =	vld [tilespmem:s9+$0x6840]  }
0x32: {  	v0 =	vld [tilespmem:s9+$0x6850]  }
0x33: {  	s10 =	simm.s32 $0x200;
	v3 =	vld [tilespmem:s9+$0x6860]  }
.LBB2_3:
0x34: {  	p0 =	sne.s32 s10, $0x18E00  }
.Ltmp0:
0x35: {  	s12 =	sshra.s32 s10, $0x2;
	s10 =	sadd.s32 $0x200, s10;
	[tilespmem:s9+$0x470] =	vst v1;
	(pc) =	sbr.rel @p0 .LBB2_3-.Ltmp0, $4  }
0x36: {  	v1 =	vld [tilespmem:s12+$0x6870];
	[tilespmem:s9+$0x440] =	vst v2  }
0x37: {  	v2 =	vld [tilespmem:s12+$0x6840];
	[tilespmem:s9+$0x450] =	vst v0  }
0x38: {  	v0 =	vld [tilespmem:s12+$0x6850];
	[tilespmem:s9+$0x460] =	vst v3;
	s9 =	smov.u32 s12  }
0x39: {  	v3 =	vld [tilespmem:s9+$0x6860]  }
0x3a: {  	_ = 	snop  }
0x3b: {  	[tilespmem:s9+$0x470] =	vst v1  }
0x3c: {  	s10 =	sadd.s32 s4, s1;
	[tilespmem:s9+$0x440] =	vst v2  }
0x3d: {  	s10 =	sshll.u32 s10, $0x4;
	[tilespmem:s9+$0x450] =	vst v0  }
0x3e: {  	s12 =	sadd.s32 s8, s10;
	s10 =	simm.s32 $0x0;
	[tilespmem:s9+$0x460] =	vst v3  }
0x3f: {  	[hbm4b:s12+s10] =	stream.linear.scatter [tilespmem:s17], [sflag:$0x5], $0x6400, $0x38;
	[tilespmem:$0x19400] =	vst v63  }
0x40: {  	_ = 	snop  }
0x41: {  	[tilespmem:s23], [sflag:$0x3] =	stream.indirect.gather [hbm4b:s2+s16], $0x80, s19, s16, $0xb8;
	[tilespmem:$0x19400] =	vst v63  }
0x42: {  	_ = 	snop  }
0x43: {  	[tilespmem:s24], [sflag:$0x4] =	stream.indirect.gather [hbm4b:s2+s16], $0x80, s20, s16, $0xb8;
	[tilespmem:$0x19400] =	vst v63  }
0x44: {  	s9 =	sadd.s32 s1, s11;
	_ =	swait.ge [sflag:s25], $0x6400  }
0x45: {  	s1 =	sshrl.u32 s9, $0x3;
	[sflag:s25] =	ssyncset.done $0x0  }
0x46: {  	s12 =	sadd.s32 s5, s1;
	[sflag:s25] =	ssyncadd.s32 $0xFFFF9C00  }
0x47: {  	[tilespmem:s10], [sflag:$0x7] =	stream.linear.gather [hbm4b:s12+s10], $0xC8, $0x38;
	[tilespmem:$0x19400] =	vst v63  }
0x48: {  	_ =	swait.ge [sflag:s14], $0xC8  }
0x49: {  	[sflag:s14] =	ssyncset.done $0x0  }
0x4a: {  	s1 =	sadd.s32 s6, s1;
	[sflag:s14] =	ssyncadd.s32 $0xFFFFFF38  }
0x4b: {  	[tilespmem:s15], [sflag:$0x7] =	stream.linear.gather [hbm4b:s1+s10], $0xC8, $0x38;
	[tilespmem:$0x19400] =	vst v63  }
0x4c: {  	_ =	swait.ge [sflag:s14], $0xC8  }
0x4d: {  	[sflag:s14] =	ssyncset.done $0x0  }
0x4e: {  	[sflag:s14] =	ssyncadd.s32 $0xFFFFFF38  }
0x4f: {  	[tilespmem:s17], [sflag:$0x1] =	stream.indirect.gather [hbm4b:s2+s16], $0x80, s10, s16, $0xb8;
	[tilespmem:$0x19400] =	vst v63  }
0x50: {  	_ = 	snop  }
0x51: {  	[tilespmem:s18], [sflag:$0x2] =	stream.indirect.gather [hbm4b:s2+s16], $0x80, s15, s16, $0xb8;
	[tilespmem:$0x19400] =	vst v63  }
0x52: {  	_ =	swait.ge [sflag:s26], $0x6400  }
0x53: {  	[sflag:s26] =	ssyncset.done $0x0  }
0x54: {  	[sflag:s26] =	ssyncadd.s32 $0xFFFF9C00  }
0x55: {  	_ =	swait.ge [sflag:s28], $0x6400  }
0x56: {  	[sflag:s28] =	ssyncset.done $0x0  }
0x57: {  	s1 =	simm.s32 $0x0;
	[sflag:s28] =	ssyncadd.s32 $0xFFFF9C00  }
0x58: {  	v1 =	vld [tilespmem:s1+$0x13070]  }
0x59: {  	v2 =	vld [tilespmem:s1+$0x13040]  }
0x5a: {  	v0 =	vld [tilespmem:s1+$0x13050]  }
0x5b: {  	s9 =	simm.s32 $0x200;
	v3 =	vld [tilespmem:s1+$0x13060]  }
.LBB2_5:
0x5c: {  	p0 =	sne.s32 s9, $0x18E00  }
.Ltmp1:
0x5d: {  	s10 =	sshra.s32 s9, $0x2;
	s9 =	sadd.s32 $0x200, s9;
	[tilespmem:s1+$0xCC70] =	vst v1;
	(pc) =	sbr.rel @p0 .LBB2_5-.Ltmp1, $4  }
0x5e: {  	v1 =	vld [tilespmem:s10+$0x13070];
	[tilespmem:s1+$0xCC40] =	vst v2  }
0x5f: {  	v2 =	vld [tilespmem:s10+$0x13040];
	[tilespmem:s1+$0xCC50] =	vst v0  }
0x60: {  	v0 =	vld [tilespmem:s10+$0x13050];
	[tilespmem:s1+$0xCC60] =	vst v3;
	s1 =	smov.u32 s10  }
0x61: {  	v3 =	vld [tilespmem:s1+$0x13060]  }
0x62: {  	_ = 	snop  }
0x63: {  	[tilespmem:s1+$0xCC70] =	vst v1  }
0x64: {  	s0 =	sadd.s32 s4, s0;
	s31 =	sadd.s32 $0x1, s31;
	[tilespmem:s1+$0xCC40] =	vst v2  }
0x65: {  	s0 =	sshll.u32 s0, $0x4;
	p0 =	sne.s32 s31, $0xC;
	[tilespmem:s1+$0xCC50] =	vst v0  }
.Ltmp2:
0x66: {  	s0 =	sadd.s32 s8, s0;
	[tilespmem:s1+$0xCC60] =	vst v3;
	(pc) =	sbr.rel @p0 .LBB2_2-.Ltmp2, $4  }
0x67: {  	[hbm4b:s0+s3] =	stream.linear.scatter [tilespmem:s23], [sflag:$0x6], $0x6400, $0x38;
	[tilespmem:$0x19400] =	vst v63  }
0x68: {  	_ =	swait.ge [sflag:s29], $0x6400  }
0x69: {  	[sflag:s29] =	ssyncset.done $0x0  }
0x6a: {  	[sflag:s29] =	ssyncadd.s32 $0xFFFF9C00  }
0x6b: {  	_ =	swait.ge [sflag:s21], $0x6400  }
0x6c: {  	[sflag:s21] =	ssyncset.done $0x0  }
0x6d: {  	[sflag:s21] =	ssyncadd.s32 $0xFFFF9C00  }
0x6e: {  	_ =	swait.ge [sflag:s22], $0x6400  }
0x6f: {  	[sflag:s22] =	ssyncset.done $0x0  }
0x70: {  	s0 =	simm.s32 $0x0;
	[sflag:s22] =	ssyncadd.s32 $0xFFFF9C00  }
0x71: {  	v0 =	vld [tilespmem:s0+$0x6870]  }
0x72: {  	v1 =	vld [tilespmem:s0+$0x6840]  }
0x73: {  	v2 =	vld [tilespmem:s0+$0x6850]  }
0x74: {  	s1 =	simm.s32 $0x200;
	v3 =	vld [tilespmem:s0+$0x6860]  }
.LBB2_8:
0x75: {  	p0 =	sne.s32 s1, $0x18E00  }
.Ltmp3:
0x76: {  	s9 =	sshra.s32 s1, $0x2;
	s1 =	sadd.s32 $0x200, s1;
	[tilespmem:s0+$0x470] =	vst v0;
	(pc) =	sbr.rel @p0 .LBB2_8-.Ltmp3, $4  }
0x77: {  	v0 =	vld [tilespmem:s9+$0x6870];
	[tilespmem:s0+$0x440] =	vst v1  }
0x78: {  	v1 =	vld [tilespmem:s9+$0x6840];
	[tilespmem:s0+$0x450] =	vst v2  }
0x79: {  	v2 =	vld [tilespmem:s9+$0x6850];
	[tilespmem:s0+$0x460] =	vst v3;
	s0 =	smov.u32 s9  }
0x7a: {  	v3 =	vld [tilespmem:s0+$0x6860]  }
0x7b: {  	_ = 	snop  }
0x7c: {  	[tilespmem:s0+$0x470] =	vst v0  }
0x7d: {  	s30 =	sadd.s32 $0x1, s30;
	[tilespmem:s0+$0x440] =	vst v1  }
0x7e: {  	p0 =	sne.s32 s30, s13;
	[tilespmem:s0+$0x450] =	vst v2  }
.Ltmp4:
0x7f: {  	s31 =	rddreg [dreg:$0x5];
	[tilespmem:s0+$0x460] =	vst v3;
	(pc) =	sbr.rel @p0 .LBB2_1-.Ltmp4, $4  }
0x80: {  	[hbm4b:s31+s3] =	stream.linear.scatter [tilespmem:s17], [sflag:$0x5], $0x6400, $0x38;
	[tilespmem:$0x19400] =	vst v63  }
0x81: {  	_ =	swait.ge [sflag:s25], $0x6400  }
0x82: {  	[sflag:s25] =	ssyncset.done $0x0  }
0x83: {  	[sflag:s25] =	ssyncadd.s32 $0xFFFF9C00  }
0x84: {  	_ =	sfence.sel $0x180000  }
0x85: {  	[bflag:$0x0] =	sbarrier.arrive $0xFFFF  }
0x86: {  	_ =	strace $0x9000004D  }
0x87: {  	s0 =	stileid.u32;
	[bflag:$0x2] =	sbarrier.arrive $0xFFFF  }
0x88: {  	p0 =	sne.s32 s0, $0x0;
	s0 =	rddreg [dreg:$0x2]  }
0x89: {  	s0 =	sadd.s32 @!p0 $0x100000, s0  }
0x8a: {  	[sflag:s0] =	ssyncadd.tile.s32 @!p0 $0x1;
	_ =	shalt  }
.Lfunc_end2:
_tile_overlayer_lowered:
.L_overlay_start_2:
0x8b: {  	(tag) =	ssettag $0x2  }
0x8c: {  	s0 =	rddreg [dreg:$0x0];
	s2 =	stileid.u32  }
0x8d: {  	s1 =	rddreg [dreg:$0x1];
	p0 =	sne.s32 s2, $0x0  }
0x8e: {  	s3 =	rddreg [dreg:$0x2];
	[bflag:$0x3] =	sbarrier.arrive $0xFFFF;
	s2 =	simm.s32 @!p0 $0x1C07  }
0x8f: {  	[timem:s3], [sflag:s2] =	dma.local @!p0 [hbm:s0], s1  }
0x90: {  	s0 =	simm.s32 @!p0 $0x7  }
0x91: {  	_ =	swait.ge @!p0 [sflag:s0], s1  }
0x92: {  	s1 =	ssub.s32 @!p0 $0x0, s1;
	[sflag:s0] =	ssyncset.done @!p0 $0x0  }
0x93: {  	[sflag:s0] =	ssyncadd.s32 @!p0 s1  }
0x94: {  	[bflag:$0x3] =	sbarrier.arrive $0xFFFF  }
0x95: {  	_ =	shalt  }

</sc_bundles>
